<compile_context>
chip_gen: v7x
topology: tpu7x:2x2x1
jax: 0.10.2.dev20260603
libtpu: 0.0.44.dev20260713+nightly
codegen_flags: <defaults>
</compile_context>

<pallas_src>
import functools

import jax
import jax.numpy as jnp
from jax import lax
from jax.experimental import pallas as pl
from jax.experimental.pallas import tpu as pltpu
from jax.experimental.pallas import tpu_sc as plsc

D = 1024
B = 16384
NC = 2
NS = 16
NW = NC * NS
CHUNK = 16
PER_W = B // NW
NCHUNK = PER_W // CHUNK
NBUF = 6
G = 2
NPAIR = NBUF // G


def _make_emb():
    mesh = plsc.VectorSubcoreMesh(core_axis_name="c", subcore_axis_name="s")

    @functools.partial(
        pl.kernel,
        mesh=mesh,
        out_type=jax.ShapeDtypeStruct((NW * NCHUNK, CHUNK, D), jnp.float32),
        scratch_types=(
            [pltpu.VMEM((NCHUNK, CHUNK), jnp.int32),
             pltpu.VMEM((NBUF, CHUNK, D), jnp.float32)]
            + [pltpu.SemaphoreType.DMA] * (NBUF + NPAIR)
        ),
    )
    def emb(ids_hbm, table_hbm, out_hbm, idx_v, rows_all, *sems):
        gsem = sems[:NBUF]
        psem = sems[NBUF:]
        wid = lax.axis_index("s") * NC + lax.axis_index("c")
        pltpu.sync_copy(ids_hbm.at[pl.ds(wid * NCHUNK, NCHUNK)], idx_v)

        g = [None] * NBUF
        ps = [None] * NPAIR
        out_base = wid * NCHUNK

        for j in range(NBUF - G):
            g[j] = pltpu.async_copy(table_hbm.at[idx_v.at[j]],
                                    rows_all.at[j], gsem[j])
        for j in range(NCHUNK):
            b = j % NBUF
            jn = j + NBUF - G
            if jn < NCHUNK:
                nb = jn % NBUF
                q = nb // G
                if ps[q] is not None:
                    ps[q].wait()
                    ps[q] = None
                g[nb] = pltpu.async_copy(
                    table_hbm.at[idx_v.at[jn]], rows_all.at[nb], gsem[nb])
            g[b].wait()
            if j % G == G - 1:
                pb = b // G
                ps[pb] = pltpu.async_copy(
                    rows_all.at[pl.ds(G * pb, G)],
                    out_hbm.at[pl.ds(out_base + j - G + 1, G)], psem[pb])
        for pb in range(NPAIR):
            if ps[pb] is not None:
                ps[pb].wait()

    return emb


_emb = _make_emb()


@jax.jit
def kernel(input_ids, table):
    ids = input_ids.reshape(NW * NCHUNK, CHUNK).astype(jnp.int32)
    out = _emb(ids, table)
    return out.reshape(input_ids.shape + (D,))

# --- scband reference (transcript-rebuilt; emitter-appended) ---
"""Pipeline reference for scband-wildkatze-token-embedding-85452669321798 (READ-ONLY COPY).

The authoritative reference and input builder live on the scoring server;
editing this copy changes nothing except your own understanding.
"""

import jax, jax.numpy as jnp
import numpy as np

VOCAB_SIZE = 100000
HIDDEN_SIZE = 1024
PADDING_IDX = 0


def setup_inputs(seed: int = 0) -> dict:
    key = jax.random.key(seed)
    k1, k2 = jax.random.split(key)
    input_ids = jax.random.randint(k1, (4, 4096), 0, VOCAB_SIZE, dtype=jnp.int64) if jax.config.jax_enable_x64 else jax.random.randint(k1, (4, 4096), 0, VOCAB_SIZE, dtype=jnp.int32)
    # nn.Embedding default init: N(0,1); padding_idx row zeroed at init
    table = jax.random.normal(k2, (VOCAB_SIZE, HIDDEN_SIZE), dtype=jnp.float32)
    table = table.at[PADDING_IDX].set(0.0)
    return {"input_ids": input_ids, "table": table}


def reference(input_ids, table):
    # Faithful to nn.Embedding forward with padding_idx: row at padding_idx is zero
    t = table.at[PADDING_IDX].set(0.0)
    return jnp.take(t, input_ids, axis=0)

if __name__ == "__main__":
    import jax
    _d = setup_inputs()
    print(jax.jit(kernel)(*tuple(_d.values())))

</pallas_src>

<mosaic_0001>
#map = affine_map<(d0, d1) -> (0, 0)>
#map1 = affine_map<(d0, d1) -> (0, 0, 0)>
module attributes {stable_mosaic.version = 14 : i64} {
  func.func @emb(%arg0: i32, %arg1: i32, %arg2: memref<1024x16xi32, #tpu.memory_space<hbm>>, %arg3: memref<100000x1024xf32, #tpu.memory_space<hbm>>, %arg4: memref<1024x16x1024xf32, #tpu.memory_space<hbm>>, %arg5: memref<32x16xi32, #tpu.memory_space<vmem>>, %arg6: memref<6x16x1024xf32, #tpu.memory_space<vmem>>, %arg7: memref<!tpu.dma_semaphore, #tpu.memory_space<semaphore_mem>>, %arg8: memref<!tpu.dma_semaphore, #tpu.memory_space<semaphore_mem>>, %arg9: memref<!tpu.dma_semaphore, #tpu.memory_space<semaphore_mem>>, %arg10: memref<!tpu.dma_semaphore, #tpu.memory_space<semaphore_mem>>, %arg11: memref<!tpu.dma_semaphore, #tpu.memory_space<semaphore_mem>>, %arg12: memref<!tpu.dma_semaphore, #tpu.memory_space<semaphore_mem>>, %arg13: memref<!tpu.dma_semaphore, #tpu.memory_space<semaphore_mem>>, %arg14: memref<!tpu.dma_semaphore, #tpu.memory_space<semaphore_mem>>, %arg15: memref<!tpu.dma_semaphore, #tpu.memory_space<semaphore_mem>>) attributes {dimension_semantics = [#tpu.dimension_semantics<core_parallel>, #tpu.dimension_semantics<subcore_parallel>], iteration_bounds = array<i64: 2, 16>, scalar_prefetch = 0 : i64, scratch_operands = 11 : i64, tpu.core_type = #tpu.core_type<sc_vector_subcore>, window_params = [{transform_indices = #map}, {transform_indices = #map}, {transform_indices = #map1}]} {
    %mul3A = arith.constant 2 : i32
    %mul3A_0 = arith.muli %arg1, %mul3A : i32
    %add3A = arith.addi %mul3A_0, %arg0 : i32
    %mul3A_1 = arith.constant 32 : i32
    %mul3A_2 = arith.muli %add3A, %mul3A_1 : i32
    "tpu.region"() ({
      %run_scoped3A = tpu.sem_alloc : memref<!tpu.dma_semaphore, #tpu.memory_space<semaphore_mem>>
      %dma_start3A_1314 = arith.constant 0 : i32
      %dma_start3A_1315 = tpu.memref_slice %arg2[%mul3A_2, %dma_start3A_1314] : memref<1024x16xi32, #tpu.memory_space<hbm>> -> memref<32x16xi32, #tpu.memory_space<hbm>>
      %dma_start3A_1316 = arith.constant 0 : i32
      %dma_start3A_1317 = tpu.memref_slice %arg2[%mul3A_2, %dma_start3A_1316] : memref<1024x16xi32, #tpu.memory_space<hbm>> -> memref<32x16xi32, #tpu.memory_space<hbm>>
      tpu.enqueue_dma source(%dma_start3A_1317 : memref<32x16xi32, #tpu.memory_space<hbm>>) target(%arg5 : memref<32x16xi32, #tpu.memory_space<vmem>>) target_semaphore(%run_scoped3A : memref<!tpu.dma_semaphore, #tpu.memory_space<semaphore_mem>>)
      %dma_wait3A_1318 = arith.constant 0 : i32
      %dma_wait3A_1319 = tpu.memref_slice %arg2[%mul3A_2, %dma_wait3A_1318] : memref<1024x16xi32, #tpu.memory_space<hbm>> -> memref<32x16xi32, #tpu.memory_space<hbm>>
      %dma_wait3A_1320 = arith.constant 0 : i32
      %dma_wait3A_1321 = tpu.memref_slice %arg2[%mul3A_2, %dma_wait3A_1320] : memref<1024x16xi32, #tpu.memory_space<hbm>> -> memref<32x16xi32, #tpu.memory_space<hbm>>
      tpu.wait_dma2 semaphore(%run_scoped3A : memref<!tpu.dma_semaphore, #tpu.memory_space<semaphore_mem>>) src(%dma_wait3A_1321 : memref<32x16xi32, #tpu.memory_space<hbm>>) dst(%arg5 : memref<32x16xi32, #tpu.memory_space<vmem>>)
      tpu.yield
    }) : () -> ()
    %mul3A_3 = arith.constant 32 : i32
    %mul3A_4 = arith.muli %add3A, %mul3A_3 : i32
    %dma_start3A = arith.constant 0 : i32
    %dma_start3A_5 = arith.constant 0 : i32
    %dma_start3A_6 = arith.constant 0 : i32
    %dma_start3A_7 = arith.constant 0 : i32
    %dma_start3A_8 = tpu.memref_slice %arg6[%dma_start3A_5, %dma_start3A_6, %dma_start3A_7] : memref<6x16x1024xf32, #tpu.memory_space<vmem>> -> memref<1x16x1024xf32, #tpu.memory_space<vmem>>
    %dma_start3A_9 = tpu.memref_squeeze %dma_start3A_8 : memref<1x16x1024xf32, #tpu.memory_space<vmem>> -> memref<16x1024xf32, #tpu.memory_space<vmem>>
    %dma_start3A_10 = arith.constant 0 : i32
    %dma_start3A_11 = tpu.memref_slice %arg5[%dma_start3A, %dma_start3A_10] : memref<32x16xi32, #tpu.memory_space<vmem>> -> memref<1x16xi32, #tpu.memory_space<vmem>>
    %dma_start3A_12 = tpu.memref_squeeze %dma_start3A_11 : memref<1x16xi32, #tpu.memory_space<vmem>> -> memref<16xi32, #tpu.memory_space<vmem>>
    %dma_start3A_13 = arith.constant 0 : i32
    %dma_start3A_14 = arith.constant 0 : i32
    %dma_start3A_15 = tpu.memref_slice %arg3[%dma_start3A_13, %dma_start3A_14] : memref<100000x1024xf32, #tpu.memory_space<hbm>> -> memref<100000x1024xf32, #tpu.memory_space<hbm>>
    tpu.enqueue_indirect_dma source(%dma_start3A_15 : memref<100000x1024xf32, #tpu.memory_space<hbm>>) target(%dma_start3A_9 : memref<16x1024xf32, #tpu.memory_space<vmem>>) offsets(%dma_start3A_12 : memref<16xi32, #tpu.memory_space<vmem>>) semaphore(%arg7 : memref<!tpu.dma_semaphore, #tpu.memory_space<semaphore_mem>>)
    %dma_start3A_16 = arith.constant 1 : i32
    %dma_start3A_17 = arith.constant 1 : i32
    %dma_start3A_18 = arith.constant 0 : i32
    %dma_start3A_19 = arith.constant 0 : i32
    %dma_start3A_20 = tpu.memref_slice %arg6[%dma_start3A_17, %dma_start3A_18, %dma_start3A_19] : memref<6x16x1024xf32, #tpu.memory_space<vmem>> -> memref<1x16x1024xf32, #tpu.memory_space<vmem>>
    %dma_start3A_21 = tpu.memref_squeeze %dma_start3A_20 : memref<1x16x1024xf32, #tpu.memory_space<vmem>> -> memref<16x1024xf32, #tpu.memory_space<vmem>>
    %dma_start3A_22 = arith.constant 0 : i32
    %dma_start3A_23 = tpu.memref_slice %arg5[%dma_start3A_16, %dma_start3A_22] : memref<32x16xi32, #tpu.memory_space<vmem>> -> memref<1x16xi32, #tpu.memory_space<vmem>>
    %dma_start3A_24 = tpu.memref_squeeze %dma_start3A_23 : memref<1x16xi32, #tpu.memory_space<vmem>> -> memref<16xi32, #tpu.memory_space<vmem>>
    %dma_start3A_25 = arith.constant 0 : i32
    %dma_start3A_26 = arith.constant 0 : i32
    %dma_start3A_27 = tpu.memref_slice %arg3[%dma_start3A_25, %dma_start3A_26] : memref<100000x1024xf32, #tpu.memory_space<hbm>> -> memref<100000x1024xf32, #tpu.memory_space<hbm>>
    tpu.enqueue_indirect_dma source(%dma_start3A_27 : memref<100000x1024xf32, #tpu.memory_space<hbm>>) target(%dma_start3A_21 : memref<16x1024xf32, #tpu.memory_space<vmem>>) offsets(%dma_start3A_24 : memref<16xi32, #tpu.memory_space<vmem>>) semaphore(%arg8 : memref<!tpu.dma_semaphore, #tpu.memory_space<semaphore_mem>>)
    %dma_start3A_28 = arith.constant 2 : i32
    %dma_start3A_29 = arith.constant 2 : i32
    %dma_start3A_30 = arith.constant 0 : i32
    %dma_start3A_31 = arith.constant 0 : i32
    %dma_start3A_32 = tpu.memref_slice %arg6[%dma_start3A_29, %dma_start3A_30, %dma_start3A_31] : memref<6x16x1024xf32, #tpu.memory_space<vmem>> -> memref<1x16x1024xf32, #tpu.memory_space<vmem>>
    %dma_start3A_33 = tpu.memref_squeeze %dma_start3A_32 : memref<1x16x1024xf32, #tpu.memory_space<vmem>> -> memref<16x1024xf32, #tpu.memory_space<vmem>>
    %dma_start3A_34 = arith.constant 0 : i32
    %dma_start3A_35 = tpu.memref_slice %arg5[%dma_start3A_28, %dma_start3A_34] : memref<32x16xi32, #tpu.memory_space<vmem>> -> memref<1x16xi32, #tpu.memory_space<vmem>>
    %dma_start3A_36 = tpu.memref_squeeze %dma_start3A_35 : memref<1x16xi32, #tpu.memory_space<vmem>> -> memref<16xi32, #tpu.memory_space<vmem>>
    %dma_start3A_37 = arith.constant 0 : i32
    %dma_start3A_38 = arith.constant 0 : i32
    %dma_start3A_39 = tpu.memref_slice %arg3[%dma_start3A_37, %dma_start3A_38] : memref<100000x1024xf32, #tpu.memory_space<hbm>> -> memref<100000x1024xf32, #tpu.memory_space<hbm>>
    tpu.enqueue_indirect_dma source(%dma_start3A_39 : memref<100000x1024xf32, #tpu.memory_space<hbm>>) target(%dma_start3A_33 : memref<16x1024xf32, #tpu.memory_space<vmem>>) offsets(%dma_start3A_36 : memref<16xi32, #tpu.memory_space<vmem>>) semaphore(%arg9 : memref<!tpu.dma_semaphore, #tpu.memory_space<semaphore_mem>>)
    %dma_start3A_40 = arith.constant 3 : i32
    %dma_start3A_41 = arith.constant 3 : i32
    %dma_start3A_42 = arith.constant 0 : i32
    %dma_start3A_43 = arith.constant 0 : i32
    %dma_start3A_44 = tpu.memref_slice %arg6[%dma_start3A_41, %dma_start3A_42, %dma_start3A_43] : memref<6x16x1024xf32, #tpu.memory_space<vmem>> -> memref<1x16x1024xf32, #tpu.memory_space<vmem>>
    %dma_start3A_45 = tpu.memref_squeeze %dma_start3A_44 : memref<1x16x1024xf32, #tpu.memory_space<vmem>> -> memref<16x1024xf32, #tpu.memory_space<vmem>>
    %dma_start3A_46 = arith.constant 0 : i32
    %dma_start3A_47 = tpu.memref_slice %arg5[%dma_start3A_40, %dma_start3A_46] : memref<32x16xi32, #tpu.memory_space<vmem>> -> memref<1x16xi32, #tpu.memory_space<vmem>>
    %dma_start3A_48 = tpu.memref_squeeze %dma_start3A_47 : memref<1x16xi32, #tpu.memory_space<vmem>> -> memref<16xi32, #tpu.memory_space<vmem>>
    %dma_start3A_49 = arith.constant 0 : i32
    %dma_start3A_50 = arith.constant 0 : i32
    %dma_start3A_51 = tpu.memref_slice %arg3[%dma_start3A_49, %dma_start3A_50] : memref<100000x1024xf32, #tpu.memory_space<hbm>> -> memref<100000x1024xf32, #tpu.memory_space<hbm>>
    tpu.enqueue_indirect_dma source(%dma_start3A_51 : memref<100000x1024xf32, #tpu.memory_space<hbm>>) target(%dma_start3A_45 : memref<16x1024xf32, #tpu.memory_space<vmem>>) offsets(%dma_start3A_48 : memref<16xi32, #tpu.memory_space<vmem>>) semaphore(%arg10 : memref<!tpu.dma_semaphore, #tpu.memory_space<semaphore_mem>>)
    %dma_start3A_52 = arith.constant 4 : i32
    %dma_start3A_53 = arith.constant 4 : i32
    %dma_start3A_54 = arith.constant 0 : i32
    %dma_start3A_55 = arith.constant 0 : i32
    %dma_start3A_56 = tpu.memref_slice %arg6[%dma_start3A_53, %dma_start3A_54, %dma_start3A_55] : memref<6x16x1024xf32, #tpu.memory_space<vmem>> -> memref<1x16x1024xf32, #tpu.memory_space<vmem>>
    %dma_start3A_57 = tpu.memref_squeeze %dma_start3A_56 : memref<1x16x1024xf32, #tpu.memory_space<vmem>> -> memref<16x1024xf32, #tpu.memory_space<vmem>>
    %dma_start3A_58 = arith.constant 0 : i32
    %dma_start3A_59 = tpu.memref_slice %arg5[%dma_start3A_52, %dma_start3A_58] : memref<32x16xi32, #tpu.memory_space<vmem>> -> memref<1x16xi32, #tpu.memory_space<vmem>>
    %dma_start3A_60 = tpu.memref_squeeze %dma_start3A_59 : memref<1x16xi32, #tpu.memory_space<vmem>> -> memref<16xi32, #tpu.memory_space<vmem>>
    %dma_start3A_61 = arith.constant 0 : i32
    %dma_start3A_62 = arith.constant 0 : i32
    %dma_start3A_63 = tpu.memref_slice %arg3[%dma_start3A_61, %dma_start3A_62] : memref<100000x1024xf32, #tpu.memory_space<hbm>> -> memref<100000x1024xf32, #tpu.memory_space<hbm>>
    tpu.enqueue_indirect_dma source(%dma_start3A_63 : memref<100000x1024xf32, #tpu.memory_space<hbm>>) target(%dma_start3A_57 : memref<16x1024xf32, #tpu.memory_space<vmem>>) offsets(%dma_start3A_60 : memref<16xi32, #tpu.memory_space<vmem>>) semaphore(%arg11 : memref<!tpu.dma_semaphore, #tpu.memory_space<semaphore_mem>>)
    %dma_wait3A = arith.constant 0 : i32
    %dma_wait3A_64 = arith.constant 0 : i32
    %dma_wait3A_65 = arith.constant 0 : i32
    %dma_wait3A_66 = arith.constant 0 : i32
    %dma_wait3A_67 = tpu.memref_slice %arg6[%dma_wait3A_64, %dma_wait3A_65, %dma_wait3A_66] : memref<6x16x1024xf32, #tpu.memory_space<vmem>> -> memref<1x16x1024xf32, #tpu.memory_space<vmem>>
    %dma_wait3A_68 = tpu.memref_squeeze %dma_wait3A_67 : memref<1x16x1024xf32, #tpu.memory_space<vmem>> -> memref<16x1024xf32, #tpu.memory_space<vmem>>
    %dma_wait3A_69 = arith.constant 0 : i32
    %dma_wait3A_70 = tpu.memref_slice %arg5[%dma_wait3A, %dma_wait3A_69] : memref<32x16xi32, #tpu.memory_space<vmem>> -> memref<1x16xi32, #tpu.memory_space<vmem>>
    %dma_wait3A_71 = tpu.memref_squeeze %dma_wait3A_70 : memref<1x16xi32, #tpu.memory_space<vmem>> -> memref<16xi32, #tpu.memory_space<vmem>>
    %dma_wait3A_72 = arith.constant 0 : i32
    %dma_wait3A_73 = arith.constant 0 : i32
    %dma_wait3A_74 = tpu.memref_slice %arg3[%dma_wait3A_72, %dma_wait3A_73] : memref<100000x1024xf32, #tpu.memory_space<hbm>> -> memref<100000x1024xf32, #tpu.memory_space<hbm>>
    tpu.wait_indirect_dma semaphore(%arg7 : memref<!tpu.dma_semaphore, #tpu.memory_space<semaphore_mem>>) src(%dma_wait3A_74 : memref<100000x1024xf32, #tpu.memory_space<hbm>>) dst(%dma_wait3A_68 : memref<16x1024xf32, #tpu.memory_space<vmem>>)
    %dma_start3A_75 = arith.constant 5 : i32
    %dma_start3A_76 = arith.constant 5 : i32
    %dma_start3A_77 = arith.constant 0 : i32
    %dma_start3A_78 = arith.constant 0 : i32
    %dma_start3A_79 = tpu.memref_slice %arg6[%dma_start3A_76, %dma_start3A_77, %dma_start3A_78] : memref<6x16x1024xf32, #tpu.memory_space<vmem>> -> memref<1x16x1024xf32, #tpu.memory_space<vmem>>
    %dma_start3A_80 = tpu.memref_squeeze %dma_start3A_79 : memref<1x16x1024xf32, #tpu.memory_space<vmem>> -> memref<16x1024xf32, #tpu.memory_space<vmem>>
    %dma_start3A_81 = arith.constant 0 : i32
    %dma_start3A_82 = tpu.memref_slice %arg5[%dma_start3A_75, %dma_start3A_81] : memref<32x16xi32, #tpu.memory_space<vmem>> -> memref<1x16xi32, #tpu.memory_space<vmem>>
    %dma_start3A_83 = tpu.memref_squeeze %dma_start3A_82 : memref<1x16xi32, #tpu.memory_space<vmem>> -> memref<16xi32, #tpu.memory_space<vmem>>
    %dma_start3A_84 = arith.constant 0 : i32
    %dma_start3A_85 = arith.constant 0 : i32
    %dma_start3A_86 = tpu.memref_slice %arg3[%dma_start3A_84, %dma_start3A_85] : memref<100000x1024xf32, #tpu.memory_space<hbm>> -> memref<100000x1024xf32, #tpu.memory_space<hbm>>
    tpu.enqueue_indirect_dma source(%dma_start3A_86 : memref<100000x1024xf32, #tpu.memory_space<hbm>>) target(%dma_start3A_80 : memref<16x1024xf32, #tpu.memory_space<vmem>>) offsets(%dma_start3A_83 : memref<16xi32, #tpu.memory_space<vmem>>) semaphore(%arg12 : memref<!tpu.dma_semaphore, #tpu.memory_space<semaphore_mem>>)
    %dma_wait3A_87 = arith.constant 1 : i32
    %dma_wait3A_88 = arith.constant 1 : i32
    %dma_wait3A_89 = arith.constant 0 : i32
    %dma_wait3A_90 = arith.constant 0 : i32
    %dma_wait3A_91 = tpu.memref_slice %arg6[%dma_wait3A_88, %dma_wait3A_89, %dma_wait3A_90] : memref<6x16x1024xf32, #tpu.memory_space<vmem>> -> memref<1x16x1024xf32, #tpu.memory_space<vmem>>
    %dma_wait3A_92 = tpu.memref_squeeze %dma_wait3A_91 : memref<1x16x1024xf32, #tpu.memory_space<vmem>> -> memref<16x1024xf32, #tpu.memory_space<vmem>>
    %dma_wait3A_93 = arith.constant 0 : i32
    %dma_wait3A_94 = tpu.memref_slice %arg5[%dma_wait3A_87, %dma_wait3A_93] : memref<32x16xi32, #tpu.memory_space<vmem>> -> memref<1x16xi32, #tpu.memory_space<vmem>>
    %dma_wait3A_95 = tpu.memref_squeeze %dma_wait3A_94 : memref<1x16xi32, #tpu.memory_space<vmem>> -> memref<16xi32, #tpu.memory_space<vmem>>
    %dma_wait3A_96 = arith.constant 0 : i32
    %dma_wait3A_97 = arith.constant 0 : i32
    %dma_wait3A_98 = tpu.memref_slice %arg3[%dma_wait3A_96, %dma_wait3A_97] : memref<100000x1024xf32, #tpu.memory_space<hbm>> -> memref<100000x1024xf32, #tpu.memory_space<hbm>>
    tpu.wait_indirect_dma semaphore(%arg8 : memref<!tpu.dma_semaphore, #tpu.memory_space<semaphore_mem>>) src(%dma_wait3A_98 : memref<100000x1024xf32, #tpu.memory_space<hbm>>) dst(%dma_wait3A_92 : memref<16x1024xf32, #tpu.memory_space<vmem>>)
    %add3A_99 = arith.constant 1 : i32
    %add3A_100 = arith.addi %mul3A_4, %add3A_99 : i32
    %sub3A = arith.constant 2 : i32
    %sub3A_101 = arith.subi %add3A_100, %sub3A : i32
    %add3A_102 = arith.constant 1 : i32
    %add3A_103 = arith.addi %sub3A_101, %add3A_102 : i32
    %dma_start3A_104 = arith.constant 0 : i32
    %dma_start3A_105 = arith.constant 0 : i32
    %dma_start3A_106 = arith.constant 0 : i32
    %dma_start3A_107 = tpu.memref_slice %arg6[%dma_start3A_104, %dma_start3A_105, %dma_start3A_106] : memref<6x16x1024xf32, #tpu.memory_space<vmem>> -> memref<2x16x1024xf32, #tpu.memory_space<vmem>>
    %dma_start3A_108 = arith.constant 0 : i32
    %dma_start3A_109 = arith.constant 0 : i32
    %dma_start3A_110 = tpu.memref_slice %arg4[%add3A_103, %dma_start3A_108, %dma_start3A_109] : memref<1024x16x1024xf32, #tpu.memory_space<hbm>> -> memref<2x16x1024xf32, #tpu.memory_space<hbm>>
    %dma_start3A_111 = arith.constant 0 : i32
    %dma_start3A_112 = arith.constant 0 : i32
    %dma_start3A_113 = tpu.memref_slice %arg4[%add3A_103, %dma_start3A_111, %dma_start3A_112] : memref<1024x16x1024xf32, #tpu.memory_space<hbm>> -> memref<2x16x1024xf32, #tpu.memory_space<hbm>>
    %dma_start3A_114 = arith.constant 0 : i32
    %dma_start3A_115 = arith.constant 0 : i32
    %dma_start3A_116 = arith.constant 0 : i32
    %dma_start3A_117 = tpu.memref_slice %arg6[%dma_start3A_114, %dma_start3A_115, %dma_start3A_116] : memref<6x16x1024xf32, #tpu.memory_space<vmem>> -> memref<2x16x1024xf32, #tpu.memory_space<vmem>>
    tpu.enqueue_dma source(%dma_start3A_117 : memref<2x16x1024xf32, #tpu.memory_space<vmem>>) target(%dma_start3A_113 : memref<2x16x1024xf32, #tpu.memory_space<hbm>>) target_semaphore(%arg13 : memref<!tpu.dma_semaphore, #tpu.memory_space<semaphore_mem>>)
    %dma_wait3A_118 = arith.constant 0 : i32
    %dma_wait3A_119 = arith.constant 0 : i32
    %dma_wait3A_120 = arith.constant 0 : i32
    %dma_wait3A_121 = tpu.memref_slice %arg6[%dma_wait3A_118, %dma_wait3A_119, %dma_wait3A_120] : memref<6x16x1024xf32, #tpu.memory_space<vmem>> -> memref<2x16x1024xf32, #tpu.memory_space<vmem>>
    %dma_wait3A_122 = arith.constant 0 : i32
    %dma_wait3A_123 = arith.constant 0 : i32
    %dma_wait3A_124 = tpu.memref_slice %arg4[%add3A_103, %dma_wait3A_122, %dma_wait3A_123] : memref<1024x16x1024xf32, #tpu.memory_space<hbm>> -> memref<2x16x1024xf32, #tpu.memory_space<hbm>>
    %dma_wait3A_125 = arith.constant 0 : i32
    %dma_wait3A_126 = arith.constant 0 : i32
    %dma_wait3A_127 = tpu.memref_slice %arg4[%add3A_103, %dma_wait3A_125, %dma_wait3A_126] : memref<1024x16x1024xf32, #tpu.memory_space<hbm>> -> memref<2x16x1024xf32, #tpu.memory_space<hbm>>
    %dma_wait3A_128 = arith.constant 0 : i32
    %dma_wait3A_129 = arith.constant 0 : i32
    %dma_wait3A_130 = arith.constant 0 : i32
    %dma_wait3A_131 = tpu.memref_slice %arg6[%dma_wait3A_128, %dma_wait3A_129, %dma_wait3A_130] : memref<6x16x1024xf32, #tpu.memory_space<vmem>> -> memref<2x16x1024xf32, #tpu.memory_space<vmem>>
    tpu.wait_dma2 semaphore(%arg13 : memref<!tpu.dma_semaphore, #tpu.memory_space<semaphore_mem>>) src(%dma_wait3A_131 : memref<2x16x1024xf32, #tpu.memory_space<vmem>>) dst(%dma_wait3A_127 : memref<2x16x1024xf32, #tpu.memory_space<hbm>>)
    %dma_start3A_132 = arith.constant 6 : i32
    %dma_start3A_133 = arith.constant 0 : i32
    %dma_start3A_134 = arith.constant 0 : i32
    %dma_start3A_135 = arith.constant 0 : i32
    %dma_start3A_136 = tpu.memref_slice %arg6[%dma_start3A_133, %dma_start3A_134, %dma_start3A_135] : memref<6x16x1024xf32, #tpu.memory_space<vmem>> -> memref<1x16x1024xf32, #tpu.memory_space<vmem>>
    %dma_start3A_137 = tpu.memref_squeeze %dma_start3A_136 : memref<1x16x1024xf32, #tpu.memory_space<vmem>> -> memref<16x1024xf32, #tpu.memory_space<vmem>>
    %dma_start3A_138 = arith.constant 0 : i32
    %dma_start3A_139 = tpu.memref_slice %arg5[%dma_start3A_132, %dma_start3A_138] : memref<32x16xi32, #tpu.memory_space<vmem>> -> memref<1x16xi32, #tpu.memory_space<vmem>>
    %dma_start3A_140 = tpu.memref_squeeze %dma_start3A_139 : memref<1x16xi32, #tpu.memory_space<vmem>> -> memref<16xi32, #tpu.memory_space<vmem>>
    %dma_start3A_141 = arith.constant 0 : i32
    %dma_start3A_142 = arith.constant 0 : i32
    %dma_start3A_143 = tpu.memref_slice %arg3[%dma_start3A_141, %dma_start3A_142] : memref<100000x1024xf32, #tpu.memory_space<hbm>> -> memref<100000x1024xf32, #tpu.memory_space<hbm>>
    tpu.enqueue_indirect_dma source(%dma_start3A_143 : memref<100000x1024xf32, #tpu.memory_space<hbm>>) target(%dma_start3A_137 : memref<16x1024xf32, #tpu.memory_space<vmem>>) offsets(%dma_start3A_140 : memref<16xi32, #tpu.memory_space<vmem>>) semaphore(%arg7 : memref<!tpu.dma_semaphore, #tpu.memory_space<semaphore_mem>>)
    %dma_wait3A_144 = arith.constant 2 : i32
    %dma_wait3A_145 = arith.constant 2 : i32
    %dma_wait3A_146 = arith.constant 0 : i32
    %dma_wait3A_147 = arith.constant 0 : i32
    %dma_wait3A_148 = tpu.memref_slice %arg6[%dma_wait3A_145, %dma_wait3A_146, %dma_wait3A_147] : memref<6x16x1024xf32, #tpu.memory_space<vmem>> -> memref<1x16x1024xf32, #tpu.memory_space<vmem>>
    %dma_wait3A_149 = tpu.memref_squeeze %dma_wait3A_148 : memref<1x16x1024xf32, #tpu.memory_space<vmem>> -> memref<16x1024xf32, #tpu.memory_space<vmem>>
    %dma_wait3A_150 = arith.constant 0 : i32
    %dma_wait3A_151 = tpu.memref_slice %arg5[%dma_wait3A_144, %dma_wait3A_150] : memref<32x16xi32, #tpu.memory_space<vmem>> -> memref<1x16xi32, #tpu.memory_space<vmem>>
    %dma_wait3A_152 = tpu.memref_squeeze %dma_wait3A_151 : memref<1x16xi32, #tpu.memory_space<vmem>> -> memref<16xi32, #tpu.memory_space<vmem>>
    %dma_wait3A_153 = arith.constant 0 : i32
    %dma_wait3A_154 = arith.constant 0 : i32
    %dma_wait3A_155 = tpu.memref_slice %arg3[%dma_wait3A_153, %dma_wait3A_154] : memref<100000x1024xf32, #tpu.memory_space<hbm>> -> memref<100000x1024xf32, #tpu.memory_space<hbm>>
    tpu.wait_indirect_dma semaphore(%arg9 : memref<!tpu.dma_semaphore, #tpu.memory_space<semaphore_mem>>) src(%dma_wait3A_155 : memref<100000x1024xf32, #tpu.memory_space<hbm>>) dst(%dma_wait3A_149 : memref<16x1024xf32, #tpu.memory_space<vmem>>)
    %dma_start3A_156 = arith.constant 7 : i32
    %dma_start3A_157 = arith.constant 1 : i32
    %dma_start3A_158 = arith.constant 0 : i32
    %dma_start3A_159 = arith.constant 0 : i32
    %dma_start3A_160 = tpu.memref_slice %arg6[%dma_start3A_157, %dma_start3A_158, %dma_start3A_159] : memref<6x16x1024xf32, #tpu.memory_space<vmem>> -> memref<1x16x1024xf32, #tpu.memory_space<vmem>>
    %dma_start3A_161 = tpu.memref_squeeze %dma_start3A_160 : memref<1x16x1024xf32, #tpu.memory_space<vmem>> -> memref<16x1024xf32, #tpu.memory_space<vmem>>
    %dma_start3A_162 = arith.constant 0 : i32
    %dma_start3A_163 = tpu.memref_slice %arg5[%dma_start3A_156, %dma_start3A_162] : memref<32x16xi32, #tpu.memory_space<vmem>> -> memref<1x16xi32, #tpu.memory_space<vmem>>
    %dma_start3A_164 = tpu.memref_squeeze %dma_start3A_163 : memref<1x16xi32, #tpu.memory_space<vmem>> -> memref<16xi32, #tpu.memory_space<vmem>>
    %dma_start3A_165 = arith.constant 0 : i32
    %dma_start3A_166 = arith.constant 0 : i32
    %dma_start3A_167 = tpu.memref_slice %arg3[%dma_start3A_165, %dma_start3A_166] : memref<100000x1024xf32, #tpu.memory_space<hbm>> -> memref<100000x1024xf32, #tpu.memory_space<hbm>>
    tpu.enqueue_indirect_dma source(%dma_start3A_167 : memref<100000x1024xf32, #tpu.memory_space<hbm>>) target(%dma_start3A_161 : memref<16x1024xf32, #tpu.memory_space<vmem>>) offsets(%dma_start3A_164 : memref<16xi32, #tpu.memory_space<vmem>>) semaphore(%arg8 : memref<!tpu.dma_semaphore, #tpu.memory_space<semaphore_mem>>)
    %dma_wait3A_168 = arith.constant 3 : i32
    %dma_wait3A_169 = arith.constant 3 : i32
    %dma_wait3A_170 = arith.constant 0 : i32
    %dma_wait3A_171 = arith.constant 0 : i32
    %dma_wait3A_172 = tpu.memref_slice %arg6[%dma_wait3A_169, %dma_wait3A_170, %dma_wait3A_171] : memref<6x16x1024xf32, #tpu.memory_space<vmem>> -> memref<1x16x1024xf32, #tpu.memory_space<vmem>>
    %dma_wait3A_173 = tpu.memref_squeeze %dma_wait3A_172 : memref<1x16x1024xf32, #tpu.memory_space<vmem>> -> memref<16x1024xf32, #tpu.memory_space<vmem>>
    %dma_wait3A_174 = arith.constant 0 : i32
    %dma_wait3A_175 = tpu.memref_slice %arg5[%dma_wait3A_168, %dma_wait3A_174] : memref<32x16xi32, #tpu.memory_space<vmem>> -> memref<1x16xi32, #tpu.memory_space<vmem>>
    %dma_wait3A_176 = tpu.memref_squeeze %dma_wait3A_175 : memref<1x16xi32, #tpu.memory_space<vmem>> -> memref<16xi32, #tpu.memory_space<vmem>>
    %dma_wait3A_177 = arith.constant 0 : i32
    %dma_wait3A_178 = arith.constant 0 : i32
    %dma_wait3A_179 = tpu.memref_slice %arg3[%dma_wait3A_177, %dma_wait3A_178] : memref<100000x1024xf32, #tpu.memory_space<hbm>> -> memref<100000x1024xf32, #tpu.memory_space<hbm>>
    tpu.wait_indirect_dma semaphore(%arg10 : memref<!tpu.dma_semaphore, #tpu.memory_space<semaphore_mem>>) src(%dma_wait3A_179 : memref<100000x1024xf32, #tpu.memory_space<hbm>>) dst(%dma_wait3A_173 : memref<16x1024xf32, #tpu.memory_space<vmem>>)
    %add3A_180 = arith.constant 3 : i32
    %add3A_181 = arith.addi %mul3A_4, %add3A_180 : i32
    %sub3A_182 = arith.constant 2 : i32
    %sub3A_183 = arith.subi %add3A_181, %sub3A_182 : i32
    %add3A_184 = arith.constant 1 : i32
    %add3A_185 = arith.addi %sub3A_183, %add3A_184 : i32
    %dma_start3A_186 = arith.constant 2 : i32
    %dma_start3A_187 = arith.constant 0 : i32
    %dma_start3A_188 = arith.constant 0 : i32
    %dma_start3A_189 = tpu.memref_slice %arg6[%dma_start3A_186, %dma_start3A_187, %dma_start3A_188] : memref<6x16x1024xf32, #tpu.memory_space<vmem>> -> memref<2x16x1024xf32, #tpu.memory_space<vmem>>
    %dma_start3A_190 = arith.constant 0 : i32
    %dma_start3A_191 = arith.constant 0 : i32
    %dma_start3A_192 = tpu.memref_slice %arg4[%add3A_185, %dma_start3A_190, %dma_start3A_191] : memref<1024x16x1024xf32, #tpu.memory_space<hbm>> -> memref<2x16x1024xf32, #tpu.memory_space<hbm>>
    %dma_start3A_193 = arith.constant 0 : i32
    %dma_start3A_194 = arith.constant 0 : i32
    %dma_start3A_195 = tpu.memref_slice %arg4[%add3A_185, %dma_start3A_193, %dma_start3A_194] : memref<1024x16x1024xf32, #tpu.memory_space<hbm>> -> memref<2x16x1024xf32, #tpu.memory_space<hbm>>
    %dma_start3A_196 = arith.constant 2 : i32
    %dma_start3A_197 = arith.constant 0 : i32
    %dma_start3A_198 = arith.constant 0 : i32
    %dma_start3A_199 = tpu.memref_slice %arg6[%dma_start3A_196, %dma_start3A_197, %dma_start3A_198] : memref<6x16x1024xf32, #tpu.memory_space<vmem>> -> memref<2x16x1024xf32, #tpu.memory_space<vmem>>
    tpu.enqueue_dma source(%dma_start3A_199 : memref<2x16x1024xf32, #tpu.memory_space<vmem>>) target(%dma_start3A_195 : memref<2x16x1024xf32, #tpu.memory_space<hbm>>) target_semaphore(%arg14 : memref<!tpu.dma_semaphore, #tpu.memory_space<semaphore_mem>>)
    %dma_wait3A_200 = arith.constant 2 : i32
    %dma_wait3A_201 = arith.constant 0 : i32
    %dma_wait3A_202 = arith.constant 0 : i32
    %dma_wait3A_203 = tpu.memref_slice %arg6[%dma_wait3A_200, %dma_wait3A_201, %dma_wait3A_202] : memref<6x16x1024xf32, #tpu.memory_space<vmem>> -> memref<2x16x1024xf32, #tpu.memory_space<vmem>>
    %dma_wait3A_204 = arith.constant 0 : i32
    %dma_wait3A_205 = arith.constant 0 : i32
    %dma_wait3A_206 = tpu.memref_slice %arg4[%add3A_185, %dma_wait3A_204, %dma_wait3A_205] : memref<1024x16x1024xf32, #tpu.memory_space<hbm>> -> memref<2x16x1024xf32, #tpu.memory_space<hbm>>
    %dma_wait3A_207 = arith.constant 0 : i32
    %dma_wait3A_208 = arith.constant 0 : i32
    %dma_wait3A_209 = tpu.memref_slice %arg4[%add3A_185, %dma_wait3A_207, %dma_wait3A_208] : memref<1024x16x1024xf32, #tpu.memory_space<hbm>> -> memref<2x16x1024xf32, #tpu.memory_space<hbm>>
    %dma_wait3A_210 = arith.constant 2 : i32
    %dma_wait3A_211 = arith.constant 0 : i32
    %dma_wait3A_212 = arith.constant 0 : i32
    %dma_wait3A_213 = tpu.memref_slice %arg6[%dma_wait3A_210, %dma_wait3A_211, %dma_wait3A_212] : memref<6x16x1024xf32, #tpu.memory_space<vmem>> -> memref<2x16x1024xf32, #tpu.memory_space<vmem>>
    tpu.wait_dma2 semaphore(%arg14 : memref<!tpu.dma_semaphore, #tpu.memory_space<semaphore_mem>>) src(%dma_wait3A_213 : memref<2x16x1024xf32, #tpu.memory_space<vmem>>) dst(%dma_wait3A_209 : memref<2x16x1024xf32, #tpu.memory_space<hbm>>)
    %dma_start3A_214 = arith.constant 8 : i32
    %dma_start3A_215 = arith.constant 2 : i32
    %dma_start3A_216 = arith.constant 0 : i32
    %dma_start3A_217 = arith.constant 0 : i32
    %dma_start3A_218 = tpu.memref_slice %arg6[%dma_start3A_215, %dma_start3A_216, %dma_start3A_217] : memref<6x16x1024xf32, #tpu.memory_space<vmem>> -> memref<1x16x1024xf32, #tpu.memory_space<vmem>>
    %dma_start3A_219 = tpu.memref_squeeze %dma_start3A_218 : memref<1x16x1024xf32, #tpu.memory_space<vmem>> -> memref<16x1024xf32, #tpu.memory_space<vmem>>
    %dma_start3A_220 = arith.constant 0 : i32
    %dma_start3A_221 = tpu.memref_slice %arg5[%dma_start3A_214, %dma_start3A_220] : memref<32x16xi32, #tpu.memory_space<vmem>> -> memref<1x16xi32, #tpu.memory_space<vmem>>
    %dma_start3A_222 = tpu.memref_squeeze %dma_start3A_221 : memref<1x16xi32, #tpu.memory_space<vmem>> -> memref<16xi32, #tpu.memory_space<vmem>>
    %dma_start3A_223 = arith.constant 0 : i32
    %dma_start3A_224 = arith.constant 0 : i32
    %dma_start3A_225 = tpu.memref_slice %arg3[%dma_start3A_223, %dma_start3A_224] : memref<100000x1024xf32, #tpu.memory_space<hbm>> -> memref<100000x1024xf32, #tpu.memory_space<hbm>>
    tpu.enqueue_indirect_dma source(%dma_start3A_225 : memref<100000x1024xf32, #tpu.memory_space<hbm>>) target(%dma_start3A_219 : memref<16x1024xf32, #tpu.memory_space<vmem>>) offsets(%dma_start3A_222 : memref<16xi32, #tpu.memory_space<vmem>>) semaphore(%arg9 : memref<!tpu.dma_semaphore, #tpu.memory_space<semaphore_mem>>)
    %dma_wait3A_226 = arith.constant 4 : i32
    %dma_wait3A_227 = arith.constant 4 : i32
    %dma_wait3A_228 = arith.constant 0 : i32
    %dma_wait3A_229 = arith.constant 0 : i32
    %dma_wait3A_230 = tpu.memref_slice %arg6[%dma_wait3A_227, %dma_wait3A_228, %dma_wait3A_229] : memref<6x16x1024xf32, #tpu.memory_space<vmem>> -> memref<1x16x1024xf32, #tpu.memory_space<vmem>>
    %dma_wait3A_231 = tpu.memref_squeeze %dma_wait3A_230 : memref<1x16x1024xf32, #tpu.memory_space<vmem>> -> memref<16x1024xf32, #tpu.memory_space<vmem>>
    %dma_wait3A_232 = arith.constant 0 : i32
    %dma_wait3A_233 = tpu.memref_slice %arg5[%dma_wait3A_226, %dma_wait3A_232] : memref<32x16xi32, #tpu.memory_space<vmem>> -> memref<1x16xi32, #tpu.memory_space<vmem>>
    %dma_wait3A_234 = tpu.memref_squeeze %dma_wait3A_233 : memref<1x16xi32, #tpu.memory_space<vmem>> -> memref<16xi32, #tpu.memory_space<vmem>>
    %dma_wait3A_235 = arith.constant 0 : i32
    %dma_wait3A_236 = arith.constant 0 : i32
    %dma_wait3A_237 = tpu.memref_slice %arg3[%dma_wait3A_235, %dma_wait3A_236] : memref<100000x1024xf32, #tpu.memory_space<hbm>> -> memref<100000x1024xf32, #tpu.memory_space<hbm>>
    tpu.wait_indirect_dma semaphore(%arg11 : memref<!tpu.dma_semaphore, #tpu.memory_space<semaphore_mem>>) src(%dma_wait3A_237 : memref<100000x1024xf32, #tpu.memory_space<hbm>>) dst(%dma_wait3A_231 : memref<16x1024xf32, #tpu.memory_space<vmem>>)
    %dma_start3A_238 = arith.constant 9 : i32
    %dma_start3A_239 = arith.constant 3 : i32
    %dma_start3A_240 = arith.constant 0 : i32
    %dma_start3A_241 = arith.constant 0 : i32
    %dma_start3A_242 = tpu.memref_slice %arg6[%dma_start3A_239, %dma_start3A_240, %dma_start3A_241] : memref<6x16x1024xf32, #tpu.memory_space<vmem>> -> memref<1x16x1024xf32, #tpu.memory_space<vmem>>
    %dma_start3A_243 = tpu.memref_squeeze %dma_start3A_242 : memref<1x16x1024xf32, #tpu.memory_space<vmem>> -> memref<16x1024xf32, #tpu.memory_space<vmem>>
    %dma_start3A_244 = arith.constant 0 : i32
    %dma_start3A_245 = tpu.memref_slice %arg5[%dma_start3A_238, %dma_start3A_244] : memref<32x16xi32, #tpu.memory_space<vmem>> -> memref<1x16xi32, #tpu.memory_space<vmem>>
    %dma_start3A_246 = tpu.memref_squeeze %dma_start3A_245 : memref<1x16xi32, #tpu.memory_space<vmem>> -> memref<16xi32, #tpu.memory_space<vmem>>
    %dma_start3A_247 = arith.constant 0 : i32
    %dma_start3A_248 = arith.constant 0 : i32
    %dma_start3A_249 = tpu.memref_slice %arg3[%dma_start3A_247, %dma_start3A_248] : memref<100000x1024xf32, #tpu.memory_space<hbm>> -> memref<100000x1024xf32, #tpu.memory_space<hbm>>
    tpu.enqueue_indirect_dma source(%dma_start3A_249 : memref<100000x1024xf32, #tpu.memory_space<hbm>>) target(%dma_start3A_243 : memref<16x1024xf32, #tpu.memory_space<vmem>>) offsets(%dma_start3A_246 : memref<16xi32, #tpu.memory_space<vmem>>) semaphore(%arg10 : memref<!tpu.dma_semaphore, #tpu.memory_space<semaphore_mem>>)
    %dma_wait3A_250 = arith.constant 5 : i32
    %dma_wait3A_251 = arith.constant 5 : i32
    %dma_wait3A_252 = arith.constant 0 : i32
    %dma_wait3A_253 = arith.constant 0 : i32
    %dma_wait3A_254 = tpu.memref_slice %arg6[%dma_wait3A_251, %dma_wait3A_252, %dma_wait3A_253] : memref<6x16x1024xf32, #tpu.memory_space<vmem>> -> memref<1x16x1024xf32, #tpu.memory_space<vmem>>
    %dma_wait3A_255 = tpu.memref_squeeze %dma_wait3A_254 : memref<1x16x1024xf32, #tpu.memory_space<vmem>> -> memref<16x1024xf32, #tpu.memory_space<vmem>>
    %dma_wait3A_256 = arith.constant 0 : i32
    %dma_wait3A_257 = tpu.memref_slice %arg5[%dma_wait3A_250, %dma_wait3A_256] : memref<32x16xi32, #tpu.memory_space<vmem>> -> memref<1x16xi32, #tpu.memory_space<vmem>>
    %dma_wait3A_258 = tpu.memref_squeeze %dma_wait3A_257 : memref<1x16xi32, #tpu.memory_space<vmem>> -> memref<16xi32, #tpu.memory_space<vmem>>
    %dma_wait3A_259 = arith.constant 0 : i32
    %dma_wait3A_260 = arith.constant 0 : i32
    %dma_wait3A_261 = tpu.memref_slice %arg3[%dma_wait3A_259, %dma_wait3A_260] : memref<100000x1024xf32, #tpu.memory_space<hbm>> -> memref<100000x1024xf32, #tpu.memory_space<hbm>>
    tpu.wait_indirect_dma semaphore(%arg12 : memref<!tpu.dma_semaphore, #tpu.memory_space<semaphore_mem>>) src(%dma_wait3A_261 : memref<100000x1024xf32, #tpu.memory_space<hbm>>) dst(%dma_wait3A_255 : memref<16x1024xf32, #tpu.memory_space<vmem>>)
    %add3A_262 = arith.constant 5 : i32
    %add3A_263 = arith.addi %mul3A_4, %add3A_262 : i32
    %sub3A_264 = arith.constant 2 : i32
    %sub3A_265 = arith.subi %add3A_263, %sub3A_264 : i32
    %add3A_266 = arith.constant 1 : i32
    %add3A_267 = arith.addi %sub3A_265, %add3A_266 : i32
    %dma_start3A_268 = arith.constant 4 : i32
    %dma_start3A_269 = arith.constant 0 : i32
    %dma_start3A_270 = arith.constant 0 : i32
    %dma_start3A_271 = tpu.memref_slice %arg6[%dma_start3A_268, %dma_start3A_269, %dma_start3A_270] : memref<6x16x1024xf32, #tpu.memory_space<vmem>> -> memref<2x16x1024xf32, #tpu.memory_space<vmem>>
    %dma_start3A_272 = arith.constant 0 : i32
    %dma_start3A_273 = arith.constant 0 : i32
    %dma_start3A_274 = tpu.memref_slice %arg4[%add3A_267, %dma_start3A_272, %dma_start3A_273] : memref<1024x16x1024xf32, #tpu.memory_space<hbm>> -> memref<2x16x1024xf32, #tpu.memory_space<hbm>>
    %dma_start3A_275 = arith.constant 0 : i32
    %dma_start3A_276 = arith.constant 0 : i32
    %dma_start3A_277 = tpu.memref_slice %arg4[%add3A_267, %dma_start3A_275, %dma_start3A_276] : memref<1024x16x1024xf32, #tpu.memory_space<hbm>> -> memref<2x16x1024xf32, #tpu.memory_space<hbm>>
    %dma_start3A_278 = arith.constant 4 : i32
    %dma_start3A_279 = arith.constant 0 : i32
    %dma_start3A_280 = arith.constant 0 : i32
    %dma_start3A_281 = tpu.memref_slice %arg6[%dma_start3A_278, %dma_start3A_279, %dma_start3A_280] : memref<6x16x1024xf32, #tpu.memory_space<vmem>> -> memref<2x16x1024xf32, #tpu.memory_space<vmem>>
    tpu.enqueue_dma source(%dma_start3A_281 : memref<2x16x1024xf32, #tpu.memory_space<vmem>>) target(%dma_start3A_277 : memref<2x16x1024xf32, #tpu.memory_space<hbm>>) target_semaphore(%arg15 : memref<!tpu.dma_semaphore, #tpu.memory_space<semaphore_mem>>)
    %dma_wait3A_282 = arith.constant 4 : i32
    %dma_wait3A_283 = arith.constant 0 : i32
    %dma_wait3A_284 = arith.constant 0 : i32
    %dma_wait3A_285 = tpu.memref_slice %arg6[%dma_wait3A_282, %dma_wait3A_283, %dma_wait3A_284] : memref<6x16x1024xf32, #tpu.memory_space<vmem>> -> memref<2x16x1024xf32, #tpu.memory_space<vmem>>
    %dma_wait3A_286 = arith.constant 0 : i32
    %dma_wait3A_287 = arith.constant 0 : i32
    %dma_wait3A_288 = tpu.memref_slice %arg4[%add3A_267, %dma_wait3A_286, %dma_wait3A_287] : memref<1024x16x1024xf32, #tpu.memory_space<hbm>> -> memref<2x16x1024xf32, #tpu.memory_space<hbm>>
    %dma_wait3A_289 = arith.constant 0 : i32
    %dma_wait3A_290 = arith.constant 0 : i32
    %dma_wait3A_291 = tpu.memref_slice %arg4[%add3A_267, %dma_wait3A_289, %dma_wait3A_290] : memref<1024x16x1024xf32, #tpu.memory_space<hbm>> -> memref<2x16x1024xf32, #tpu.memory_space<hbm>>
    %dma_wait3A_292 = arith.constant 4 : i32
    %dma_wait3A_293 = arith.constant 0 : i32
    %dma_wait3A_294 = arith.constant 0 : i32
    %dma_wait3A_295 = tpu.memref_slice %arg6[%dma_wait3A_292, %dma_wait3A_293, %dma_wait3A_294] : memref<6x16x1024xf32, #tpu.memory_space<vmem>> -> memref<2x16x1024xf32, #tpu.memory_space<vmem>>
    tpu.wait_dma2 semaphore(%arg15 : memref<!tpu.dma_semaphore, #tpu.memory_space<semaphore_mem>>) src(%dma_wait3A_295 : memref<2x16x1024xf32, #tpu.memory_space<vmem>>) dst(%dma_wait3A_291 : memref<2x16x1024xf32, #tpu.memory_space<hbm>>)
    %dma_start3A_296 = arith.constant 10 : i32
    %dma_start3A_297 = arith.constant 4 : i32
    %dma_start3A_298 = arith.constant 0 : i32
    %dma_start3A_299 = arith.constant 0 : i32
    %dma_start3A_300 = tpu.memref_slice %arg6[%dma_start3A_297, %dma_start3A_298, %dma_start3A_299] : memref<6x16x1024xf32, #tpu.memory_space<vmem>> -> memref<1x16x1024xf32, #tpu.memory_space<vmem>>
    %dma_start3A_301 = tpu.memref_squeeze %dma_start3A_300 : memref<1x16x1024xf32, #tpu.memory_space<vmem>> -> memref<16x1024xf32, #tpu.memory_space<vmem>>
    %dma_start3A_302 = arith.constant 0 : i32
    %dma_start3A_303 = tpu.memref_slice %arg5[%dma_start3A_296, %dma_start3A_302] : memref<32x16xi32, #tpu.memory_space<vmem>> -> memref<1x16xi32, #tpu.memory_space<vmem>>
    %dma_start3A_304 = tpu.memref_squeeze %dma_start3A_303 : memref<1x16xi32, #tpu.memory_space<vmem>> -> memref<16xi32, #tpu.memory_space<vmem>>
    %dma_start3A_305 = arith.constant 0 : i32
    %dma_start3A_306 = arith.constant 0 : i32
    %dma_start3A_307 = tpu.memref_slice %arg3[%dma_start3A_305, %dma_start3A_306] : memref<100000x1024xf32, #tpu.memory_space<hbm>> -> memref<100000x1024xf32, #tpu.memory_space<hbm>>
    tpu.enqueue_indirect_dma source(%dma_start3A_307 : memref<100000x1024xf32, #tpu.memory_space<hbm>>) target(%dma_start3A_301 : memref<16x1024xf32, #tpu.memory_space<vmem>>) offsets(%dma_start3A_304 : memref<16xi32, #tpu.memory_space<vmem>>) semaphore(%arg11 : memref<!tpu.dma_semaphore, #tpu.memory_space<semaphore_mem>>)
    %dma_wait3A_308 = arith.constant 6 : i32
    %dma_wait3A_309 = arith.constant 0 : i32
    %dma_wait3A_310 = arith.constant 0 : i32
    %dma_wait3A_311 = arith.constant 0 : i32
    %dma_wait3A_312 = tpu.memref_slice %arg6[%dma_wait3A_309, %dma_wait3A_310, %dma_wait3A_311] : memref<6x16x1024xf32, #tpu.memory_space<vmem>> -> memref<1x16x1024xf32, #tpu.memory_space<vmem>>
    %dma_wait3A_313 = tpu.memref_squeeze %dma_wait3A_312 : memref<1x16x1024xf32, #tpu.memory_space<vmem>> -> memref<16x1024xf32, #tpu.memory_space<vmem>>
    %dma_wait3A_314 = arith.constant 0 : i32
    %dma_wait3A_315 = tpu.memref_slice %arg5[%dma_wait3A_308, %dma_wait3A_314] : memref<32x16xi32, #tpu.memory_space<vmem>> -> memref<1x16xi32, #tpu.memory_space<vmem>>
    %dma_wait3A_316 = tpu.memref_squeeze %dma_wait3A_315 : memref<1x16xi32, #tpu.memory_space<vmem>> -> memref<16xi32, #tpu.memory_space<vmem>>
    %dma_wait3A_317 = arith.constant 0 : i32
    %dma_wait3A_318 = arith.constant 0 : i32
    %dma_wait3A_319 = tpu.memref_slice %arg3[%dma_wait3A_317, %dma_wait3A_318] : memref<100000x1024xf32, #tpu.memory_space<hbm>> -> memref<100000x1024xf32, #tpu.memory_space<hbm>>
    tpu.wait_indirect_dma semaphore(%arg7 : memref<!tpu.dma_semaphore, #tpu.memory_space<semaphore_mem>>) src(%dma_wait3A_319 : memref<100000x1024xf32, #tpu.memory_space<hbm>>) dst(%dma_wait3A_313 : memref<16x1024xf32, #tpu.memory_space<vmem>>)
    %dma_start3A_320 = arith.constant 11 : i32
    %dma_start3A_321 = arith.constant 5 : i32
    %dma_start3A_322 = arith.constant 0 : i32
    %dma_start3A_323 = arith.constant 0 : i32
    %dma_start3A_324 = tpu.memref_slice %arg6[%dma_start3A_321, %dma_start3A_322, %dma_start3A_323] : memref<6x16x1024xf32, #tpu.memory_space<vmem>> -> memref<1x16x1024xf32, #tpu.memory_space<vmem>>
    %dma_start3A_325 = tpu.memref_squeeze %dma_start3A_324 : memref<1x16x1024xf32, #tpu.memory_space<vmem>> -> memref<16x1024xf32, #tpu.memory_space<vmem>>
    %dma_start3A_326 = arith.constant 0 : i32
    %dma_start3A_327 = tpu.memref_slice %arg5[%dma_start3A_320, %dma_start3A_326] : memref<32x16xi32, #tpu.memory_space<vmem>> -> memref<1x16xi32, #tpu.memory_space<vmem>>
    %dma_start3A_328 = tpu.memref_squeeze %dma_start3A_327 : memref<1x16xi32, #tpu.memory_space<vmem>> -> memref<16xi32, #tpu.memory_space<vmem>>
    %dma_start3A_329 = arith.constant 0 : i32
    %dma_start3A_330 = arith.constant 0 : i32
    %dma_start3A_331 = tpu.memref_slice %arg3[%dma_start3A_329, %dma_start3A_330] : memref<100000x1024xf32, #tpu.memory_space<hbm>> -> memref<100000x1024xf32, #tpu.memory_space<hbm>>
    tpu.enqueue_indirect_dma source(%dma_start3A_331 : memref<100000x1024xf32, #tpu.memory_space<hbm>>) target(%dma_start3A_325 : memref<16x1024xf32, #tpu.memory_space<vmem>>) offsets(%dma_start3A_328 : memref<16xi32, #tpu.memory_space<vmem>>) semaphore(%arg12 : memref<!tpu.dma_semaphore, #tpu.memory_space<semaphore_mem>>)
    %dma_wait3A_332 = arith.constant 7 : i32
    %dma_wait3A_333 = arith.constant 1 : i32
    %dma_wait3A_334 = arith.constant 0 : i32
    %dma_wait3A_335 = arith.constant 0 : i32
    %dma_wait3A_336 = tpu.memref_slice %arg6[%dma_wait3A_333, %dma_wait3A_334, %dma_wait3A_335] : memref<6x16x1024xf32, #tpu.memory_space<vmem>> -> memref<1x16x1024xf32, #tpu.memory_space<vmem>>
    %dma_wait3A_337 = tpu.memref_squeeze %dma_wait3A_336 : memref<1x16x1024xf32, #tpu.memory_space<vmem>> -> memref<16x1024xf32, #tpu.memory_space<vmem>>
    %dma_wait3A_338 = arith.constant 0 : i32
    %dma_wait3A_339 = tpu.memref_slice %arg5[%dma_wait3A_332, %dma_wait3A_338] : memref<32x16xi32, #tpu.memory_space<vmem>> -> memref<1x16xi32, #tpu.memory_space<vmem>>
    %dma_wait3A_340 = tpu.memref_squeeze %dma_wait3A_339 : memref<1x16xi32, #tpu.memory_space<vmem>> -> memref<16xi32, #tpu.memory_space<vmem>>
    %dma_wait3A_341 = arith.constant 0 : i32
    %dma_wait3A_342 = arith.constant 0 : i32
    %dma_wait3A_343 = tpu.memref_slice %arg3[%dma_wait3A_341, %dma_wait3A_342] : memref<100000x1024xf32, #tpu.memory_space<hbm>> -> memref<100000x1024xf32, #tpu.memory_space<hbm>>
    tpu.wait_indirect_dma semaphore(%arg8 : memref<!tpu.dma_semaphore, #tpu.memory_space<semaphore_mem>>) src(%dma_wait3A_343 : memref<100000x1024xf32, #tpu.memory_space<hbm>>) dst(%dma_wait3A_337 : memref<16x1024xf32, #tpu.memory_space<vmem>>)
    %add3A_344 = arith.constant 7 : i32
    %add3A_345 = arith.addi %mul3A_4, %add3A_344 : i32
    %sub3A_346 = arith.constant 2 : i32
    %sub3A_347 = arith.subi %add3A_345, %sub3A_346 : i32
    %add3A_348 = arith.constant 1 : i32
    %add3A_349 = arith.addi %sub3A_347, %add3A_348 : i32
    %dma_start3A_350 = arith.constant 0 : i32
    %dma_start3A_351 = arith.constant 0 : i32
    %dma_start3A_352 = arith.constant 0 : i32
    %dma_start3A_353 = tpu.memref_slice %arg6[%dma_start3A_350, %dma_start3A_351, %dma_start3A_352] : memref<6x16x1024xf32, #tpu.memory_space<vmem>> -> memref<2x16x1024xf32, #tpu.memory_space<vmem>>
    %dma_start3A_354 = arith.constant 0 : i32
    %dma_start3A_355 = arith.constant 0 : i32
    %dma_start3A_356 = tpu.memref_slice %arg4[%add3A_349, %dma_start3A_354, %dma_start3A_355] : memref<1024x16x1024xf32, #tpu.memory_space<hbm>> -> memref<2x16x1024xf32, #tpu.memory_space<hbm>>
    %dma_start3A_357 = arith.constant 0 : i32
    %dma_start3A_358 = arith.constant 0 : i32
    %dma_start3A_359 = tpu.memref_slice %arg4[%add3A_349, %dma_start3A_357, %dma_start3A_358] : memref<1024x16x1024xf32, #tpu.memory_space<hbm>> -> memref<2x16x1024xf32, #tpu.memory_space<hbm>>
    %dma_start3A_360 = arith.constant 0 : i32
    %dma_start3A_361 = arith.constant 0 : i32
    %dma_start3A_362 = arith.constant 0 : i32
    %dma_start3A_363 = tpu.memref_slice %arg6[%dma_start3A_360, %dma_start3A_361, %dma_start3A_362] : memref<6x16x1024xf32, #tpu.memory_space<vmem>> -> memref<2x16x1024xf32, #tpu.memory_space<vmem>>
    tpu.enqueue_dma source(%dma_start3A_363 : memref<2x16x1024xf32, #tpu.memory_space<vmem>>) target(%dma_start3A_359 : memref<2x16x1024xf32, #tpu.memory_space<hbm>>) target_semaphore(%arg13 : memref<!tpu.dma_semaphore, #tpu.memory_space<semaphore_mem>>)
    %dma_wait3A_364 = arith.constant 0 : i32
    %dma_wait3A_365 = arith.constant 0 : i32
    %dma_wait3A_366 = arith.constant 0 : i32
    %dma_wait3A_367 = tpu.memref_slice %arg6[%dma_wait3A_364, %dma_wait3A_365, %dma_wait3A_366] : memref<6x16x1024xf32, #tpu.memory_space<vmem>> -> memref<2x16x1024xf32, #tpu.memory_space<vmem>>
    %dma_wait3A_368 = arith.constant 0 : i32
    %dma_wait3A_369 = arith.constant 0 : i32
    %dma_wait3A_370 = tpu.memref_slice %arg4[%add3A_349, %dma_wait3A_368, %dma_wait3A_369] : memref<1024x16x1024xf32, #tpu.memory_space<hbm>> -> memref<2x16x1024xf32, #tpu.memory_space<hbm>>
    %dma_wait3A_371 = arith.constant 0 : i32
    %dma_wait3A_372 = arith.constant 0 : i32
    %dma_wait3A_373 = tpu.memref_slice %arg4[%add3A_349, %dma_wait3A_371, %dma_wait3A_372] : memref<1024x16x1024xf32, #tpu.memory_space<hbm>> -> memref<2x16x1024xf32, #tpu.memory_space<hbm>>
    %dma_wait3A_374 = arith.constant 0 : i32
    %dma_wait3A_375 = arith.constant 0 : i32
    %dma_wait3A_376 = arith.constant 0 : i32
    %dma_wait3A_377 = tpu.memref_slice %arg6[%dma_wait3A_374, %dma_wait3A_375, %dma_wait3A_376] : memref<6x16x1024xf32, #tpu.memory_space<vmem>> -> memref<2x16x1024xf32, #tpu.memory_space<vmem>>
    tpu.wait_dma2 semaphore(%arg13 : memref<!tpu.dma_semaphore, #tpu.memory_space<semaphore_mem>>) src(%dma_wait3A_377 : memref<2x16x1024xf32, #tpu.memory_space<vmem>>) dst(%dma_wait3A_373 : memref<2x16x1024xf32, #tpu.memory_space<hbm>>)
    %dma_start3A_378 = arith.constant 12 : i32
    %dma_start3A_379 = arith.constant 0 : i32
    %dma_start3A_380 = arith.constant 0 : i32
    %dma_start3A_381 = arith.constant 0 : i32
    %dma_start3A_382 = tpu.memref_slice %arg6[%dma_start3A_379, %dma_start3A_380, %dma_start3A_381] : memref<6x16x1024xf32, #tpu.memory_space<vmem>> -> memref<1x16x1024xf32, #tpu.memory_space<vmem>>
    %dma_start3A_383 = tpu.memref_squeeze %dma_start3A_382 : memref<1x16x1024xf32, #tpu.memory_space<vmem>> -> memref<16x1024xf32, #tpu.memory_space<vmem>>
    %dma_start3A_384 = arith.constant 0 : i32
    %dma_start3A_385 = tpu.memref_slice %arg5[%dma_start3A_378, %dma_start3A_384] : memref<32x16xi32, #tpu.memory_space<vmem>> -> memref<1x16xi32, #tpu.memory_space<vmem>>
    %dma_start3A_386 = tpu.memref_squeeze %dma_start3A_385 : memref<1x16xi32, #tpu.memory_space<vmem>> -> memref<16xi32, #tpu.memory_space<vmem>>
    %dma_start3A_387 = arith.constant 0 : i32
    %dma_start3A_388 = arith.constant 0 : i32
    %dma_start3A_389 = tpu.memref_slice %arg3[%dma_start3A_387, %dma_start3A_388] : memref<100000x1024xf32, #tpu.memory_space<hbm>> -> memref<100000x1024xf32, #tpu.memory_space<hbm>>
    tpu.enqueue_indirect_dma source(%dma_start3A_389 : memref<100000x1024xf32, #tpu.memory_space<hbm>>) target(%dma_start3A_383 : memref<16x1024xf32, #tpu.memory_space<vmem>>) offsets(%dma_start3A_386 : memref<16xi32, #tpu.memory_space<vmem>>) semaphore(%arg7 : memref<!tpu.dma_semaphore, #tpu.memory_space<semaphore_mem>>)
    %dma_wait3A_390 = arith.constant 8 : i32
    %dma_wait3A_391 = arith.constant 2 : i32
    %dma_wait3A_392 = arith.constant 0 : i32
    %dma_wait3A_393 = arith.constant 0 : i32
    %dma_wait3A_394 = tpu.memref_slice %arg6[%dma_wait3A_391, %dma_wait3A_392, %dma_wait3A_393] : memref<6x16x1024xf32, #tpu.memory_space<vmem>> -> memref<1x16x1024xf32, #tpu.memory_space<vmem>>
    %dma_wait3A_395 = tpu.memref_squeeze %dma_wait3A_394 : memref<1x16x1024xf32, #tpu.memory_space<vmem>> -> memref<16x1024xf32, #tpu.memory_space<vmem>>
    %dma_wait3A_396 = arith.constant 0 : i32
    %dma_wait3A_397 = tpu.memref_slice %arg5[%dma_wait3A_390, %dma_wait3A_396] : memref<32x16xi32, #tpu.memory_space<vmem>> -> memref<1x16xi32, #tpu.memory_space<vmem>>
    %dma_wait3A_398 = tpu.memref_squeeze %dma_wait3A_397 : memref<1x16xi32, #tpu.memory_space<vmem>> -> memref<16xi32, #tpu.memory_space<vmem>>
    %dma_wait3A_399 = arith.constant 0 : i32
    %dma_wait3A_400 = arith.constant 0 : i32
    %dma_wait3A_401 = tpu.memref_slice %arg3[%dma_wait3A_399, %dma_wait3A_400] : memref<100000x1024xf32, #tpu.memory_space<hbm>> -> memref<100000x1024xf32, #tpu.memory_space<hbm>>
    tpu.wait_indirect_dma semaphore(%arg9 : memref<!tpu.dma_semaphore, #tpu.memory_space<semaphore_mem>>) src(%dma_wait3A_401 : memref<100000x1024xf32, #tpu.memory_space<hbm>>) dst(%dma_wait3A_395 : memref<16x1024xf32, #tpu.memory_space<vmem>>)
    %dma_start3A_402 = arith.constant 13 : i32
    %dma_start3A_403 = arith.constant 1 : i32
    %dma_start3A_404 = arith.constant 0 : i32
    %dma_start3A_405 = arith.constant 0 : i32
    %dma_start3A_406 = tpu.memref_slice %arg6[%dma_start3A_403, %dma_start3A_404, %dma_start3A_405] : memref<6x16x1024xf32, #tpu.memory_space<vmem>> -> memref<1x16x1024xf32, #tpu.memory_space<vmem>>
    %dma_start3A_407 = tpu.memref_squeeze %dma_start3A_406 : memref<1x16x1024xf32, #tpu.memory_space<vmem>> -> memref<16x1024xf32, #tpu.memory_space<vmem>>
    %dma_start3A_408 = arith.constant 0 : i32
    %dma_start3A_409 = tpu.memref_slice %arg5[%dma_start3A_402, %dma_start3A_408] : memref<32x16xi32, #tpu.memory_space<vmem>> -> memref<1x16xi32, #tpu.memory_space<vmem>>
    %dma_start3A_410 = tpu.memref_squeeze %dma_start3A_409 : memref<1x16xi32, #tpu.memory_space<vmem>> -> memref<16xi32, #tpu.memory_space<vmem>>
    %dma_start3A_411 = arith.constant 0 : i32
    %dma_start3A_412 = arith.constant 0 : i32
    %dma_start3A_413 = tpu.memref_slice %arg3[%dma_start3A_411, %dma_start3A_412] : memref<100000x1024xf32, #tpu.memory_space<hbm>> -> memref<100000x1024xf32, #tpu.memory_space<hbm>>
    tpu.enqueue_indirect_dma source(%dma_start3A_413 : memref<100000x1024xf32, #tpu.memory_space<hbm>>) target(%dma_start3A_407 : memref<16x1024xf32, #tpu.memory_space<vmem>>) offsets(%dma_start3A_410 : memref<16xi32, #tpu.memory_space<vmem>>) semaphore(%arg8 : memref<!tpu.dma_semaphore, #tpu.memory_space<semaphore_mem>>)
    %dma_wait3A_414 = arith.constant 9 : i32
    %dma_wait3A_415 = arith.constant 3 : i32
    %dma_wait3A_416 = arith.constant 0 : i32
    %dma_wait3A_417 = arith.constant 0 : i32
    %dma_wait3A_418 = tpu.memref_slice %arg6[%dma_wait3A_415, %dma_wait3A_416, %dma_wait3A_417] : memref<6x16x1024xf32, #tpu.memory_space<vmem>> -> memref<1x16x1024xf32, #tpu.memory_space<vmem>>
    %dma_wait3A_419 = tpu.memref_squeeze %dma_wait3A_418 : memref<1x16x1024xf32, #tpu.memory_space<vmem>> -> memref<16x1024xf32, #tpu.memory_space<vmem>>
    %dma_wait3A_420 = arith.constant 0 : i32
    %dma_wait3A_421 = tpu.memref_slice %arg5[%dma_wait3A_414, %dma_wait3A_420] : memref<32x16xi32, #tpu.memory_space<vmem>> -> memref<1x16xi32, #tpu.memory_space<vmem>>
    %dma_wait3A_422 = tpu.memref_squeeze %dma_wait3A_421 : memref<1x16xi32, #tpu.memory_space<vmem>> -> memref<16xi32, #tpu.memory_space<vmem>>
    %dma_wait3A_423 = arith.constant 0 : i32
    %dma_wait3A_424 = arith.constant 0 : i32
    %dma_wait3A_425 = tpu.memref_slice %arg3[%dma_wait3A_423, %dma_wait3A_424] : memref<100000x1024xf32, #tpu.memory_space<hbm>> -> memref<100000x1024xf32, #tpu.memory_space<hbm>>
    tpu.wait_indirect_dma semaphore(%arg10 : memref<!tpu.dma_semaphore, #tpu.memory_space<semaphore_mem>>) src(%dma_wait3A_425 : memref<100000x1024xf32, #tpu.memory_space<hbm>>) dst(%dma_wait3A_419 : memref<16x1024xf32, #tpu.memory_space<vmem>>)
    %add3A_426 = arith.constant 9 : i32
    %add3A_427 = arith.addi %mul3A_4, %add3A_426 : i32
    %sub3A_428 = arith.constant 2 : i32
    %sub3A_429 = arith.subi %add3A_427, %sub3A_428 : i32
    %add3A_430 = arith.constant 1 : i32
    %add3A_431 = arith.addi %sub3A_429, %add3A_430 : i32
    %dma_start3A_432 = arith.constant 2 : i32
    %dma_start3A_433 = arith.constant 0 : i32
    %dma_start3A_434 = arith.constant 0 : i32
    %dma_start3A_435 = tpu.memref_slice %arg6[%dma_start3A_432, %dma_start3A_433, %dma_start3A_434] : memref<6x16x1024xf32, #tpu.memory_space<vmem>> -> memref<2x16x1024xf32, #tpu.memory_space<vmem>>
    %dma_start3A_436 = arith.constant 0 : i32
    %dma_start3A_437 = arith.constant 0 : i32
    %dma_start3A_438 = tpu.memref_slice %arg4[%add3A_431, %dma_start3A_436, %dma_start3A_437] : memref<1024x16x1024xf32, #tpu.memory_space<hbm>> -> memref<2x16x1024xf32, #tpu.memory_space<hbm>>
    %dma_start3A_439 = arith.constant 0 : i32
    %dma_start3A_440 = arith.constant 0 : i32
    %dma_start3A_441 = tpu.memref_slice %arg4[%add3A_431, %dma_start3A_439, %dma_start3A_440] : memref<1024x16x1024xf32, #tpu.memory_space<hbm>> -> memref<2x16x1024xf32, #tpu.memory_space<hbm>>
    %dma_start3A_442 = arith.constant 2 : i32
    %dma_start3A_443 = arith.constant 0 : i32
    %dma_start3A_444 = arith.constant 0 : i32
    %dma_start3A_445 = tpu.memref_slice %arg6[%dma_start3A_442, %dma_start3A_443, %dma_start3A_444] : memref<6x16x1024xf32, #tpu.memory_space<vmem>> -> memref<2x16x1024xf32, #tpu.memory_space<vmem>>
    tpu.enqueue_dma source(%dma_start3A_445 : memref<2x16x1024xf32, #tpu.memory_space<vmem>>) target(%dma_start3A_441 : memref<2x16x1024xf32, #tpu.memory_space<hbm>>) target_semaphore(%arg14 : memref<!tpu.dma_semaphore, #tpu.memory_space<semaphore_mem>>)
    %dma_wait3A_446 = arith.constant 2 : i32
    %dma_wait3A_447 = arith.constant 0 : i32
    %dma_wait3A_448 = arith.constant 0 : i32
    %dma_wait3A_449 = tpu.memref_slice %arg6[%dma_wait3A_446, %dma_wait3A_447, %dma_wait3A_448] : memref<6x16x1024xf32, #tpu.memory_space<vmem>> -> memref<2x16x1024xf32, #tpu.memory_space<vmem>>
    %dma_wait3A_450 = arith.constant 0 : i32
    %dma_wait3A_451 = arith.constant 0 : i32
    %dma_wait3A_452 = tpu.memref_slice %arg4[%add3A_431, %dma_wait3A_450, %dma_wait3A_451] : memref<1024x16x1024xf32, #tpu.memory_space<hbm>> -> memref<2x16x1024xf32, #tpu.memory_space<hbm>>
    %dma_wait3A_453 = arith.constant 0 : i32
    %dma_wait3A_454 = arith.constant 0 : i32
    %dma_wait3A_455 = tpu.memref_slice %arg4[%add3A_431, %dma_wait3A_453, %dma_wait3A_454] : memref<1024x16x1024xf32, #tpu.memory_space<hbm>> -> memref<2x16x1024xf32, #tpu.memory_space<hbm>>
    %dma_wait3A_456 = arith.constant 2 : i32
    %dma_wait3A_457 = arith.constant 0 : i32
    %dma_wait3A_458 = arith.constant 0 : i32
    %dma_wait3A_459 = tpu.memref_slice %arg6[%dma_wait3A_456, %dma_wait3A_457, %dma_wait3A_458] : memref<6x16x1024xf32, #tpu.memory_space<vmem>> -> memref<2x16x1024xf32, #tpu.memory_space<vmem>>
    tpu.wait_dma2 semaphore(%arg14 : memref<!tpu.dma_semaphore, #tpu.memory_space<semaphore_mem>>) src(%dma_wait3A_459 : memref<2x16x1024xf32, #tpu.memory_space<vmem>>) dst(%dma_wait3A_455 : memref<2x16x1024xf32, #tpu.memory_space<hbm>>)
    %dma_start3A_460 = arith.constant 14 : i32
    %dma_start3A_461 = arith.constant 2 : i32
    %dma_start3A_462 = arith.constant 0 : i32
    %dma_start3A_463 = arith.constant 0 : i32
    %dma_start3A_464 = tpu.memref_slice %arg6[%dma_start3A_461, %dma_start3A_462, %dma_start3A_463] : memref<6x16x1024xf32, #tpu.memory_space<vmem>> -> memref<1x16x1024xf32, #tpu.memory_space<vmem>>
    %dma_start3A_465 = tpu.memref_squeeze %dma_start3A_464 : memref<1x16x1024xf32, #tpu.memory_space<vmem>> -> memref<16x1024xf32, #tpu.memory_space<vmem>>
    %dma_start3A_466 = arith.constant 0 : i32
    %dma_start3A_467 = tpu.memref_slice %arg5[%dma_start3A_460, %dma_start3A_466] : memref<32x16xi32, #tpu.memory_space<vmem>> -> memref<1x16xi32, #tpu.memory_space<vmem>>
    %dma_start3A_468 = tpu.memref_squeeze %dma_start3A_467 : memref<1x16xi32, #tpu.memory_space<vmem>> -> memref<16xi32, #tpu.memory_space<vmem>>
    %dma_start3A_469 = arith.constant 0 : i32
    %dma_start3A_470 = arith.constant 0 : i32
    %dma_start3A_471 = tpu.memref_slice %arg3[%dma_start3A_469, %dma_start3A_470] : memref<100000x1024xf32, #tpu.memory_space<hbm>> -> memref<100000x1024xf32, #tpu.memory_space<hbm>>
    tpu.enqueue_indirect_dma source(%dma_start3A_471 : memref<100000x1024xf32, #tpu.memory_space<hbm>>) target(%dma_start3A_465 : memref<16x1024xf32, #tpu.memory_space<vmem>>) offsets(%dma_start3A_468 : memref<16xi32, #tpu.memory_space<vmem>>) semaphore(%arg9 : memref<!tpu.dma_semaphore, #tpu.memory_space<semaphore_mem>>)
    %dma_wait3A_472 = arith.constant 10 : i32
    %dma_wait3A_473 = arith.constant 4 : i32
    %dma_wait3A_474 = arith.constant 0 : i32
    %dma_wait3A_475 = arith.constant 0 : i32
    %dma_wait3A_476 = tpu.memref_slice %arg6[%dma_wait3A_473, %dma_wait3A_474, %dma_wait3A_475] : memref<6x16x1024xf32, #tpu.memory_space<vmem>> -> memref<1x16x1024xf32, #tpu.memory_space<vmem>>
    %dma_wait3A_477 = tpu.memref_squeeze %dma_wait3A_476 : memref<1x16x1024xf32, #tpu.memory_space<vmem>> -> memref<16x1024xf32, #tpu.memory_space<vmem>>
    %dma_wait3A_478 = arith.constant 0 : i32
    %dma_wait3A_479 = tpu.memref_slice %arg5[%dma_wait3A_472, %dma_wait3A_478] : memref<32x16xi32, #tpu.memory_space<vmem>> -> memref<1x16xi32, #tpu.memory_space<vmem>>
    %dma_wait3A_480 = tpu.memref_squeeze %dma_wait3A_479 : memref<1x16xi32, #tpu.memory_space<vmem>> -> memref<16xi32, #tpu.memory_space<vmem>>
    %dma_wait3A_481 = arith.constant 0 : i32
    %dma_wait3A_482 = arith.constant 0 : i32
    %dma_wait3A_483 = tpu.memref_slice %arg3[%dma_wait3A_481, %dma_wait3A_482] : memref<100000x1024xf32, #tpu.memory_space<hbm>> -> memref<100000x1024xf32, #tpu.memory_space<hbm>>
    tpu.wait_indirect_dma semaphore(%arg11 : memref<!tpu.dma_semaphore, #tpu.memory_space<semaphore_mem>>) src(%dma_wait3A_483 : memref<100000x1024xf32, #tpu.memory_space<hbm>>) dst(%dma_wait3A_477 : memref<16x1024xf32, #tpu.memory_space<vmem>>)
    %dma_start3A_484 = arith.constant 15 : i32
    %dma_start3A_485 = arith.constant 3 : i32
    %dma_start3A_486 = arith.constant 0 : i32
    %dma_start3A_487 = arith.constant 0 : i32
    %dma_start3A_488 = tpu.memref_slice %arg6[%dma_start3A_485, %dma_start3A_486, %dma_start3A_487] : memref<6x16x1024xf32, #tpu.memory_space<vmem>> -> memref<1x16x1024xf32, #tpu.memory_space<vmem>>
    %dma_start3A_489 = tpu.memref_squeeze %dma_start3A_488 : memref<1x16x1024xf32, #tpu.memory_space<vmem>> -> memref<16x1024xf32, #tpu.memory_space<vmem>>
    %dma_start3A_490 = arith.constant 0 : i32
    %dma_start3A_491 = tpu.memref_slice %arg5[%dma_start3A_484, %dma_start3A_490] : memref<32x16xi32, #tpu.memory_space<vmem>> -> memref<1x16xi32, #tpu.memory_space<vmem>>
    %dma_start3A_492 = tpu.memref_squeeze %dma_start3A_491 : memref<1x16xi32, #tpu.memory_space<vmem>> -> memref<16xi32, #tpu.memory_space<vmem>>
    %dma_start3A_493 = arith.constant 0 : i32
    %dma_start3A_494 = arith.constant 0 : i32
    %dma_start3A_495 = tpu.memref_slice %arg3[%dma_start3A_493, %dma_start3A_494] : memref<100000x1024xf32, #tpu.memory_space<hbm>> -> memref<100000x1024xf32, #tpu.memory_space<hbm>>
    tpu.enqueue_indirect_dma source(%dma_start3A_495 : memref<100000x1024xf32, #tpu.memory_space<hbm>>) target(%dma_start3A_489 : memref<16x1024xf32, #tpu.memory_space<vmem>>) offsets(%dma_start3A_492 : memref<16xi32, #tpu.memory_space<vmem>>) semaphore(%arg10 : memref<!tpu.dma_semaphore, #tpu.memory_space<semaphore_mem>>)
    %dma_wait3A_496 = arith.constant 11 : i32
    %dma_wait3A_497 = arith.constant 5 : i32
    %dma_wait3A_498 = arith.constant 0 : i32
    %dma_wait3A_499 = arith.constant 0 : i32
    %dma_wait3A_500 = tpu.memref_slice %arg6[%dma_wait3A_497, %dma_wait3A_498, %dma_wait3A_499] : memref<6x16x1024xf32, #tpu.memory_space<vmem>> -> memref<1x16x1024xf32, #tpu.memory_space<vmem>>
    %dma_wait3A_501 = tpu.memref_squeeze %dma_wait3A_500 : memref<1x16x1024xf32, #tpu.memory_space<vmem>> -> memref<16x1024xf32, #tpu.memory_space<vmem>>
    %dma_wait3A_502 = arith.constant 0 : i32
    %dma_wait3A_503 = tpu.memref_slice %arg5[%dma_wait3A_496, %dma_wait3A_502] : memref<32x16xi32, #tpu.memory_space<vmem>> -> memref<1x16xi32, #tpu.memory_space<vmem>>
    %dma_wait3A_504 = tpu.memref_squeeze %dma_wait3A_503 : memref<1x16xi32, #tpu.memory_space<vmem>> -> memref<16xi32, #tpu.memory_space<vmem>>
    %dma_wait3A_505 = arith.constant 0 : i32
    %dma_wait3A_506 = arith.constant 0 : i32
    %dma_wait3A_507 = tpu.memref_slice %arg3[%dma_wait3A_505, %dma_wait3A_506] : memref<100000x1024xf32, #tpu.memory_space<hbm>> -> memref<100000x1024xf32, #tpu.memory_space<hbm>>
    tpu.wait_indirect_dma semaphore(%arg12 : memref<!tpu.dma_semaphore, #tpu.memory_space<semaphore_mem>>) src(%dma_wait3A_507 : memref<100000x1024xf32, #tpu.memory_space<hbm>>) dst(%dma_wait3A_501 : memref<16x1024xf32, #tpu.memory_space<vmem>>)
    %add3A_508 = arith.constant 11 : i32
    %add3A_509 = arith.addi %mul3A_4, %add3A_508 : i32
    %sub3A_510 = arith.constant 2 : i32
    %sub3A_511 = arith.subi %add3A_509, %sub3A_510 : i32
    %add3A_512 = arith.constant 1 : i32
    %add3A_513 = arith.addi %sub3A_511, %add3A_512 : i32
    %dma_start3A_514 = arith.constant 4 : i32
    %dma_start3A_515 = arith.constant 0 : i32
    %dma_start3A_516 = arith.constant 0 : i32
    %dma_start3A_517 = tpu.memref_slice %arg6[%dma_start3A_514, %dma_start3A_515, %dma_start3A_516] : memref<6x16x1024xf32, #tpu.memory_space<vmem>> -> memref<2x16x1024xf32, #tpu.memory_space<vmem>>
    %dma_start3A_518 = arith.constant 0 : i32
    %dma_start3A_519 = arith.constant 0 : i32
    %dma_start3A_520 = tpu.memref_slice %arg4[%add3A_513, %dma_start3A_518, %dma_start3A_519] : memref<1024x16x1024xf32, #tpu.memory_space<hbm>> -> memref<2x16x1024xf32, #tpu.memory_space<hbm>>
    %dma_start3A_521 = arith.constant 0 : i32
    %dma_start3A_522 = arith.constant 0 : i32
    %dma_start3A_523 = tpu.memref_slice %arg4[%add3A_513, %dma_start3A_521, %dma_start3A_522] : memref<1024x16x1024xf32, #tpu.memory_space<hbm>> -> memref<2x16x1024xf32, #tpu.memory_space<hbm>>
    %dma_start3A_524 = arith.constant 4 : i32
    %dma_start3A_525 = arith.constant 0 : i32
    %dma_start3A_526 = arith.constant 0 : i32
    %dma_start3A_527 = tpu.memref_slice %arg6[%dma_start3A_524, %dma_start3A_525, %dma_start3A_526] : memref<6x16x1024xf32, #tpu.memory_space<vmem>> -> memref<2x16x1024xf32, #tpu.memory_space<vmem>>
    tpu.enqueue_dma source(%dma_start3A_527 : memref<2x16x1024xf32, #tpu.memory_space<vmem>>) target(%dma_start3A_523 : memref<2x16x1024xf32, #tpu.memory_space<hbm>>) target_semaphore(%arg15 : memref<!tpu.dma_semaphore, #tpu.memory_space<semaphore_mem>>)
    %dma_wait3A_528 = arith.constant 4 : i32
    %dma_wait3A_529 = arith.constant 0 : i32
    %dma_wait3A_530 = arith.constant 0 : i32
    %dma_wait3A_531 = tpu.memref_slice %arg6[%dma_wait3A_528, %dma_wait3A_529, %dma_wait3A_530] : memref<6x16x1024xf32, #tpu.memory_space<vmem>> -> memref<2x16x1024xf32, #tpu.memory_space<vmem>>
    %dma_wait3A_532 = arith.constant 0 : i32
    %dma_wait3A_533 = arith.constant 0 : i32
    %dma_wait3A_534 = tpu.memref_slice %arg4[%add3A_513, %dma_wait3A_532, %dma_wait3A_533] : memref<1024x16x1024xf32, #tpu.memory_space<hbm>> -> memref<2x16x1024xf32, #tpu.memory_space<hbm>>
    %dma_wait3A_535 = arith.constant 0 : i32
    %dma_wait3A_536 = arith.constant 0 : i32
    %dma_wait3A_537 = tpu.memref_slice %arg4[%add3A_513, %dma_wait3A_535, %dma_wait3A_536] : memref<1024x16x1024xf32, #tpu.memory_space<hbm>> -> memref<2x16x1024xf32, #tpu.memory_space<hbm>>
    %dma_wait3A_538 = arith.constant 4 : i32
    %dma_wait3A_539 = arith.constant 0 : i32
    %dma_wait3A_540 = arith.constant 0 : i32
    %dma_wait3A_541 = tpu.memref_slice %arg6[%dma_wait3A_538, %dma_wait3A_539, %dma_wait3A_540] : memref<6x16x1024xf32, #tpu.memory_space<vmem>> -> memref<2x16x1024xf32, #tpu.memory_space<vmem>>
    tpu.wait_dma2 semaphore(%arg15 : memref<!tpu.dma_semaphore, #tpu.memory_space<semaphore_mem>>) src(%dma_wait3A_541 : memref<2x16x1024xf32, #tpu.memory_space<vmem>>) dst(%dma_wait3A_537 : memref<2x16x1024xf32, #tpu.memory_space<hbm>>)
    %dma_start3A_542 = arith.constant 16 : i32
    %dma_start3A_543 = arith.constant 4 : i32
    %dma_start3A_544 = arith.constant 0 : i32
    %dma_start3A_545 = arith.constant 0 : i32
    %dma_start3A_546 = tpu.memref_slice %arg6[%dma_start3A_543, %dma_start3A_544, %dma_start3A_545] : memref<6x16x1024xf32, #tpu.memory_space<vmem>> -> memref<1x16x1024xf32, #tpu.memory_space<vmem>>
    %dma_start3A_547 = tpu.memref_squeeze %dma_start3A_546 : memref<1x16x1024xf32, #tpu.memory_space<vmem>> -> memref<16x1024xf32, #tpu.memory_space<vmem>>
    %dma_start3A_548 = arith.constant 0 : i32
    %dma_start3A_549 = tpu.memref_slice %arg5[%dma_start3A_542, %dma_start3A_548] : memref<32x16xi32, #tpu.memory_space<vmem>> -> memref<1x16xi32, #tpu.memory_space<vmem>>
    %dma_start3A_550 = tpu.memref_squeeze %dma_start3A_549 : memref<1x16xi32, #tpu.memory_space<vmem>> -> memref<16xi32, #tpu.memory_space<vmem>>
    %dma_start3A_551 = arith.constant 0 : i32
    %dma_start3A_552 = arith.constant 0 : i32
    %dma_start3A_553 = tpu.memref_slice %arg3[%dma_start3A_551, %dma_start3A_552] : memref<100000x1024xf32, #tpu.memory_space<hbm>> -> memref<100000x1024xf32, #tpu.memory_space<hbm>>
    tpu.enqueue_indirect_dma source(%dma_start3A_553 : memref<100000x1024xf32, #tpu.memory_space<hbm>>) target(%dma_start3A_547 : memref<16x1024xf32, #tpu.memory_space<vmem>>) offsets(%dma_start3A_550 : memref<16xi32, #tpu.memory_space<vmem>>) semaphore(%arg11 : memref<!tpu.dma_semaphore, #tpu.memory_space<semaphore_mem>>)
    %dma_wait3A_554 = arith.constant 12 : i32
    %dma_wait3A_555 = arith.constant 0 : i32
    %dma_wait3A_556 = arith.constant 0 : i32
    %dma_wait3A_557 = arith.constant 0 : i32
    %dma_wait3A_558 = tpu.memref_slice %arg6[%dma_wait3A_555, %dma_wait3A_556, %dma_wait3A_557] : memref<6x16x1024xf32, #tpu.memory_space<vmem>> -> memref<1x16x1024xf32, #tpu.memory_space<vmem>>
    %dma_wait3A_559 = tpu.memref_squeeze %dma_wait3A_558 : memref<1x16x1024xf32, #tpu.memory_space<vmem>> -> memref<16x1024xf32, #tpu.memory_space<vmem>>
    %dma_wait3A_560 = arith.constant 0 : i32
    %dma_wait3A_561 = tpu.memref_slice %arg5[%dma_wait3A_554, %dma_wait3A_560] : memref<32x16xi32, #tpu.memory_space<vmem>> -> memref<1x16xi32, #tpu.memory_space<vmem>>
    %dma_wait3A_562 = tpu.memref_squeeze %dma_wait3A_561 : memref<1x16xi32, #tpu.memory_space<vmem>> -> memref<16xi32, #tpu.memory_space<vmem>>
    %dma_wait3A_563 = arith.constant 0 : i32
    %dma_wait3A_564 = arith.constant 0 : i32
    %dma_wait3A_565 = tpu.memref_slice %arg3[%dma_wait3A_563, %dma_wait3A_564] : memref<100000x1024xf32, #tpu.memory_space<hbm>> -> memref<100000x1024xf32, #tpu.memory_space<hbm>>
    tpu.wait_indirect_dma semaphore(%arg7 : memref<!tpu.dma_semaphore, #tpu.memory_space<semaphore_mem>>) src(%dma_wait3A_565 : memref<100000x1024xf32, #tpu.memory_space<hbm>>) dst(%dma_wait3A_559 : memref<16x1024xf32, #tpu.memory_space<vmem>>)
    %dma_start3A_566 = arith.constant 17 : i32
    %dma_start3A_567 = arith.constant 5 : i32
    %dma_start3A_568 = arith.constant 0 : i32
    %dma_start3A_569 = arith.constant 0 : i32
    %dma_start3A_570 = tpu.memref_slice %arg6[%dma_start3A_567, %dma_start3A_568, %dma_start3A_569] : memref<6x16x1024xf32, #tpu.memory_space<vmem>> -> memref<1x16x1024xf32, #tpu.memory_space<vmem>>
    %dma_start3A_571 = tpu.memref_squeeze %dma_start3A_570 : memref<1x16x1024xf32, #tpu.memory_space<vmem>> -> memref<16x1024xf32, #tpu.memory_space<vmem>>
    %dma_start3A_572 = arith.constant 0 : i32
    %dma_start3A_573 = tpu.memref_slice %arg5[%dma_start3A_566, %dma_start3A_572] : memref<32x16xi32, #tpu.memory_space<vmem>> -> memref<1x16xi32, #tpu.memory_space<vmem>>
    %dma_start3A_574 = tpu.memref_squeeze %dma_start3A_573 : memref<1x16xi32, #tpu.memory_space<vmem>> -> memref<16xi32, #tpu.memory_space<vmem>>
    %dma_start3A_575 = arith.constant 0 : i32
    %dma_start3A_576 = arith.constant 0 : i32
    %dma_start3A_577 = tpu.memref_slice %arg3[%dma_start3A_575, %dma_start3A_576] : memref<100000x1024xf32, #tpu.memory_space<hbm>> -> memref<100000x1024xf32, #tpu.memory_space<hbm>>
    tpu.enqueue_indirect_dma source(%dma_start3A_577 : memref<100000x1024xf32, #tpu.memory_space<hbm>>) target(%dma_start3A_571 : memref<16x1024xf32, #tpu.memory_space<vmem>>) offsets(%dma_start3A_574 : memref<16xi32, #tpu.memory_space<vmem>>) semaphore(%arg12 : memref<!tpu.dma_semaphore, #tpu.memory_space<semaphore_mem>>)
    %dma_wait3A_578 = arith.constant 13 : i32
    %dma_wait3A_579 = arith.constant 1 : i32
    %dma_wait3A_580 = arith.constant 0 : i32
    %dma_wait3A_581 = arith.constant 0 : i32
    %dma_wait3A_582 = tpu.memref_slice %arg6[%dma_wait3A_579, %dma_wait3A_580, %dma_wait3A_581] : memref<6x16x1024xf32, #tpu.memory_space<vmem>> -> memref<1x16x1024xf32, #tpu.memory_space<vmem>>
    %dma_wait3A_583 = tpu.memref_squeeze %dma_wait3A_582 : memref<1x16x1024xf32, #tpu.memory_space<vmem>> -> memref<16x1024xf32, #tpu.memory_space<vmem>>
    %dma_wait3A_584 = arith.constant 0 : i32
    %dma_wait3A_585 = tpu.memref_slice %arg5[%dma_wait3A_578, %dma_wait3A_584] : memref<32x16xi32, #tpu.memory_space<vmem>> -> memref<1x16xi32, #tpu.memory_space<vmem>>
    %dma_wait3A_586 = tpu.memref_squeeze %dma_wait3A_585 : memref<1x16xi32, #tpu.memory_space<vmem>> -> memref<16xi32, #tpu.memory_space<vmem>>
    %dma_wait3A_587 = arith.constant 0 : i32
    %dma_wait3A_588 = arith.constant 0 : i32
    %dma_wait3A_589 = tpu.memref_slice %arg3[%dma_wait3A_587, %dma_wait3A_588] : memref<100000x1024xf32, #tpu.memory_space<hbm>> -> memref<100000x1024xf32, #tpu.memory_space<hbm>>
    tpu.wait_indirect_dma semaphore(%arg8 : memref<!tpu.dma_semaphore, #tpu.memory_space<semaphore_mem>>) src(%dma_wait3A_589 : memref<100000x1024xf32, #tpu.memory_space<hbm>>) dst(%dma_wait3A_583 : memref<16x1024xf32, #tpu.memory_space<vmem>>)
    %add3A_590 = arith.constant 13 : i32
    %add3A_591 = arith.addi %mul3A_4, %add3A_590 : i32
    %sub3A_592 = arith.constant 2 : i32
    %sub3A_593 = arith.subi %add3A_591, %sub3A_592 : i32
    %add3A_594 = arith.constant 1 : i32
    %add3A_595 = arith.addi %sub3A_593, %add3A_594 : i32
    %dma_start3A_596 = arith.constant 0 : i32
    %dma_start3A_597 = arith.constant 0 : i32
    %dma_start3A_598 = arith.constant 0 : i32
    %dma_start3A_599 = tpu.memref_slice %arg6[%dma_start3A_596, %dma_start3A_597, %dma_start3A_598] : memref<6x16x1024xf32, #tpu.memory_space<vmem>> -> memref<2x16x1024xf32, #tpu.memory_space<vmem>>
    %dma_start3A_600 = arith.constant 0 : i32
    %dma_start3A_601 = arith.constant 0 : i32
    %dma_start3A_602 = tpu.memref_slice %arg4[%add3A_595, %dma_start3A_600, %dma_start3A_601] : memref<1024x16x1024xf32, #tpu.memory_space<hbm>> -> memref<2x16x1024xf32, #tpu.memory_space<hbm>>
    %dma_start3A_603 = arith.constant 0 : i32
    %dma_start3A_604 = arith.constant 0 : i32
    %dma_start3A_605 = tpu.memref_slice %arg4[%add3A_595, %dma_start3A_603, %dma_start3A_604] : memref<1024x16x1024xf32, #tpu.memory_space<hbm>> -> memref<2x16x1024xf32, #tpu.memory_space<hbm>>
    %dma_start3A_606 = arith.constant 0 : i32
    %dma_start3A_607 = arith.constant 0 : i32
    %dma_start3A_608 = arith.constant 0 : i32
    %dma_start3A_609 = tpu.memref_slice %arg6[%dma_start3A_606, %dma_start3A_607, %dma_start3A_608] : memref<6x16x1024xf32, #tpu.memory_space<vmem>> -> memref<2x16x1024xf32, #tpu.memory_space<vmem>>
    tpu.enqueue_dma source(%dma_start3A_609 : memref<2x16x1024xf32, #tpu.memory_space<vmem>>) target(%dma_start3A_605 : memref<2x16x1024xf32, #tpu.memory_space<hbm>>) target_semaphore(%arg13 : memref<!tpu.dma_semaphore, #tpu.memory_space<semaphore_mem>>)
    %dma_wait3A_610 = arith.constant 0 : i32
    %dma_wait3A_611 = arith.constant 0 : i32
    %dma_wait3A_612 = arith.constant 0 : i32
    %dma_wait3A_613 = tpu.memref_slice %arg6[%dma_wait3A_610, %dma_wait3A_611, %dma_wait3A_612] : memref<6x16x1024xf32, #tpu.memory_space<vmem>> -> memref<2x16x1024xf32, #tpu.memory_space<vmem>>
    %dma_wait3A_614 = arith.constant 0 : i32
    %dma_wait3A_615 = arith.constant 0 : i32
    %dma_wait3A_616 = tpu.memref_slice %arg4[%add3A_595, %dma_wait3A_614, %dma_wait3A_615] : memref<1024x16x1024xf32, #tpu.memory_space<hbm>> -> memref<2x16x1024xf32, #tpu.memory_space<hbm>>
    %dma_wait3A_617 = arith.constant 0 : i32
    %dma_wait3A_618 = arith.constant 0 : i32
    %dma_wait3A_619 = tpu.memref_slice %arg4[%add3A_595, %dma_wait3A_617, %dma_wait3A_618] : memref<1024x16x1024xf32, #tpu.memory_space<hbm>> -> memref<2x16x1024xf32, #tpu.memory_space<hbm>>
    %dma_wait3A_620 = arith.constant 0 : i32
    %dma_wait3A_621 = arith.constant 0 : i32
    %dma_wait3A_622 = arith.constant 0 : i32
    %dma_wait3A_623 = tpu.memref_slice %arg6[%dma_wait3A_620, %dma_wait3A_621, %dma_wait3A_622] : memref<6x16x1024xf32, #tpu.memory_space<vmem>> -> memref<2x16x1024xf32, #tpu.memory_space<vmem>>
    tpu.wait_dma2 semaphore(%arg13 : memref<!tpu.dma_semaphore, #tpu.memory_space<semaphore_mem>>) src(%dma_wait3A_623 : memref<2x16x1024xf32, #tpu.memory_space<vmem>>) dst(%dma_wait3A_619 : memref<2x16x1024xf32, #tpu.memory_space<hbm>>)
    %dma_start3A_624 = arith.constant 18 : i32
    %dma_start3A_625 = arith.constant 0 : i32
    %dma_start3A_626 = arith.constant 0 : i32
    %dma_start3A_627 = arith.constant 0 : i32
    %dma_start3A_628 = tpu.memref_slice %arg6[%dma_start3A_625, %dma_start3A_626, %dma_start3A_627] : memref<6x16x1024xf32, #tpu.memory_space<vmem>> -> memref<1x16x1024xf32, #tpu.memory_space<vmem>>
    %dma_start3A_629 = tpu.memref_squeeze %dma_start3A_628 : memref<1x16x1024xf32, #tpu.memory_space<vmem>> -> memref<16x1024xf32, #tpu.memory_space<vmem>>
    %dma_start3A_630 = arith.constant 0 : i32
    %dma_start3A_631 = tpu.memref_slice %arg5[%dma_start3A_624, %dma_start3A_630] : memref<32x16xi32, #tpu.memory_space<vmem>> -> memref<1x16xi32, #tpu.memory_space<vmem>>
    %dma_start3A_632 = tpu.memref_squeeze %dma_start3A_631 : memref<1x16xi32, #tpu.memory_space<vmem>> -> memref<16xi32, #tpu.memory_space<vmem>>
    %dma_start3A_633 = arith.constant 0 : i32
    %dma_start3A_634 = arith.constant 0 : i32
    %dma_start3A_635 = tpu.memref_slice %arg3[%dma_start3A_633, %dma_start3A_634] : memref<100000x1024xf32, #tpu.memory_space<hbm>> -> memref<100000x1024xf32, #tpu.memory_space<hbm>>
    tpu.enqueue_indirect_dma source(%dma_start3A_635 : memref<100000x1024xf32, #tpu.memory_space<hbm>>) target(%dma_start3A_629 : memref<16x1024xf32, #tpu.memory_space<vmem>>) offsets(%dma_start3A_632 : memref<16xi32, #tpu.memory_space<vmem>>) semaphore(%arg7 : memref<!tpu.dma_semaphore, #tpu.memory_space<semaphore_mem>>)
    %dma_wait3A_636 = arith.constant 14 : i32
    %dma_wait3A_637 = arith.constant 2 : i32
    %dma_wait3A_638 = arith.constant 0 : i32
    %dma_wait3A_639 = arith.constant 0 : i32
    %dma_wait3A_640 = tpu.memref_slice %arg6[%dma_wait3A_637, %dma_wait3A_638, %dma_wait3A_639] : memref<6x16x1024xf32, #tpu.memory_space<vmem>> -> memref<1x16x1024xf32, #tpu.memory_space<vmem>>
    %dma_wait3A_641 = tpu.memref_squeeze %dma_wait3A_640 : memref<1x16x1024xf32, #tpu.memory_space<vmem>> -> memref<16x1024xf32, #tpu.memory_space<vmem>>
    %dma_wait3A_642 = arith.constant 0 : i32
    %dma_wait3A_643 = tpu.memref_slice %arg5[%dma_wait3A_636, %dma_wait3A_642] : memref<32x16xi32, #tpu.memory_space<vmem>> -> memref<1x16xi32, #tpu.memory_space<vmem>>
    %dma_wait3A_644 = tpu.memref_squeeze %dma_wait3A_643 : memref<1x16xi32, #tpu.memory_space<vmem>> -> memref<16xi32, #tpu.memory_space<vmem>>
    %dma_wait3A_645 = arith.constant 0 : i32
    %dma_wait3A_646 = arith.constant 0 : i32
    %dma_wait3A_647 = tpu.memref_slice %arg3[%dma_wait3A_645, %dma_wait3A_646] : memref<100000x1024xf32, #tpu.memory_space<hbm>> -> memref<100000x1024xf32, #tpu.memory_space<hbm>>
    tpu.wait_indirect_dma semaphore(%arg9 : memref<!tpu.dma_semaphore, #tpu.memory_space<semaphore_mem>>) src(%dma_wait3A_647 : memref<100000x1024xf32, #tpu.memory_space<hbm>>) dst(%dma_wait3A_641 : memref<16x1024xf32, #tpu.memory_space<vmem>>)
    %dma_start3A_648 = arith.constant 19 : i32
    %dma_start3A_649 = arith.constant 1 : i32
    %dma_start3A_650 = arith.constant 0 : i32
    %dma_start3A_651 = arith.constant 0 : i32
    %dma_start3A_652 = tpu.memref_slice %arg6[%dma_start3A_649, %dma_start3A_650, %dma_start3A_651] : memref<6x16x1024xf32, #tpu.memory_space<vmem>> -> memref<1x16x1024xf32, #tpu.memory_space<vmem>>
    %dma_start3A_653 = tpu.memref_squeeze %dma_start3A_652 : memref<1x16x1024xf32, #tpu.memory_space<vmem>> -> memref<16x1024xf32, #tpu.memory_space<vmem>>
    %dma_start3A_654 = arith.constant 0 : i32
    %dma_start3A_655 = tpu.memref_slice %arg5[%dma_start3A_648, %dma_start3A_654] : memref<32x16xi32, #tpu.memory_space<vmem>> -> memref<1x16xi32, #tpu.memory_space<vmem>>
    %dma_start3A_656 = tpu.memref_squeeze %dma_start3A_655 : memref<1x16xi32, #tpu.memory_space<vmem>> -> memref<16xi32, #tpu.memory_space<vmem>>
    %dma_start3A_657 = arith.constant 0 : i32
    %dma_start3A_658 = arith.constant 0 : i32
    %dma_start3A_659 = tpu.memref_slice %arg3[%dma_start3A_657, %dma_start3A_658] : memref<100000x1024xf32, #tpu.memory_space<hbm>> -> memref<100000x1024xf32, #tpu.memory_space<hbm>>
    tpu.enqueue_indirect_dma source(%dma_start3A_659 : memref<100000x1024xf32, #tpu.memory_space<hbm>>) target(%dma_start3A_653 : memref<16x1024xf32, #tpu.memory_space<vmem>>) offsets(%dma_start3A_656 : memref<16xi32, #tpu.memory_space<vmem>>) semaphore(%arg8 : memref<!tpu.dma_semaphore, #tpu.memory_space<semaphore_mem>>)
    %dma_wait3A_660 = arith.constant 15 : i32
    %dma_wait3A_661 = arith.constant 3 : i32
    %dma_wait3A_662 = arith.constant 0 : i32
    %dma_wait3A_663 = arith.constant 0 : i32
    %dma_wait3A_664 = tpu.memref_slice %arg6[%dma_wait3A_661, %dma_wait3A_662, %dma_wait3A_663] : memref<6x16x1024xf32, #tpu.memory_space<vmem>> -> memref<1x16x1024xf32, #tpu.memory_space<vmem>>
    %dma_wait3A_665 = tpu.memref_squeeze %dma_wait3A_664 : memref<1x16x1024xf32, #tpu.memory_space<vmem>> -> memref<16x1024xf32, #tpu.memory_space<vmem>>
    %dma_wait3A_666 = arith.constant 0 : i32
    %dma_wait3A_667 = tpu.memref_slice %arg5[%dma_wait3A_660, %dma_wait3A_666] : memref<32x16xi32, #tpu.memory_space<vmem>> -> memref<1x16xi32, #tpu.memory_space<vmem>>
    %dma_wait3A_668 = tpu.memref_squeeze %dma_wait3A_667 : memref<1x16xi32, #tpu.memory_space<vmem>> -> memref<16xi32, #tpu.memory_space<vmem>>
    %dma_wait3A_669 = arith.constant 0 : i32
    %dma_wait3A_670 = arith.constant 0 : i32
    %dma_wait3A_671 = tpu.memref_slice %arg3[%dma_wait3A_669, %dma_wait3A_670] : memref<100000x1024xf32, #tpu.memory_space<hbm>> -> memref<100000x1024xf32, #tpu.memory_space<hbm>>
    tpu.wait_indirect_dma semaphore(%arg10 : memref<!tpu.dma_semaphore, #tpu.memory_space<semaphore_mem>>) src(%dma_wait3A_671 : memref<100000x1024xf32, #tpu.memory_space<hbm>>) dst(%dma_wait3A_665 : memref<16x1024xf32, #tpu.memory_space<vmem>>)
    %add3A_672 = arith.constant 15 : i32
    %add3A_673 = arith.addi %mul3A_4, %add3A_672 : i32
    %sub3A_674 = arith.constant 2 : i32
    %sub3A_675 = arith.subi %add3A_673, %sub3A_674 : i32
    %add3A_676 = arith.constant 1 : i32
    %add3A_677 = arith.addi %sub3A_675, %add3A_676 : i32
    %dma_start3A_678 = arith.constant 2 : i32
    %dma_start3A_679 = arith.constant 0 : i32
    %dma_start3A_680 = arith.constant 0 : i32
    %dma_start3A_681 = tpu.memref_slice %arg6[%dma_start3A_678, %dma_start3A_679, %dma_start3A_680] : memref<6x16x1024xf32, #tpu.memory_space<vmem>> -> memref<2x16x1024xf32, #tpu.memory_space<vmem>>
    %dma_start3A_682 = arith.constant 0 : i32
    %dma_start3A_683 = arith.constant 0 : i32
    %dma_start3A_684 = tpu.memref_slice %arg4[%add3A_677, %dma_start3A_682, %dma_start3A_683] : memref<1024x16x1024xf32, #tpu.memory_space<hbm>> -> memref<2x16x1024xf32, #tpu.memory_space<hbm>>
    %dma_start3A_685 = arith.constant 0 : i32
    %dma_start3A_686 = arith.constant 0 : i32
    %dma_start3A_687 = tpu.memref_slice %arg4[%add3A_677, %dma_start3A_685, %dma_start3A_686] : memref<1024x16x1024xf32, #tpu.memory_space<hbm>> -> memref<2x16x1024xf32, #tpu.memory_space<hbm>>
    %dma_start3A_688 = arith.constant 2 : i32
    %dma_start3A_689 = arith.constant 0 : i32
    %dma_start3A_690 = arith.constant 0 : i32
    %dma_start3A_691 = tpu.memref_slice %arg6[%dma_start3A_688, %dma_start3A_689, %dma_start3A_690] : memref<6x16x1024xf32, #tpu.memory_space<vmem>> -> memref<2x16x1024xf32, #tpu.memory_space<vmem>>
    tpu.enqueue_dma source(%dma_start3A_691 : memref<2x16x1024xf32, #tpu.memory_space<vmem>>) target(%dma_start3A_687 : memref<2x16x1024xf32, #tpu.memory_space<hbm>>) target_semaphore(%arg14 : memref<!tpu.dma_semaphore, #tpu.memory_space<semaphore_mem>>)
    %dma_wait3A_692 = arith.constant 2 : i32
    %dma_wait3A_693 = arith.constant 0 : i32
    %dma_wait3A_694 = arith.constant 0 : i32
    %dma_wait3A_695 = tpu.memref_slice %arg6[%dma_wait3A_692, %dma_wait3A_693, %dma_wait3A_694] : memref<6x16x1024xf32, #tpu.memory_space<vmem>> -> memref<2x16x1024xf32, #tpu.memory_space<vmem>>
    %dma_wait3A_696 = arith.constant 0 : i32
    %dma_wait3A_697 = arith.constant 0 : i32
    %dma_wait3A_698 = tpu.memref_slice %arg4[%add3A_677, %dma_wait3A_696, %dma_wait3A_697] : memref<1024x16x1024xf32, #tpu.memory_space<hbm>> -> memref<2x16x1024xf32, #tpu.memory_space<hbm>>
    %dma_wait3A_699 = arith.constant 0 : i32
    %dma_wait3A_700 = arith.constant 0 : i32
    %dma_wait3A_701 = tpu.memref_slice %arg4[%add3A_677, %dma_wait3A_699, %dma_wait3A_700] : memref<1024x16x1024xf32, #tpu.memory_space<hbm>> -> memref<2x16x1024xf32, #tpu.memory_space<hbm>>
    %dma_wait3A_702 = arith.constant 2 : i32
    %dma_wait3A_703 = arith.constant 0 : i32
    %dma_wait3A_704 = arith.constant 0 : i32
    %dma_wait3A_705 = tpu.memref_slice %arg6[%dma_wait3A_702, %dma_wait3A_703, %dma_wait3A_704] : memref<6x16x1024xf32, #tpu.memory_space<vmem>> -> memref<2x16x1024xf32, #tpu.memory_space<vmem>>
    tpu.wait_dma2 semaphore(%arg14 : memref<!tpu.dma_semaphore, #tpu.memory_space<semaphore_mem>>) src(%dma_wait3A_705 : memref<2x16x1024xf32, #tpu.memory_space<vmem>>) dst(%dma_wait3A_701 : memref<2x16x1024xf32, #tpu.memory_space<hbm>>)
    %dma_start3A_706 = arith.constant 20 : i32
    %dma_start3A_707 = arith.constant 2 : i32
    %dma_start3A_708 = arith.constant 0 : i32
    %dma_start3A_709 = arith.constant 0 : i32
    %dma_start3A_710 = tpu.memref_slice %arg6[%dma_start3A_707, %dma_start3A_708, %dma_start3A_709] : memref<6x16x1024xf32, #tpu.memory_space<vmem>> -> memref<1x16x1024xf32, #tpu.memory_space<vmem>>
    %dma_start3A_711 = tpu.memref_squeeze %dma_start3A_710 : memref<1x16x1024xf32, #tpu.memory_space<vmem>> -> memref<16x1024xf32, #tpu.memory_space<vmem>>
    %dma_start3A_712 = arith.constant 0 : i32
    %dma_start3A_713 = tpu.memref_slice %arg5[%dma_start3A_706, %dma_start3A_712] : memref<32x16xi32, #tpu.memory_space<vmem>> -> memref<1x16xi32, #tpu.memory_space<vmem>>
    %dma_start3A_714 = tpu.memref_squeeze %dma_start3A_713 : memref<1x16xi32, #tpu.memory_space<vmem>> -> memref<16xi32, #tpu.memory_space<vmem>>
    %dma_start3A_715 = arith.constant 0 : i32
    %dma_start3A_716 = arith.constant 0 : i32
    %dma_start3A_717 = tpu.memref_slice %arg3[%dma_start3A_715, %dma_start3A_716] : memref<100000x1024xf32, #tpu.memory_space<hbm>> -> memref<100000x1024xf32, #tpu.memory_space<hbm>>
    tpu.enqueue_indirect_dma source(%dma_start3A_717 : memref<100000x1024xf32, #tpu.memory_space<hbm>>) target(%dma_start3A_711 : memref<16x1024xf32, #tpu.memory_space<vmem>>) offsets(%dma_start3A_714 : memref<16xi32, #tpu.memory_space<vmem>>) semaphore(%arg9 : memref<!tpu.dma_semaphore, #tpu.memory_space<semaphore_mem>>)
    %dma_wait3A_718 = arith.constant 16 : i32
    %dma_wait3A_719 = arith.constant 4 : i32
    %dma_wait3A_720 = arith.constant 0 : i32
    %dma_wait3A_721 = arith.constant 0 : i32
    %dma_wait3A_722 = tpu.memref_slice %arg6[%dma_wait3A_719, %dma_wait3A_720, %dma_wait3A_721] : memref<6x16x1024xf32, #tpu.memory_space<vmem>> -> memref<1x16x1024xf32, #tpu.memory_space<vmem>>
    %dma_wait3A_723 = tpu.memref_squeeze %dma_wait3A_722 : memref<1x16x1024xf32, #tpu.memory_space<vmem>> -> memref<16x1024xf32, #tpu.memory_space<vmem>>
    %dma_wait3A_724 = arith.constant 0 : i32
    %dma_wait3A_725 = tpu.memref_slice %arg5[%dma_wait3A_718, %dma_wait3A_724] : memref<32x16xi32, #tpu.memory_space<vmem>> -> memref<1x16xi32, #tpu.memory_space<vmem>>
    %dma_wait3A_726 = tpu.memref_squeeze %dma_wait3A_725 : memref<1x16xi32, #tpu.memory_space<vmem>> -> memref<16xi32, #tpu.memory_space<vmem>>
    %dma_wait3A_727 = arith.constant 0 : i32
    %dma_wait3A_728 = arith.constant 0 : i32
    %dma_wait3A_729 = tpu.memref_slice %arg3[%dma_wait3A_727, %dma_wait3A_728] : memref<100000x1024xf32, #tpu.memory_space<hbm>> -> memref<100000x1024xf32, #tpu.memory_space<hbm>>
    tpu.wait_indirect_dma semaphore(%arg11 : memref<!tpu.dma_semaphore, #tpu.memory_space<semaphore_mem>>) src(%dma_wait3A_729 : memref<100000x1024xf32, #tpu.memory_space<hbm>>) dst(%dma_wait3A_723 : memref<16x1024xf32, #tpu.memory_space<vmem>>)
    %dma_start3A_730 = arith.constant 21 : i32
    %dma_start3A_731 = arith.constant 3 : i32
    %dma_start3A_732 = arith.constant 0 : i32
    %dma_start3A_733 = arith.constant 0 : i32
    %dma_start3A_734 = tpu.memref_slice %arg6[%dma_start3A_731, %dma_start3A_732, %dma_start3A_733] : memref<6x16x1024xf32, #tpu.memory_space<vmem>> -> memref<1x16x1024xf32, #tpu.memory_space<vmem>>
    %dma_start3A_735 = tpu.memref_squeeze %dma_start3A_734 : memref<1x16x1024xf32, #tpu.memory_space<vmem>> -> memref<16x1024xf32, #tpu.memory_space<vmem>>
    %dma_start3A_736 = arith.constant 0 : i32
    %dma_start3A_737 = tpu.memref_slice %arg5[%dma_start3A_730, %dma_start3A_736] : memref<32x16xi32, #tpu.memory_space<vmem>> -> memref<1x16xi32, #tpu.memory_space<vmem>>
    %dma_start3A_738 = tpu.memref_squeeze %dma_start3A_737 : memref<1x16xi32, #tpu.memory_space<vmem>> -> memref<16xi32, #tpu.memory_space<vmem>>
    %dma_start3A_739 = arith.constant 0 : i32
    %dma_start3A_740 = arith.constant 0 : i32
    %dma_start3A_741 = tpu.memref_slice %arg3[%dma_start3A_739, %dma_start3A_740] : memref<100000x1024xf32, #tpu.memory_space<hbm>> -> memref<100000x1024xf32, #tpu.memory_space<hbm>>
    tpu.enqueue_indirect_dma source(%dma_start3A_741 : memref<100000x1024xf32, #tpu.memory_space<hbm>>) target(%dma_start3A_735 : memref<16x1024xf32, #tpu.memory_space<vmem>>) offsets(%dma_start3A_738 : memref<16xi32, #tpu.memory_space<vmem>>) semaphore(%arg10 : memref<!tpu.dma_semaphore, #tpu.memory_space<semaphore_mem>>)
    %dma_wait3A_742 = arith.constant 17 : i32
    %dma_wait3A_743 = arith.constant 5 : i32
    %dma_wait3A_744 = arith.constant 0 : i32
    %dma_wait3A_745 = arith.constant 0 : i32
    %dma_wait3A_746 = tpu.memref_slice %arg6[%dma_wait3A_743, %dma_wait3A_744, %dma_wait3A_745] : memref<6x16x1024xf32, #tpu.memory_space<vmem>> -> memref<1x16x1024xf32, #tpu.memory_space<vmem>>
    %dma_wait3A_747 = tpu.memref_squeeze %dma_wait3A_746 : memref<1x16x1024xf32, #tpu.memory_space<vmem>> -> memref<16x1024xf32, #tpu.memory_space<vmem>>
    %dma_wait3A_748 = arith.constant 0 : i32
    %dma_wait3A_749 = tpu.memref_slice %arg5[%dma_wait3A_742, %dma_wait3A_748] : memref<32x16xi32, #tpu.memory_space<vmem>> -> memref<1x16xi32, #tpu.memory_space<vmem>>
    %dma_wait3A_750 = tpu.memref_squeeze %dma_wait3A_749 : memref<1x16xi32, #tpu.memory_space<vmem>> -> memref<16xi32, #tpu.memory_space<vmem>>
    %dma_wait3A_751 = arith.constant 0 : i32
    %dma_wait3A_752 = arith.constant 0 : i32
    %dma_wait3A_753 = tpu.memref_slice %arg3[%dma_wait3A_751, %dma_wait3A_752] : memref<100000x1024xf32, #tpu.memory_space<hbm>> -> memref<100000x1024xf32, #tpu.memory_space<hbm>>
    tpu.wait_indirect_dma semaphore(%arg12 : memref<!tpu.dma_semaphore, #tpu.memory_space<semaphore_mem>>) src(%dma_wait3A_753 : memref<100000x1024xf32, #tpu.memory_space<hbm>>) dst(%dma_wait3A_747 : memref<16x1024xf32, #tpu.memory_space<vmem>>)
    %add3A_754 = arith.constant 17 : i32
    %add3A_755 = arith.addi %mul3A_4, %add3A_754 : i32
    %sub3A_756 = arith.constant 2 : i32
    %sub3A_757 = arith.subi %add3A_755, %sub3A_756 : i32
    %add3A_758 = arith.constant 1 : i32
    %add3A_759 = arith.addi %sub3A_757, %add3A_758 : i32
    %dma_start3A_760 = arith.constant 4 : i32
    %dma_start3A_761 = arith.constant 0 : i32
    %dma_start3A_762 = arith.constant 0 : i32
    %dma_start3A_763 = tpu.memref_slice %arg6[%dma_start3A_760, %dma_start3A_761, %dma_start3A_762] : memref<6x16x1024xf32, #tpu.memory_space<vmem>> -> memref<2x16x1024xf32, #tpu.memory_space<vmem>>
    %dma_start3A_764 = arith.constant 0 : i32
    %dma_start3A_765 = arith.constant 0 : i32
    %dma_start3A_766 = tpu.memref_slice %arg4[%add3A_759, %dma_start3A_764, %dma_start3A_765] : memref<1024x16x1024xf32, #tpu.memory_space<hbm>> -> memref<2x16x1024xf32, #tpu.memory_space<hbm>>
    %dma_start3A_767 = arith.constant 0 : i32
    %dma_start3A_768 = arith.constant 0 : i32
    %dma_start3A_769 = tpu.memref_slice %arg4[%add3A_759, %dma_start3A_767, %dma_start3A_768] : memref<1024x16x1024xf32, #tpu.memory_space<hbm>> -> memref<2x16x1024xf32, #tpu.memory_space<hbm>>
    %dma_start3A_770 = arith.constant 4 : i32
    %dma_start3A_771 = arith.constant 0 : i32
    %dma_start3A_772 = arith.constant 0 : i32
    %dma_start3A_773 = tpu.memref_slice %arg6[%dma_start3A_770, %dma_start3A_771, %dma_start3A_772] : memref<6x16x1024xf32, #tpu.memory_space<vmem>> -> memref<2x16x1024xf32, #tpu.memory_space<vmem>>
    tpu.enqueue_dma source(%dma_start3A_773 : memref<2x16x1024xf32, #tpu.memory_space<vmem>>) target(%dma_start3A_769 : memref<2x16x1024xf32, #tpu.memory_space<hbm>>) target_semaphore(%arg15 : memref<!tpu.dma_semaphore, #tpu.memory_space<semaphore_mem>>)
    %dma_wait3A_774 = arith.constant 4 : i32
    %dma_wait3A_775 = arith.constant 0 : i32
    %dma_wait3A_776 = arith.constant 0 : i32
    %dma_wait3A_777 = tpu.memref_slice %arg6[%dma_wait3A_774, %dma_wait3A_775, %dma_wait3A_776] : memref<6x16x1024xf32, #tpu.memory_space<vmem>> -> memref<2x16x1024xf32, #tpu.memory_space<vmem>>
    %dma_wait3A_778 = arith.constant 0 : i32
    %dma_wait3A_779 = arith.constant 0 : i32
    %dma_wait3A_780 = tpu.memref_slice %arg4[%add3A_759, %dma_wait3A_778, %dma_wait3A_779] : memref<1024x16x1024xf32, #tpu.memory_space<hbm>> -> memref<2x16x1024xf32, #tpu.memory_space<hbm>>
    %dma_wait3A_781 = arith.constant 0 : i32
    %dma_wait3A_782 = arith.constant 0 : i32
    %dma_wait3A_783 = tpu.memref_slice %arg4[%add3A_759, %dma_wait3A_781, %dma_wait3A_782] : memref<1024x16x1024xf32, #tpu.memory_space<hbm>> -> memref<2x16x1024xf32, #tpu.memory_space<hbm>>
    %dma_wait3A_784 = arith.constant 4 : i32
    %dma_wait3A_785 = arith.constant 0 : i32
    %dma_wait3A_786 = arith.constant 0 : i32
    %dma_wait3A_787 = tpu.memref_slice %arg6[%dma_wait3A_784, %dma_wait3A_785, %dma_wait3A_786] : memref<6x16x1024xf32, #tpu.memory_space<vmem>> -> memref<2x16x1024xf32, #tpu.memory_space<vmem>>
    tpu.wait_dma2 semaphore(%arg15 : memref<!tpu.dma_semaphore, #tpu.memory_space<semaphore_mem>>) src(%dma_wait3A_787 : memref<2x16x1024xf32, #tpu.memory_space<vmem>>) dst(%dma_wait3A_783 : memref<2x16x1024xf32, #tpu.memory_space<hbm>>)
    %dma_start3A_788 = arith.constant 22 : i32
    %dma_start3A_789 = arith.constant 4 : i32
    %dma_start3A_790 = arith.constant 0 : i32
    %dma_start3A_791 = arith.constant 0 : i32
    %dma_start3A_792 = tpu.memref_slice %arg6[%dma_start3A_789, %dma_start3A_790, %dma_start3A_791] : memref<6x16x1024xf32, #tpu.memory_space<vmem>> -> memref<1x16x1024xf32, #tpu.memory_space<vmem>>
    %dma_start3A_793 = tpu.memref_squeeze %dma_start3A_792 : memref<1x16x1024xf32, #tpu.memory_space<vmem>> -> memref<16x1024xf32, #tpu.memory_space<vmem>>
    %dma_start3A_794 = arith.constant 0 : i32
    %dma_start3A_795 = tpu.memref_slice %arg5[%dma_start3A_788, %dma_start3A_794] : memref<32x16xi32, #tpu.memory_space<vmem>> -> memref<1x16xi32, #tpu.memory_space<vmem>>
    %dma_start3A_796 = tpu.memref_squeeze %dma_start3A_795 : memref<1x16xi32, #tpu.memory_space<vmem>> -> memref<16xi32, #tpu.memory_space<vmem>>
    %dma_start3A_797 = arith.constant 0 : i32
    %dma_start3A_798 = arith.constant 0 : i32
    %dma_start3A_799 = tpu.memref_slice %arg3[%dma_start3A_797, %dma_start3A_798] : memref<100000x1024xf32, #tpu.memory_space<hbm>> -> memref<100000x1024xf32, #tpu.memory_space<hbm>>
    tpu.enqueue_indirect_dma source(%dma_start3A_799 : memref<100000x1024xf32, #tpu.memory_space<hbm>>) target(%dma_start3A_793 : memref<16x1024xf32, #tpu.memory_space<vmem>>) offsets(%dma_start3A_796 : memref<16xi32, #tpu.memory_space<vmem>>) semaphore(%arg11 : memref<!tpu.dma_semaphore, #tpu.memory_space<semaphore_mem>>)
    %dma_wait3A_800 = arith.constant 18 : i32
    %dma_wait3A_801 = arith.constant 0 : i32
    %dma_wait3A_802 = arith.constant 0 : i32
    %dma_wait3A_803 = arith.constant 0 : i32
    %dma_wait3A_804 = tpu.memref_slice %arg6[%dma_wait3A_801, %dma_wait3A_802, %dma_wait3A_803] : memref<6x16x1024xf32, #tpu.memory_space<vmem>> -> memref<1x16x1024xf32, #tpu.memory_space<vmem>>
    %dma_wait3A_805 = tpu.memref_squeeze %dma_wait3A_804 : memref<1x16x1024xf32, #tpu.memory_space<vmem>> -> memref<16x1024xf32, #tpu.memory_space<vmem>>
    %dma_wait3A_806 = arith.constant 0 : i32
    %dma_wait3A_807 = tpu.memref_slice %arg5[%dma_wait3A_800, %dma_wait3A_806] : memref<32x16xi32, #tpu.memory_space<vmem>> -> memref<1x16xi32, #tpu.memory_space<vmem>>
    %dma_wait3A_808 = tpu.memref_squeeze %dma_wait3A_807 : memref<1x16xi32, #tpu.memory_space<vmem>> -> memref<16xi32, #tpu.memory_space<vmem>>
    %dma_wait3A_809 = arith.constant 0 : i32
    %dma_wait3A_810 = arith.constant 0 : i32
    %dma_wait3A_811 = tpu.memref_slice %arg3[%dma_wait3A_809, %dma_wait3A_810] : memref<100000x1024xf32, #tpu.memory_space<hbm>> -> memref<100000x1024xf32, #tpu.memory_space<hbm>>
    tpu.wait_indirect_dma semaphore(%arg7 : memref<!tpu.dma_semaphore, #tpu.memory_space<semaphore_mem>>) src(%dma_wait3A_811 : memref<100000x1024xf32, #tpu.memory_space<hbm>>) dst(%dma_wait3A_805 : memref<16x1024xf32, #tpu.memory_space<vmem>>)
    %dma_start3A_812 = arith.constant 23 : i32
    %dma_start3A_813 = arith.constant 5 : i32
    %dma_start3A_814 = arith.constant 0 : i32
    %dma_start3A_815 = arith.constant 0 : i32
    %dma_start3A_816 = tpu.memref_slice %arg6[%dma_start3A_813, %dma_start3A_814, %dma_start3A_815] : memref<6x16x1024xf32, #tpu.memory_space<vmem>> -> memref<1x16x1024xf32, #tpu.memory_space<vmem>>
    %dma_start3A_817 = tpu.memref_squeeze %dma_start3A_816 : memref<1x16x1024xf32, #tpu.memory_space<vmem>> -> memref<16x1024xf32, #tpu.memory_space<vmem>>
    %dma_start3A_818 = arith.constant 0 : i32
    %dma_start3A_819 = tpu.memref_slice %arg5[%dma_start3A_812, %dma_start3A_818] : memref<32x16xi32, #tpu.memory_space<vmem>> -> memref<1x16xi32, #tpu.memory_space<vmem>>
    %dma_start3A_820 = tpu.memref_squeeze %dma_start3A_819 : memref<1x16xi32, #tpu.memory_space<vmem>> -> memref<16xi32, #tpu.memory_space<vmem>>
    %dma_start3A_821 = arith.constant 0 : i32
    %dma_start3A_822 = arith.constant 0 : i32
    %dma_start3A_823 = tpu.memref_slice %arg3[%dma_start3A_821, %dma_start3A_822] : memref<100000x1024xf32, #tpu.memory_space<hbm>> -> memref<100000x1024xf32, #tpu.memory_space<hbm>>
    tpu.enqueue_indirect_dma source(%dma_start3A_823 : memref<100000x1024xf32, #tpu.memory_space<hbm>>) target(%dma_start3A_817 : memref<16x1024xf32, #tpu.memory_space<vmem>>) offsets(%dma_start3A_820 : memref<16xi32, #tpu.memory_space<vmem>>) semaphore(%arg12 : memref<!tpu.dma_semaphore, #tpu.memory_space<semaphore_mem>>)
    %dma_wait3A_824 = arith.constant 19 : i32
    %dma_wait3A_825 = arith.constant 1 : i32
    %dma_wait3A_826 = arith.constant 0 : i32
    %dma_wait3A_827 = arith.constant 0 : i32
    %dma_wait3A_828 = tpu.memref_slice %arg6[%dma_wait3A_825, %dma_wait3A_826, %dma_wait3A_827] : memref<6x16x1024xf32, #tpu.memory_space<vmem>> -> memref<1x16x1024xf32, #tpu.memory_space<vmem>>
    %dma_wait3A_829 = tpu.memref_squeeze %dma_wait3A_828 : memref<1x16x1024xf32, #tpu.memory_space<vmem>> -> memref<16x1024xf32, #tpu.memory_space<vmem>>
    %dma_wait3A_830 = arith.constant 0 : i32
    %dma_wait3A_831 = tpu.memref_slice %arg5[%dma_wait3A_824, %dma_wait3A_830] : memref<32x16xi32, #tpu.memory_space<vmem>> -> memref<1x16xi32, #tpu.memory_space<vmem>>
    %dma_wait3A_832 = tpu.memref_squeeze %dma_wait3A_831 : memref<1x16xi32, #tpu.memory_space<vmem>> -> memref<16xi32, #tpu.memory_space<vmem>>
    %dma_wait3A_833 = arith.constant 0 : i32
    %dma_wait3A_834 = arith.constant 0 : i32
    %dma_wait3A_835 = tpu.memref_slice %arg3[%dma_wait3A_833, %dma_wait3A_834] : memref<100000x1024xf32, #tpu.memory_space<hbm>> -> memref<100000x1024xf32, #tpu.memory_space<hbm>>
    tpu.wait_indirect_dma semaphore(%arg8 : memref<!tpu.dma_semaphore, #tpu.memory_space<semaphore_mem>>) src(%dma_wait3A_835 : memref<100000x1024xf32, #tpu.memory_space<hbm>>) dst(%dma_wait3A_829 : memref<16x1024xf32, #tpu.memory_space<vmem>>)
    %add3A_836 = arith.constant 19 : i32
    %add3A_837 = arith.addi %mul3A_4, %add3A_836 : i32
    %sub3A_838 = arith.constant 2 : i32
    %sub3A_839 = arith.subi %add3A_837, %sub3A_838 : i32
    %add3A_840 = arith.constant 1 : i32
    %add3A_841 = arith.addi %sub3A_839, %add3A_840 : i32
    %dma_start3A_842 = arith.constant 0 : i32
    %dma_start3A_843 = arith.constant 0 : i32
    %dma_start3A_844 = arith.constant 0 : i32
    %dma_start3A_845 = tpu.memref_slice %arg6[%dma_start3A_842, %dma_start3A_843, %dma_start3A_844] : memref<6x16x1024xf32, #tpu.memory_space<vmem>> -> memref<2x16x1024xf32, #tpu.memory_space<vmem>>
    %dma_start3A_846 = arith.constant 0 : i32
    %dma_start3A_847 = arith.constant 0 : i32
    %dma_start3A_848 = tpu.memref_slice %arg4[%add3A_841, %dma_start3A_846, %dma_start3A_847] : memref<1024x16x1024xf32, #tpu.memory_space<hbm>> -> memref<2x16x1024xf32, #tpu.memory_space<hbm>>
    %dma_start3A_849 = arith.constant 0 : i32
    %dma_start3A_850 = arith.constant 0 : i32
    %dma_start3A_851 = tpu.memref_slice %arg4[%add3A_841, %dma_start3A_849, %dma_start3A_850] : memref<1024x16x1024xf32, #tpu.memory_space<hbm>> -> memref<2x16x1024xf32, #tpu.memory_space<hbm>>
    %dma_start3A_852 = arith.constant 0 : i32
    %dma_start3A_853 = arith.constant 0 : i32
    %dma_start3A_854 = arith.constant 0 : i32
    %dma_start3A_855 = tpu.memref_slice %arg6[%dma_start3A_852, %dma_start3A_853, %dma_start3A_854] : memref<6x16x1024xf32, #tpu.memory_space<vmem>> -> memref<2x16x1024xf32, #tpu.memory_space<vmem>>
    tpu.enqueue_dma source(%dma_start3A_855 : memref<2x16x1024xf32, #tpu.memory_space<vmem>>) target(%dma_start3A_851 : memref<2x16x1024xf32, #tpu.memory_space<hbm>>) target_semaphore(%arg13 : memref<!tpu.dma_semaphore, #tpu.memory_space<semaphore_mem>>)
    %dma_wait3A_856 = arith.constant 0 : i32
    %dma_wait3A_857 = arith.constant 0 : i32
    %dma_wait3A_858 = arith.constant 0 : i32
    %dma_wait3A_859 = tpu.memref_slice %arg6[%dma_wait3A_856, %dma_wait3A_857, %dma_wait3A_858] : memref<6x16x1024xf32, #tpu.memory_space<vmem>> -> memref<2x16x1024xf32, #tpu.memory_space<vmem>>
    %dma_wait3A_860 = arith.constant 0 : i32
    %dma_wait3A_861 = arith.constant 0 : i32
    %dma_wait3A_862 = tpu.memref_slice %arg4[%add3A_841, %dma_wait3A_860, %dma_wait3A_861] : memref<1024x16x1024xf32, #tpu.memory_space<hbm>> -> memref<2x16x1024xf32, #tpu.memory_space<hbm>>
    %dma_wait3A_863 = arith.constant 0 : i32
    %dma_wait3A_864 = arith.constant 0 : i32
    %dma_wait3A_865 = tpu.memref_slice %arg4[%add3A_841, %dma_wait3A_863, %dma_wait3A_864] : memref<1024x16x1024xf32, #tpu.memory_space<hbm>> -> memref<2x16x1024xf32, #tpu.memory_space<hbm>>
    %dma_wait3A_866 = arith.constant 0 : i32
    %dma_wait3A_867 = arith.constant 0 : i32
    %dma_wait3A_868 = arith.constant 0 : i32
    %dma_wait3A_869 = tpu.memref_slice %arg6[%dma_wait3A_866, %dma_wait3A_867, %dma_wait3A_868] : memref<6x16x1024xf32, #tpu.memory_space<vmem>> -> memref<2x16x1024xf32, #tpu.memory_space<vmem>>
    tpu.wait_dma2 semaphore(%arg13 : memref<!tpu.dma_semaphore, #tpu.memory_space<semaphore_mem>>) src(%dma_wait3A_869 : memref<2x16x1024xf32, #tpu.memory_space<vmem>>) dst(%dma_wait3A_865 : memref<2x16x1024xf32, #tpu.memory_space<hbm>>)
    %dma_start3A_870 = arith.constant 24 : i32
    %dma_start3A_871 = arith.constant 0 : i32
    %dma_start3A_872 = arith.constant 0 : i32
    %dma_start3A_873 = arith.constant 0 : i32
    %dma_start3A_874 = tpu.memref_slice %arg6[%dma_start3A_871, %dma_start3A_872, %dma_start3A_873] : memref<6x16x1024xf32, #tpu.memory_space<vmem>> -> memref<1x16x1024xf32, #tpu.memory_space<vmem>>
    %dma_start3A_875 = tpu.memref_squeeze %dma_start3A_874 : memref<1x16x1024xf32, #tpu.memory_space<vmem>> -> memref<16x1024xf32, #tpu.memory_space<vmem>>
    %dma_start3A_876 = arith.constant 0 : i32
    %dma_start3A_877 = tpu.memref_slice %arg5[%dma_start3A_870, %dma_start3A_876] : memref<32x16xi32, #tpu.memory_space<vmem>> -> memref<1x16xi32, #tpu.memory_space<vmem>>
    %dma_start3A_878 = tpu.memref_squeeze %dma_start3A_877 : memref<1x16xi32, #tpu.memory_space<vmem>> -> memref<16xi32, #tpu.memory_space<vmem>>
    %dma_start3A_879 = arith.constant 0 : i32
    %dma_start3A_880 = arith.constant 0 : i32
    %dma_start3A_881 = tpu.memref_slice %arg3[%dma_start3A_879, %dma_start3A_880] : memref<100000x1024xf32, #tpu.memory_space<hbm>> -> memref<100000x1024xf32, #tpu.memory_space<hbm>>
    tpu.enqueue_indirect_dma source(%dma_start3A_881 : memref<100000x1024xf32, #tpu.memory_space<hbm>>) target(%dma_start3A_875 : memref<16x1024xf32, #tpu.memory_space<vmem>>) offsets(%dma_start3A_878 : memref<16xi32, #tpu.memory_space<vmem>>) semaphore(%arg7 : memref<!tpu.dma_semaphore, #tpu.memory_space<semaphore_mem>>)
    %dma_wait3A_882 = arith.constant 20 : i32
    %dma_wait3A_883 = arith.constant 2 : i32
    %dma_wait3A_884 = arith.constant 0 : i32
    %dma_wait3A_885 = arith.constant 0 : i32
    %dma_wait3A_886 = tpu.memref_slice %arg6[%dma_wait3A_883, %dma_wait3A_884, %dma_wait3A_885] : memref<6x16x1024xf32, #tpu.memory_space<vmem>> -> memref<1x16x1024xf32, #tpu.memory_space<vmem>>
    %dma_wait3A_887 = tpu.memref_squeeze %dma_wait3A_886 : memref<1x16x1024xf32, #tpu.memory_space<vmem>> -> memref<16x1024xf32, #tpu.memory_space<vmem>>
    %dma_wait3A_888 = arith.constant 0 : i32
    %dma_wait3A_889 = tpu.memref_slice %arg5[%dma_wait3A_882, %dma_wait3A_888] : memref<32x16xi32, #tpu.memory_space<vmem>> -> memref<1x16xi32, #tpu.memory_space<vmem>>
    %dma_wait3A_890 = tpu.memref_squeeze %dma_wait3A_889 : memref<1x16xi32, #tpu.memory_space<vmem>> -> memref<16xi32, #tpu.memory_space<vmem>>
    %dma_wait3A_891 = arith.constant 0 : i32
    %dma_wait3A_892 = arith.constant 0 : i32
    %dma_wait3A_893 = tpu.memref_slice %arg3[%dma_wait3A_891, %dma_wait3A_892] : memref<100000x1024xf32, #tpu.memory_space<hbm>> -> memref<100000x1024xf32, #tpu.memory_space<hbm>>
    tpu.wait_indirect_dma semaphore(%arg9 : memref<!tpu.dma_semaphore, #tpu.memory_space<semaphore_mem>>) src(%dma_wait3A_893 : memref<100000x1024xf32, #tpu.memory_space<hbm>>) dst(%dma_wait3A_887 : memref<16x1024xf32, #tpu.memory_space<vmem>>)
    %dma_start3A_894 = arith.constant 25 : i32
    %dma_start3A_895 = arith.constant 1 : i32
    %dma_start3A_896 = arith.constant 0 : i32
    %dma_start3A_897 = arith.constant 0 : i32
    %dma_start3A_898 = tpu.memref_slice %arg6[%dma_start3A_895, %dma_start3A_896, %dma_start3A_897] : memref<6x16x1024xf32, #tpu.memory_space<vmem>> -> memref<1x16x1024xf32, #tpu.memory_space<vmem>>
    %dma_start3A_899 = tpu.memref_squeeze %dma_start3A_898 : memref<1x16x1024xf32, #tpu.memory_space<vmem>> -> memref<16x1024xf32, #tpu.memory_space<vmem>>
    %dma_start3A_900 = arith.constant 0 : i32
    %dma_start3A_901 = tpu.memref_slice %arg5[%dma_start3A_894, %dma_start3A_900] : memref<32x16xi32, #tpu.memory_space<vmem>> -> memref<1x16xi32, #tpu.memory_space<vmem>>
    %dma_start3A_902 = tpu.memref_squeeze %dma_start3A_901 : memref<1x16xi32, #tpu.memory_space<vmem>> -> memref<16xi32, #tpu.memory_space<vmem>>
    %dma_start3A_903 = arith.constant 0 : i32
    %dma_start3A_904 = arith.constant 0 : i32
    %dma_start3A_905 = tpu.memref_slice %arg3[%dma_start3A_903, %dma_start3A_904] : memref<100000x1024xf32, #tpu.memory_space<hbm>> -> memref<100000x1024xf32, #tpu.memory_space<hbm>>
    tpu.enqueue_indirect_dma source(%dma_start3A_905 : memref<100000x1024xf32, #tpu.memory_space<hbm>>) target(%dma_start3A_899 : memref<16x1024xf32, #tpu.memory_space<vmem>>) offsets(%dma_start3A_902 : memref<16xi32, #tpu.memory_space<vmem>>) semaphore(%arg8 : memref<!tpu.dma_semaphore, #tpu.memory_space<semaphore_mem>>)
    %dma_wait3A_906 = arith.constant 21 : i32
    %dma_wait3A_907 = arith.constant 3 : i32
    %dma_wait3A_908 = arith.constant 0 : i32
    %dma_wait3A_909 = arith.constant 0 : i32
    %dma_wait3A_910 = tpu.memref_slice %arg6[%dma_wait3A_907, %dma_wait3A_908, %dma_wait3A_909] : memref<6x16x1024xf32, #tpu.memory_space<vmem>> -> memref<1x16x1024xf32, #tpu.memory_space<vmem>>
    %dma_wait3A_911 = tpu.memref_squeeze %dma_wait3A_910 : memref<1x16x1024xf32, #tpu.memory_space<vmem>> -> memref<16x1024xf32, #tpu.memory_space<vmem>>
    %dma_wait3A_912 = arith.constant 0 : i32
    %dma_wait3A_913 = tpu.memref_slice %arg5[%dma_wait3A_906, %dma_wait3A_912] : memref<32x16xi32, #tpu.memory_space<vmem>> -> memref<1x16xi32, #tpu.memory_space<vmem>>
    %dma_wait3A_914 = tpu.memref_squeeze %dma_wait3A_913 : memref<1x16xi32, #tpu.memory_space<vmem>> -> memref<16xi32, #tpu.memory_space<vmem>>
    %dma_wait3A_915 = arith.constant 0 : i32
    %dma_wait3A_916 = arith.constant 0 : i32
    %dma_wait3A_917 = tpu.memref_slice %arg3[%dma_wait3A_915, %dma_wait3A_916] : memref<100000x1024xf32, #tpu.memory_space<hbm>> -> memref<100000x1024xf32, #tpu.memory_space<hbm>>
    tpu.wait_indirect_dma semaphore(%arg10 : memref<!tpu.dma_semaphore, #tpu.memory_space<semaphore_mem>>) src(%dma_wait3A_917 : memref<100000x1024xf32, #tpu.memory_space<hbm>>) dst(%dma_wait3A_911 : memref<16x1024xf32, #tpu.memory_space<vmem>>)
    %add3A_918 = arith.constant 21 : i32
    %add3A_919 = arith.addi %mul3A_4, %add3A_918 : i32
    %sub3A_920 = arith.constant 2 : i32
    %sub3A_921 = arith.subi %add3A_919, %sub3A_920 : i32
    %add3A_922 = arith.constant 1 : i32
    %add3A_923 = arith.addi %sub3A_921, %add3A_922 : i32
    %dma_start3A_924 = arith.constant 2 : i32
    %dma_start3A_925 = arith.constant 0 : i32
    %dma_start3A_926 = arith.constant 0 : i32
    %dma_start3A_927 = tpu.memref_slice %arg6[%dma_start3A_924, %dma_start3A_925, %dma_start3A_926] : memref<6x16x1024xf32, #tpu.memory_space<vmem>> -> memref<2x16x1024xf32, #tpu.memory_space<vmem>>
    %dma_start3A_928 = arith.constant 0 : i32
    %dma_start3A_929 = arith.constant 0 : i32
    %dma_start3A_930 = tpu.memref_slice %arg4[%add3A_923, %dma_start3A_928, %dma_start3A_929] : memref<1024x16x1024xf32, #tpu.memory_space<hbm>> -> memref<2x16x1024xf32, #tpu.memory_space<hbm>>
    %dma_start3A_931 = arith.constant 0 : i32
    %dma_start3A_932 = arith.constant 0 : i32
    %dma_start3A_933 = tpu.memref_slice %arg4[%add3A_923, %dma_start3A_931, %dma_start3A_932] : memref<1024x16x1024xf32, #tpu.memory_space<hbm>> -> memref<2x16x1024xf32, #tpu.memory_space<hbm>>
    %dma_start3A_934 = arith.constant 2 : i32
    %dma_start3A_935 = arith.constant 0 : i32
    %dma_start3A_936 = arith.constant 0 : i32
    %dma_start3A_937 = tpu.memref_slice %arg6[%dma_start3A_934, %dma_start3A_935, %dma_start3A_936] : memref<6x16x1024xf32, #tpu.memory_space<vmem>> -> memref<2x16x1024xf32, #tpu.memory_space<vmem>>
    tpu.enqueue_dma source(%dma_start3A_937 : memref<2x16x1024xf32, #tpu.memory_space<vmem>>) target(%dma_start3A_933 : memref<2x16x1024xf32, #tpu.memory_space<hbm>>) target_semaphore(%arg14 : memref<!tpu.dma_semaphore, #tpu.memory_space<semaphore_mem>>)
    %dma_wait3A_938 = arith.constant 2 : i32
    %dma_wait3A_939 = arith.constant 0 : i32
    %dma_wait3A_940 = arith.constant 0 : i32
    %dma_wait3A_941 = tpu.memref_slice %arg6[%dma_wait3A_938, %dma_wait3A_939, %dma_wait3A_940] : memref<6x16x1024xf32, #tpu.memory_space<vmem>> -> memref<2x16x1024xf32, #tpu.memory_space<vmem>>
    %dma_wait3A_942 = arith.constant 0 : i32
    %dma_wait3A_943 = arith.constant 0 : i32
    %dma_wait3A_944 = tpu.memref_slice %arg4[%add3A_923, %dma_wait3A_942, %dma_wait3A_943] : memref<1024x16x1024xf32, #tpu.memory_space<hbm>> -> memref<2x16x1024xf32, #tpu.memory_space<hbm>>
    %dma_wait3A_945 = arith.constant 0 : i32
    %dma_wait3A_946 = arith.constant 0 : i32
    %dma_wait3A_947 = tpu.memref_slice %arg4[%add3A_923, %dma_wait3A_945, %dma_wait3A_946] : memref<1024x16x1024xf32, #tpu.memory_space<hbm>> -> memref<2x16x1024xf32, #tpu.memory_space<hbm>>
    %dma_wait3A_948 = arith.constant 2 : i32
    %dma_wait3A_949 = arith.constant 0 : i32
    %dma_wait3A_950 = arith.constant 0 : i32
    %dma_wait3A_951 = tpu.memref_slice %arg6[%dma_wait3A_948, %dma_wait3A_949, %dma_wait3A_950] : memref<6x16x1024xf32, #tpu.memory_space<vmem>> -> memref<2x16x1024xf32, #tpu.memory_space<vmem>>
    tpu.wait_dma2 semaphore(%arg14 : memref<!tpu.dma_semaphore, #tpu.memory_space<semaphore_mem>>) src(%dma_wait3A_951 : memref<2x16x1024xf32, #tpu.memory_space<vmem>>) dst(%dma_wait3A_947 : memref<2x16x1024xf32, #tpu.memory_space<hbm>>)
    %dma_start3A_952 = arith.constant 26 : i32
    %dma_start3A_953 = arith.constant 2 : i32
    %dma_start3A_954 = arith.constant 0 : i32
    %dma_start3A_955 = arith.constant 0 : i32
    %dma_start3A_956 = tpu.memref_slice %arg6[%dma_start3A_953, %dma_start3A_954, %dma_start3A_955] : memref<6x16x1024xf32, #tpu.memory_space<vmem>> -> memref<1x16x1024xf32, #tpu.memory_space<vmem>>
    %dma_start3A_957 = tpu.memref_squeeze %dma_start3A_956 : memref<1x16x1024xf32, #tpu.memory_space<vmem>> -> memref<16x1024xf32, #tpu.memory_space<vmem>>
    %dma_start3A_958 = arith.constant 0 : i32
    %dma_start3A_959 = tpu.memref_slice %arg5[%dma_start3A_952, %dma_start3A_958] : memref<32x16xi32, #tpu.memory_space<vmem>> -> memref<1x16xi32, #tpu.memory_space<vmem>>
    %dma_start3A_960 = tpu.memref_squeeze %dma_start3A_959 : memref<1x16xi32, #tpu.memory_space<vmem>> -> memref<16xi32, #tpu.memory_space<vmem>>
    %dma_start3A_961 = arith.constant 0 : i32
    %dma_start3A_962 = arith.constant 0 : i32
    %dma_start3A_963 = tpu.memref_slice %arg3[%dma_start3A_961, %dma_start3A_962] : memref<100000x1024xf32, #tpu.memory_space<hbm>> -> memref<100000x1024xf32, #tpu.memory_space<hbm>>
    tpu.enqueue_indirect_dma source(%dma_start3A_963 : memref<100000x1024xf32, #tpu.memory_space<hbm>>) target(%dma_start3A_957 : memref<16x1024xf32, #tpu.memory_space<vmem>>) offsets(%dma_start3A_960 : memref<16xi32, #tpu.memory_space<vmem>>) semaphore(%arg9 : memref<!tpu.dma_semaphore, #tpu.memory_space<semaphore_mem>>)
    %dma_wait3A_964 = arith.constant 22 : i32
    %dma_wait3A_965 = arith.constant 4 : i32
    %dma_wait3A_966 = arith.constant 0 : i32
    %dma_wait3A_967 = arith.constant 0 : i32
    %dma_wait3A_968 = tpu.memref_slice %arg6[%dma_wait3A_965, %dma_wait3A_966, %dma_wait3A_967] : memref<6x16x1024xf32, #tpu.memory_space<vmem>> -> memref<1x16x1024xf32, #tpu.memory_space<vmem>>
    %dma_wait3A_969 = tpu.memref_squeeze %dma_wait3A_968 : memref<1x16x1024xf32, #tpu.memory_space<vmem>> -> memref<16x1024xf32, #tpu.memory_space<vmem>>
    %dma_wait3A_970 = arith.constant 0 : i32
    %dma_wait3A_971 = tpu.memref_slice %arg5[%dma_wait3A_964, %dma_wait3A_970] : memref<32x16xi32, #tpu.memory_space<vmem>> -> memref<1x16xi32, #tpu.memory_space<vmem>>
    %dma_wait3A_972 = tpu.memref_squeeze %dma_wait3A_971 : memref<1x16xi32, #tpu.memory_space<vmem>> -> memref<16xi32, #tpu.memory_space<vmem>>
    %dma_wait3A_973 = arith.constant 0 : i32
    %dma_wait3A_974 = arith.constant 0 : i32
    %dma_wait3A_975 = tpu.memref_slice %arg3[%dma_wait3A_973, %dma_wait3A_974] : memref<100000x1024xf32, #tpu.memory_space<hbm>> -> memref<100000x1024xf32, #tpu.memory_space<hbm>>
    tpu.wait_indirect_dma semaphore(%arg11 : memref<!tpu.dma_semaphore, #tpu.memory_space<semaphore_mem>>) src(%dma_wait3A_975 : memref<100000x1024xf32, #tpu.memory_space<hbm>>) dst(%dma_wait3A_969 : memref<16x1024xf32, #tpu.memory_space<vmem>>)
    %dma_start3A_976 = arith.constant 27 : i32
    %dma_start3A_977 = arith.constant 3 : i32
    %dma_start3A_978 = arith.constant 0 : i32
    %dma_start3A_979 = arith.constant 0 : i32
    %dma_start3A_980 = tpu.memref_slice %arg6[%dma_start3A_977, %dma_start3A_978, %dma_start3A_979] : memref<6x16x1024xf32, #tpu.memory_space<vmem>> -> memref<1x16x1024xf32, #tpu.memory_space<vmem>>
    %dma_start3A_981 = tpu.memref_squeeze %dma_start3A_980 : memref<1x16x1024xf32, #tpu.memory_space<vmem>> -> memref<16x1024xf32, #tpu.memory_space<vmem>>
    %dma_start3A_982 = arith.constant 0 : i32
    %dma_start3A_983 = tpu.memref_slice %arg5[%dma_start3A_976, %dma_start3A_982] : memref<32x16xi32, #tpu.memory_space<vmem>> -> memref<1x16xi32, #tpu.memory_space<vmem>>
    %dma_start3A_984 = tpu.memref_squeeze %dma_start3A_983 : memref<1x16xi32, #tpu.memory_space<vmem>> -> memref<16xi32, #tpu.memory_space<vmem>>
    %dma_start3A_985 = arith.constant 0 : i32
    %dma_start3A_986 = arith.constant 0 : i32
    %dma_start3A_987 = tpu.memref_slice %arg3[%dma_start3A_985, %dma_start3A_986] : memref<100000x1024xf32, #tpu.memory_space<hbm>> -> memref<100000x1024xf32, #tpu.memory_space<hbm>>
    tpu.enqueue_indirect_dma source(%dma_start3A_987 : memref<100000x1024xf32, #tpu.memory_space<hbm>>) target(%dma_start3A_981 : memref<16x1024xf32, #tpu.memory_space<vmem>>) offsets(%dma_start3A_984 : memref<16xi32, #tpu.memory_space<vmem>>) semaphore(%arg10 : memref<!tpu.dma_semaphore, #tpu.memory_space<semaphore_mem>>)
    %dma_wait3A_988 = arith.constant 23 : i32
    %dma_wait3A_989 = arith.constant 5 : i32
    %dma_wait3A_990 = arith.constant 0 : i32
    %dma_wait3A_991 = arith.constant 0 : i32
    %dma_wait3A_992 = tpu.memref_slice %arg6[%dma_wait3A_989, %dma_wait3A_990, %dma_wait3A_991] : memref<6x16x1024xf32, #tpu.memory_space<vmem>> -> memref<1x16x1024xf32, #tpu.memory_space<vmem>>
    %dma_wait3A_993 = tpu.memref_squeeze %dma_wait3A_992 : memref<1x16x1024xf32, #tpu.memory_space<vmem>> -> memref<16x1024xf32, #tpu.memory_space<vmem>>
    %dma_wait3A_994 = arith.constant 0 : i32
    %dma_wait3A_995 = tpu.memref_slice %arg5[%dma_wait3A_988, %dma_wait3A_994] : memref<32x16xi32, #tpu.memory_space<vmem>> -> memref<1x16xi32, #tpu.memory_space<vmem>>
    %dma_wait3A_996 = tpu.memref_squeeze %dma_wait3A_995 : memref<1x16xi32, #tpu.memory_space<vmem>> -> memref<16xi32, #tpu.memory_space<vmem>>
    %dma_wait3A_997 = arith.constant 0 : i32
    %dma_wait3A_998 = arith.constant 0 : i32
    %dma_wait3A_999 = tpu.memref_slice %arg3[%dma_wait3A_997, %dma_wait3A_998] : memref<100000x1024xf32, #tpu.memory_space<hbm>> -> memref<100000x1024xf32, #tpu.memory_space<hbm>>
    tpu.wait_indirect_dma semaphore(%arg12 : memref<!tpu.dma_semaphore, #tpu.memory_space<semaphore_mem>>) src(%dma_wait3A_999 : memref<100000x1024xf32, #tpu.memory_space<hbm>>) dst(%dma_wait3A_993 : memref<16x1024xf32, #tpu.memory_space<vmem>>)
    %add3A_1000 = arith.constant 23 : i32
    %add3A_1001 = arith.addi %mul3A_4, %add3A_1000 : i32
    %sub3A_1002 = arith.constant 2 : i32
    %sub3A_1003 = arith.subi %add3A_1001, %sub3A_1002 : i32
    %add3A_1004 = arith.constant 1 : i32
    %add3A_1005 = arith.addi %sub3A_1003, %add3A_1004 : i32
    %dma_start3A_1006 = arith.constant 4 : i32
    %dma_start3A_1007 = arith.constant 0 : i32
    %dma_start3A_1008 = arith.constant 0 : i32
    %dma_start3A_1009 = tpu.memref_slice %arg6[%dma_start3A_1006, %dma_start3A_1007, %dma_start3A_1008] : memref<6x16x1024xf32, #tpu.memory_space<vmem>> -> memref<2x16x1024xf32, #tpu.memory_space<vmem>>
    %dma_start3A_1010 = arith.constant 0 : i32
    %dma_start3A_1011 = arith.constant 0 : i32
    %dma_start3A_1012 = tpu.memref_slice %arg4[%add3A_1005, %dma_start3A_1010, %dma_start3A_1011] : memref<1024x16x1024xf32, #tpu.memory_space<hbm>> -> memref<2x16x1024xf32, #tpu.memory_space<hbm>>
    %dma_start3A_1013 = arith.constant 0 : i32
    %dma_start3A_1014 = arith.constant 0 : i32
    %dma_start3A_1015 = tpu.memref_slice %arg4[%add3A_1005, %dma_start3A_1013, %dma_start3A_1014] : memref<1024x16x1024xf32, #tpu.memory_space<hbm>> -> memref<2x16x1024xf32, #tpu.memory_space<hbm>>
    %dma_start3A_1016 = arith.constant 4 : i32
    %dma_start3A_1017 = arith.constant 0 : i32
    %dma_start3A_1018 = arith.constant 0 : i32
    %dma_start3A_1019 = tpu.memref_slice %arg6[%dma_start3A_1016, %dma_start3A_1017, %dma_start3A_1018] : memref<6x16x1024xf32, #tpu.memory_space<vmem>> -> memref<2x16x1024xf32, #tpu.memory_space<vmem>>
    tpu.enqueue_dma source(%dma_start3A_1019 : memref<2x16x1024xf32, #tpu.memory_space<vmem>>) target(%dma_start3A_1015 : memref<2x16x1024xf32, #tpu.memory_space<hbm>>) target_semaphore(%arg15 : memref<!tpu.dma_semaphore, #tpu.memory_space<semaphore_mem>>)
    %dma_wait3A_1020 = arith.constant 4 : i32
    %dma_wait3A_1021 = arith.constant 0 : i32
    %dma_wait3A_1022 = arith.constant 0 : i32
    %dma_wait3A_1023 = tpu.memref_slice %arg6[%dma_wait3A_1020, %dma_wait3A_1021, %dma_wait3A_1022] : memref<6x16x1024xf32, #tpu.memory_space<vmem>> -> memref<2x16x1024xf32, #tpu.memory_space<vmem>>
    %dma_wait3A_1024 = arith.constant 0 : i32
    %dma_wait3A_1025 = arith.constant 0 : i32
    %dma_wait3A_1026 = tpu.memref_slice %arg4[%add3A_1005, %dma_wait3A_1024, %dma_wait3A_1025] : memref<1024x16x1024xf32, #tpu.memory_space<hbm>> -> memref<2x16x1024xf32, #tpu.memory_space<hbm>>
    %dma_wait3A_1027 = arith.constant 0 : i32
    %dma_wait3A_1028 = arith.constant 0 : i32
    %dma_wait3A_1029 = tpu.memref_slice %arg4[%add3A_1005, %dma_wait3A_1027, %dma_wait3A_1028] : memref<1024x16x1024xf32, #tpu.memory_space<hbm>> -> memref<2x16x1024xf32, #tpu.memory_space<hbm>>
    %dma_wait3A_1030 = arith.constant 4 : i32
    %dma_wait3A_1031 = arith.constant 0 : i32
    %dma_wait3A_1032 = arith.constant 0 : i32
    %dma_wait3A_1033 = tpu.memref_slice %arg6[%dma_wait3A_1030, %dma_wait3A_1031, %dma_wait3A_1032] : memref<6x16x1024xf32, #tpu.memory_space<vmem>> -> memref<2x16x1024xf32, #tpu.memory_space<vmem>>
    tpu.wait_dma2 semaphore(%arg15 : memref<!tpu.dma_semaphore, #tpu.memory_space<semaphore_mem>>) src(%dma_wait3A_1033 : memref<2x16x1024xf32, #tpu.memory_space<vmem>>) dst(%dma_wait3A_1029 : memref<2x16x1024xf32, #tpu.memory_space<hbm>>)
    %dma_start3A_1034 = arith.constant 28 : i32
    %dma_start3A_1035 = arith.constant 4 : i32
    %dma_start3A_1036 = arith.constant 0 : i32
    %dma_start3A_1037 = arith.constant 0 : i32
    %dma_start3A_1038 = tpu.memref_slice %arg6[%dma_start3A_1035, %dma_start3A_1036, %dma_start3A_1037] : memref<6x16x1024xf32, #tpu.memory_space<vmem>> -> memref<1x16x1024xf32, #tpu.memory_space<vmem>>
    %dma_start3A_1039 = tpu.memref_squeeze %dma_start3A_1038 : memref<1x16x1024xf32, #tpu.memory_space<vmem>> -> memref<16x1024xf32, #tpu.memory_space<vmem>>
    %dma_start3A_1040 = arith.constant 0 : i32
    %dma_start3A_1041 = tpu.memref_slice %arg5[%dma_start3A_1034, %dma_start3A_1040] : memref<32x16xi32, #tpu.memory_space<vmem>> -> memref<1x16xi32, #tpu.memory_space<vmem>>
    %dma_start3A_1042 = tpu.memref_squeeze %dma_start3A_1041 : memref<1x16xi32, #tpu.memory_space<vmem>> -> memref<16xi32, #tpu.memory_space<vmem>>
    %dma_start3A_1043 = arith.constant 0 : i32
    %dma_start3A_1044 = arith.constant 0 : i32
    %dma_start3A_1045 = tpu.memref_slice %arg3[%dma_start3A_1043, %dma_start3A_1044] : memref<100000x1024xf32, #tpu.memory_space<hbm>> -> memref<100000x1024xf32, #tpu.memory_space<hbm>>
    tpu.enqueue_indirect_dma source(%dma_start3A_1045 : memref<100000x1024xf32, #tpu.memory_space<hbm>>) target(%dma_start3A_1039 : memref<16x1024xf32, #tpu.memory_space<vmem>>) offsets(%dma_start3A_1042 : memref<16xi32, #tpu.memory_space<vmem>>) semaphore(%arg11 : memref<!tpu.dma_semaphore, #tpu.memory_space<semaphore_mem>>)
    %dma_wait3A_1046 = arith.constant 24 : i32
    %dma_wait3A_1047 = arith.constant 0 : i32
    %dma_wait3A_1048 = arith.constant 0 : i32
    %dma_wait3A_1049 = arith.constant 0 : i32
    %dma_wait3A_1050 = tpu.memref_slice %arg6[%dma_wait3A_1047, %dma_wait3A_1048, %dma_wait3A_1049] : memref<6x16x1024xf32, #tpu.memory_space<vmem>> -> memref<1x16x1024xf32, #tpu.memory_space<vmem>>
    %dma_wait3A_1051 = tpu.memref_squeeze %dma_wait3A_1050 : memref<1x16x1024xf32, #tpu.memory_space<vmem>> -> memref<16x1024xf32, #tpu.memory_space<vmem>>
    %dma_wait3A_1052 = arith.constant 0 : i32
    %dma_wait3A_1053 = tpu.memref_slice %arg5[%dma_wait3A_1046, %dma_wait3A_1052] : memref<32x16xi32, #tpu.memory_space<vmem>> -> memref<1x16xi32, #tpu.memory_space<vmem>>
    %dma_wait3A_1054 = tpu.memref_squeeze %dma_wait3A_1053 : memref<1x16xi32, #tpu.memory_space<vmem>> -> memref<16xi32, #tpu.memory_space<vmem>>
    %dma_wait3A_1055 = arith.constant 0 : i32
    %dma_wait3A_1056 = arith.constant 0 : i32
    %dma_wait3A_1057 = tpu.memref_slice %arg3[%dma_wait3A_1055, %dma_wait3A_1056] : memref<100000x1024xf32, #tpu.memory_space<hbm>> -> memref<100000x1024xf32, #tpu.memory_space<hbm>>
    tpu.wait_indirect_dma semaphore(%arg7 : memref<!tpu.dma_semaphore, #tpu.memory_space<semaphore_mem>>) src(%dma_wait3A_1057 : memref<100000x1024xf32, #tpu.memory_space<hbm>>) dst(%dma_wait3A_1051 : memref<16x1024xf32, #tpu.memory_space<vmem>>)
    %dma_start3A_1058 = arith.constant 29 : i32
    %dma_start3A_1059 = arith.constant 5 : i32
    %dma_start3A_1060 = arith.constant 0 : i32
    %dma_start3A_1061 = arith.constant 0 : i32
    %dma_start3A_1062 = tpu.memref_slice %arg6[%dma_start3A_1059, %dma_start3A_1060, %dma_start3A_1061] : memref<6x16x1024xf32, #tpu.memory_space<vmem>> -> memref<1x16x1024xf32, #tpu.memory_space<vmem>>
    %dma_start3A_1063 = tpu.memref_squeeze %dma_start3A_1062 : memref<1x16x1024xf32, #tpu.memory_space<vmem>> -> memref<16x1024xf32, #tpu.memory_space<vmem>>
    %dma_start3A_1064 = arith.constant 0 : i32
    %dma_start3A_1065 = tpu.memref_slice %arg5[%dma_start3A_1058, %dma_start3A_1064] : memref<32x16xi32, #tpu.memory_space<vmem>> -> memref<1x16xi32, #tpu.memory_space<vmem>>
    %dma_start3A_1066 = tpu.memref_squeeze %dma_start3A_1065 : memref<1x16xi32, #tpu.memory_space<vmem>> -> memref<16xi32, #tpu.memory_space<vmem>>
    %dma_start3A_1067 = arith.constant 0 : i32
    %dma_start3A_1068 = arith.constant 0 : i32
    %dma_start3A_1069 = tpu.memref_slice %arg3[%dma_start3A_1067, %dma_start3A_1068] : memref<100000x1024xf32, #tpu.memory_space<hbm>> -> memref<100000x1024xf32, #tpu.memory_space<hbm>>
    tpu.enqueue_indirect_dma source(%dma_start3A_1069 : memref<100000x1024xf32, #tpu.memory_space<hbm>>) target(%dma_start3A_1063 : memref<16x1024xf32, #tpu.memory_space<vmem>>) offsets(%dma_start3A_1066 : memref<16xi32, #tpu.memory_space<vmem>>) semaphore(%arg12 : memref<!tpu.dma_semaphore, #tpu.memory_space<semaphore_mem>>)
    %dma_wait3A_1070 = arith.constant 25 : i32
    %dma_wait3A_1071 = arith.constant 1 : i32
    %dma_wait3A_1072 = arith.constant 0 : i32
    %dma_wait3A_1073 = arith.constant 0 : i32
    %dma_wait3A_1074 = tpu.memref_slice %arg6[%dma_wait3A_1071, %dma_wait3A_1072, %dma_wait3A_1073] : memref<6x16x1024xf32, #tpu.memory_space<vmem>> -> memref<1x16x1024xf32, #tpu.memory_space<vmem>>
    %dma_wait3A_1075 = tpu.memref_squeeze %dma_wait3A_1074 : memref<1x16x1024xf32, #tpu.memory_space<vmem>> -> memref<16x1024xf32, #tpu.memory_space<vmem>>
    %dma_wait3A_1076 = arith.constant 0 : i32
    %dma_wait3A_1077 = tpu.memref_slice %arg5[%dma_wait3A_1070, %dma_wait3A_1076] : memref<32x16xi32, #tpu.memory_space<vmem>> -> memref<1x16xi32, #tpu.memory_space<vmem>>
    %dma_wait3A_1078 = tpu.memref_squeeze %dma_wait3A_1077 : memref<1x16xi32, #tpu.memory_space<vmem>> -> memref<16xi32, #tpu.memory_space<vmem>>
    %dma_wait3A_1079 = arith.constant 0 : i32
    %dma_wait3A_1080 = arith.constant 0 : i32
    %dma_wait3A_1081 = tpu.memref_slice %arg3[%dma_wait3A_1079, %dma_wait3A_1080] : memref<100000x1024xf32, #tpu.memory_space<hbm>> -> memref<100000x1024xf32, #tpu.memory_space<hbm>>
    tpu.wait_indirect_dma semaphore(%arg8 : memref<!tpu.dma_semaphore, #tpu.memory_space<semaphore_mem>>) src(%dma_wait3A_1081 : memref<100000x1024xf32, #tpu.memory_space<hbm>>) dst(%dma_wait3A_1075 : memref<16x1024xf32, #tpu.memory_space<vmem>>)
    %add3A_1082 = arith.constant 25 : i32
    %add3A_1083 = arith.addi %mul3A_4, %add3A_1082 : i32
    %sub3A_1084 = arith.constant 2 : i32
    %sub3A_1085 = arith.subi %add3A_1083, %sub3A_1084 : i32
    %add3A_1086 = arith.constant 1 : i32
    %add3A_1087 = arith.addi %sub3A_1085, %add3A_1086 : i32
    %dma_start3A_1088 = arith.constant 0 : i32
    %dma_start3A_1089 = arith.constant 0 : i32
    %dma_start3A_1090 = arith.constant 0 : i32
    %dma_start3A_1091 = tpu.memref_slice %arg6[%dma_start3A_1088, %dma_start3A_1089, %dma_start3A_1090] : memref<6x16x1024xf32, #tpu.memory_space<vmem>> -> memref<2x16x1024xf32, #tpu.memory_space<vmem>>
    %dma_start3A_1092 = arith.constant 0 : i32
    %dma_start3A_1093 = arith.constant 0 : i32
    %dma_start3A_1094 = tpu.memref_slice %arg4[%add3A_1087, %dma_start3A_1092, %dma_start3A_1093] : memref<1024x16x1024xf32, #tpu.memory_space<hbm>> -> memref<2x16x1024xf32, #tpu.memory_space<hbm>>
    %dma_start3A_1095 = arith.constant 0 : i32
    %dma_start3A_1096 = arith.constant 0 : i32
    %dma_start3A_1097 = tpu.memref_slice %arg4[%add3A_1087, %dma_start3A_1095, %dma_start3A_1096] : memref<1024x16x1024xf32, #tpu.memory_space<hbm>> -> memref<2x16x1024xf32, #tpu.memory_space<hbm>>
    %dma_start3A_1098 = arith.constant 0 : i32
    %dma_start3A_1099 = arith.constant 0 : i32
    %dma_start3A_1100 = arith.constant 0 : i32
    %dma_start3A_1101 = tpu.memref_slice %arg6[%dma_start3A_1098, %dma_start3A_1099, %dma_start3A_1100] : memref<6x16x1024xf32, #tpu.memory_space<vmem>> -> memref<2x16x1024xf32, #tpu.memory_space<vmem>>
    tpu.enqueue_dma source(%dma_start3A_1101 : memref<2x16x1024xf32, #tpu.memory_space<vmem>>) target(%dma_start3A_1097 : memref<2x16x1024xf32, #tpu.memory_space<hbm>>) target_semaphore(%arg13 : memref<!tpu.dma_semaphore, #tpu.memory_space<semaphore_mem>>)
    %dma_wait3A_1102 = arith.constant 0 : i32
    %dma_wait3A_1103 = arith.constant 0 : i32
    %dma_wait3A_1104 = arith.constant 0 : i32
    %dma_wait3A_1105 = tpu.memref_slice %arg6[%dma_wait3A_1102, %dma_wait3A_1103, %dma_wait3A_1104] : memref<6x16x1024xf32, #tpu.memory_space<vmem>> -> memref<2x16x1024xf32, #tpu.memory_space<vmem>>
    %dma_wait3A_1106 = arith.constant 0 : i32
    %dma_wait3A_1107 = arith.constant 0 : i32
    %dma_wait3A_1108 = tpu.memref_slice %arg4[%add3A_1087, %dma_wait3A_1106, %dma_wait3A_1107] : memref<1024x16x1024xf32, #tpu.memory_space<hbm>> -> memref<2x16x1024xf32, #tpu.memory_space<hbm>>
    %dma_wait3A_1109 = arith.constant 0 : i32
    %dma_wait3A_1110 = arith.constant 0 : i32
    %dma_wait3A_1111 = tpu.memref_slice %arg4[%add3A_1087, %dma_wait3A_1109, %dma_wait3A_1110] : memref<1024x16x1024xf32, #tpu.memory_space<hbm>> -> memref<2x16x1024xf32, #tpu.memory_space<hbm>>
    %dma_wait3A_1112 = arith.constant 0 : i32
    %dma_wait3A_1113 = arith.constant 0 : i32
    %dma_wait3A_1114 = arith.constant 0 : i32
    %dma_wait3A_1115 = tpu.memref_slice %arg6[%dma_wait3A_1112, %dma_wait3A_1113, %dma_wait3A_1114] : memref<6x16x1024xf32, #tpu.memory_space<vmem>> -> memref<2x16x1024xf32, #tpu.memory_space<vmem>>
    tpu.wait_dma2 semaphore(%arg13 : memref<!tpu.dma_semaphore, #tpu.memory_space<semaphore_mem>>) src(%dma_wait3A_1115 : memref<2x16x1024xf32, #tpu.memory_space<vmem>>) dst(%dma_wait3A_1111 : memref<2x16x1024xf32, #tpu.memory_space<hbm>>)
    %dma_start3A_1116 = arith.constant 30 : i32
    %dma_start3A_1117 = arith.constant 0 : i32
    %dma_start3A_1118 = arith.constant 0 : i32
    %dma_start3A_1119 = arith.constant 0 : i32
    %dma_start3A_1120 = tpu.memref_slice %arg6[%dma_start3A_1117, %dma_start3A_1118, %dma_start3A_1119] : memref<6x16x1024xf32, #tpu.memory_space<vmem>> -> memref<1x16x1024xf32, #tpu.memory_space<vmem>>
    %dma_start3A_1121 = tpu.memref_squeeze %dma_start3A_1120 : memref<1x16x1024xf32, #tpu.memory_space<vmem>> -> memref<16x1024xf32, #tpu.memory_space<vmem>>
    %dma_start3A_1122 = arith.constant 0 : i32
    %dma_start3A_1123 = tpu.memref_slice %arg5[%dma_start3A_1116, %dma_start3A_1122] : memref<32x16xi32, #tpu.memory_space<vmem>> -> memref<1x16xi32, #tpu.memory_space<vmem>>
    %dma_start3A_1124 = tpu.memref_squeeze %dma_start3A_1123 : memref<1x16xi32, #tpu.memory_space<vmem>> -> memref<16xi32, #tpu.memory_space<vmem>>
    %dma_start3A_1125 = arith.constant 0 : i32
    %dma_start3A_1126 = arith.constant 0 : i32
    %dma_start3A_1127 = tpu.memref_slice %arg3[%dma_start3A_1125, %dma_start3A_1126] : memref<100000x1024xf32, #tpu.memory_space<hbm>> -> memref<100000x1024xf32, #tpu.memory_space<hbm>>
    tpu.enqueue_indirect_dma source(%dma_start3A_1127 : memref<100000x1024xf32, #tpu.memory_space<hbm>>) target(%dma_start3A_1121 : memref<16x1024xf32, #tpu.memory_space<vmem>>) offsets(%dma_start3A_1124 : memref<16xi32, #tpu.memory_space<vmem>>) semaphore(%arg7 : memref<!tpu.dma_semaphore, #tpu.memory_space<semaphore_mem>>)
    %dma_wait3A_1128 = arith.constant 26 : i32
    %dma_wait3A_1129 = arith.constant 2 : i32
    %dma_wait3A_1130 = arith.constant 0 : i32
    %dma_wait3A_1131 = arith.constant 0 : i32
    %dma_wait3A_1132 = tpu.memref_slice %arg6[%dma_wait3A_1129, %dma_wait3A_1130, %dma_wait3A_1131] : memref<6x16x1024xf32, #tpu.memory_space<vmem>> -> memref<1x16x1024xf32, #tpu.memory_space<vmem>>
    %dma_wait3A_1133 = tpu.memref_squeeze %dma_wait3A_1132 : memref<1x16x1024xf32, #tpu.memory_space<vmem>> -> memref<16x1024xf32, #tpu.memory_space<vmem>>
    %dma_wait3A_1134 = arith.constant 0 : i32
    %dma_wait3A_1135 = tpu.memref_slice %arg5[%dma_wait3A_1128, %dma_wait3A_1134] : memref<32x16xi32, #tpu.memory_space<vmem>> -> memref<1x16xi32, #tpu.memory_space<vmem>>
    %dma_wait3A_1136 = tpu.memref_squeeze %dma_wait3A_1135 : memref<1x16xi32, #tpu.memory_space<vmem>> -> memref<16xi32, #tpu.memory_space<vmem>>
    %dma_wait3A_1137 = arith.constant 0 : i32
    %dma_wait3A_1138 = arith.constant 0 : i32
    %dma_wait3A_1139 = tpu.memref_slice %arg3[%dma_wait3A_1137, %dma_wait3A_1138] : memref<100000x1024xf32, #tpu.memory_space<hbm>> -> memref<100000x1024xf32, #tpu.memory_space<hbm>>
    tpu.wait_indirect_dma semaphore(%arg9 : memref<!tpu.dma_semaphore, #tpu.memory_space<semaphore_mem>>) src(%dma_wait3A_1139 : memref<100000x1024xf32, #tpu.memory_space<hbm>>) dst(%dma_wait3A_1133 : memref<16x1024xf32, #tpu.memory_space<vmem>>)
    %dma_start3A_1140 = arith.constant 31 : i32
    %dma_start3A_1141 = arith.constant 1 : i32
    %dma_start3A_1142 = arith.constant 0 : i32
    %dma_start3A_1143 = arith.constant 0 : i32
    %dma_start3A_1144 = tpu.memref_slice %arg6[%dma_start3A_1141, %dma_start3A_1142, %dma_start3A_1143] : memref<6x16x1024xf32, #tpu.memory_space<vmem>> -> memref<1x16x1024xf32, #tpu.memory_space<vmem>>
    %dma_start3A_1145 = tpu.memref_squeeze %dma_start3A_1144 : memref<1x16x1024xf32, #tpu.memory_space<vmem>> -> memref<16x1024xf32, #tpu.memory_space<vmem>>
    %dma_start3A_1146 = arith.constant 0 : i32
    %dma_start3A_1147 = tpu.memref_slice %arg5[%dma_start3A_1140, %dma_start3A_1146] : memref<32x16xi32, #tpu.memory_space<vmem>> -> memref<1x16xi32, #tpu.memory_space<vmem>>
    %dma_start3A_1148 = tpu.memref_squeeze %dma_start3A_1147 : memref<1x16xi32, #tpu.memory_space<vmem>> -> memref<16xi32, #tpu.memory_space<vmem>>
    %dma_start3A_1149 = arith.constant 0 : i32
    %dma_start3A_1150 = arith.constant 0 : i32
    %dma_start3A_1151 = tpu.memref_slice %arg3[%dma_start3A_1149, %dma_start3A_1150] : memref<100000x1024xf32, #tpu.memory_space<hbm>> -> memref<100000x1024xf32, #tpu.memory_space<hbm>>
    tpu.enqueue_indirect_dma source(%dma_start3A_1151 : memref<100000x1024xf32, #tpu.memory_space<hbm>>) target(%dma_start3A_1145 : memref<16x1024xf32, #tpu.memory_space<vmem>>) offsets(%dma_start3A_1148 : memref<16xi32, #tpu.memory_space<vmem>>) semaphore(%arg8 : memref<!tpu.dma_semaphore, #tpu.memory_space<semaphore_mem>>)
    %dma_wait3A_1152 = arith.constant 27 : i32
    %dma_wait3A_1153 = arith.constant 3 : i32
    %dma_wait3A_1154 = arith.constant 0 : i32
    %dma_wait3A_1155 = arith.constant 0 : i32
    %dma_wait3A_1156 = tpu.memref_slice %arg6[%dma_wait3A_1153, %dma_wait3A_1154, %dma_wait3A_1155] : memref<6x16x1024xf32, #tpu.memory_space<vmem>> -> memref<1x16x1024xf32, #tpu.memory_space<vmem>>
    %dma_wait3A_1157 = tpu.memref_squeeze %dma_wait3A_1156 : memref<1x16x1024xf32, #tpu.memory_space<vmem>> -> memref<16x1024xf32, #tpu.memory_space<vmem>>
    %dma_wait3A_1158 = arith.constant 0 : i32
    %dma_wait3A_1159 = tpu.memref_slice %arg5[%dma_wait3A_1152, %dma_wait3A_1158] : memref<32x16xi32, #tpu.memory_space<vmem>> -> memref<1x16xi32, #tpu.memory_space<vmem>>
    %dma_wait3A_1160 = tpu.memref_squeeze %dma_wait3A_1159 : memref<1x16xi32, #tpu.memory_space<vmem>> -> memref<16xi32, #tpu.memory_space<vmem>>
    %dma_wait3A_1161 = arith.constant 0 : i32
    %dma_wait3A_1162 = arith.constant 0 : i32
    %dma_wait3A_1163 = tpu.memref_slice %arg3[%dma_wait3A_1161, %dma_wait3A_1162] : memref<100000x1024xf32, #tpu.memory_space<hbm>> -> memref<100000x1024xf32, #tpu.memory_space<hbm>>
    tpu.wait_indirect_dma semaphore(%arg10 : memref<!tpu.dma_semaphore, #tpu.memory_space<semaphore_mem>>) src(%dma_wait3A_1163 : memref<100000x1024xf32, #tpu.memory_space<hbm>>) dst(%dma_wait3A_1157 : memref<16x1024xf32, #tpu.memory_space<vmem>>)
    %add3A_1164 = arith.constant 27 : i32
    %add3A_1165 = arith.addi %mul3A_4, %add3A_1164 : i32
    %sub3A_1166 = arith.constant 2 : i32
    %sub3A_1167 = arith.subi %add3A_1165, %sub3A_1166 : i32
    %add3A_1168 = arith.constant 1 : i32
    %add3A_1169 = arith.addi %sub3A_1167, %add3A_1168 : i32
    %dma_start3A_1170 = arith.constant 2 : i32
    %dma_start3A_1171 = arith.constant 0 : i32
    %dma_start3A_1172 = arith.constant 0 : i32
    %dma_start3A_1173 = tpu.memref_slice %arg6[%dma_start3A_1170, %dma_start3A_1171, %dma_start3A_1172] : memref<6x16x1024xf32, #tpu.memory_space<vmem>> -> memref<2x16x1024xf32, #tpu.memory_space<vmem>>
    %dma_start3A_1174 = arith.constant 0 : i32
    %dma_start3A_1175 = arith.constant 0 : i32
    %dma_start3A_1176 = tpu.memref_slice %arg4[%add3A_1169, %dma_start3A_1174, %dma_start3A_1175] : memref<1024x16x1024xf32, #tpu.memory_space<hbm>> -> memref<2x16x1024xf32, #tpu.memory_space<hbm>>
    %dma_start3A_1177 = arith.constant 0 : i32
    %dma_start3A_1178 = arith.constant 0 : i32
    %dma_start3A_1179 = tpu.memref_slice %arg4[%add3A_1169, %dma_start3A_1177, %dma_start3A_1178] : memref<1024x16x1024xf32, #tpu.memory_space<hbm>> -> memref<2x16x1024xf32, #tpu.memory_space<hbm>>
    %dma_start3A_1180 = arith.constant 2 : i32
    %dma_start3A_1181 = arith.constant 0 : i32
    %dma_start3A_1182 = arith.constant 0 : i32
    %dma_start3A_1183 = tpu.memref_slice %arg6[%dma_start3A_1180, %dma_start3A_1181, %dma_start3A_1182] : memref<6x16x1024xf32, #tpu.memory_space<vmem>> -> memref<2x16x1024xf32, #tpu.memory_space<vmem>>
    tpu.enqueue_dma source(%dma_start3A_1183 : memref<2x16x1024xf32, #tpu.memory_space<vmem>>) target(%dma_start3A_1179 : memref<2x16x1024xf32, #tpu.memory_space<hbm>>) target_semaphore(%arg14 : memref<!tpu.dma_semaphore, #tpu.memory_space<semaphore_mem>>)
    %dma_wait3A_1184 = arith.constant 28 : i32
    %dma_wait3A_1185 = arith.constant 4 : i32
    %dma_wait3A_1186 = arith.constant 0 : i32
    %dma_wait3A_1187 = arith.constant 0 : i32
    %dma_wait3A_1188 = tpu.memref_slice %arg6[%dma_wait3A_1185, %dma_wait3A_1186, %dma_wait3A_1187] : memref<6x16x1024xf32, #tpu.memory_space<vmem>> -> memref<1x16x1024xf32, #tpu.memory_space<vmem>>
    %dma_wait3A_1189 = tpu.memref_squeeze %dma_wait3A_1188 : memref<1x16x1024xf32, #tpu.memory_space<vmem>> -> memref<16x1024xf32, #tpu.memory_space<vmem>>
    %dma_wait3A_1190 = arith.constant 0 : i32
    %dma_wait3A_1191 = tpu.memref_slice %arg5[%dma_wait3A_1184, %dma_wait3A_1190] : memref<32x16xi32, #tpu.memory_space<vmem>> -> memref<1x16xi32, #tpu.memory_space<vmem>>
    %dma_wait3A_1192 = tpu.memref_squeeze %dma_wait3A_1191 : memref<1x16xi32, #tpu.memory_space<vmem>> -> memref<16xi32, #tpu.memory_space<vmem>>
    %dma_wait3A_1193 = arith.constant 0 : i32
    %dma_wait3A_1194 = arith.constant 0 : i32
    %dma_wait3A_1195 = tpu.memref_slice %arg3[%dma_wait3A_1193, %dma_wait3A_1194] : memref<100000x1024xf32, #tpu.memory_space<hbm>> -> memref<100000x1024xf32, #tpu.memory_space<hbm>>
    tpu.wait_indirect_dma semaphore(%arg11 : memref<!tpu.dma_semaphore, #tpu.memory_space<semaphore_mem>>) src(%dma_wait3A_1195 : memref<100000x1024xf32, #tpu.memory_space<hbm>>) dst(%dma_wait3A_1189 : memref<16x1024xf32, #tpu.memory_space<vmem>>)
    %dma_wait3A_1196 = arith.constant 29 : i32
    %dma_wait3A_1197 = arith.constant 5 : i32
    %dma_wait3A_1198 = arith.constant 0 : i32
    %dma_wait3A_1199 = arith.constant 0 : i32
    %dma_wait3A_1200 = tpu.memref_slice %arg6[%dma_wait3A_1197, %dma_wait3A_1198, %dma_wait3A_1199] : memref<6x16x1024xf32, #tpu.memory_space<vmem>> -> memref<1x16x1024xf32, #tpu.memory_space<vmem>>
    %dma_wait3A_1201 = tpu.memref_squeeze %dma_wait3A_1200 : memref<1x16x1024xf32, #tpu.memory_space<vmem>> -> memref<16x1024xf32, #tpu.memory_space<vmem>>
    %dma_wait3A_1202 = arith.constant 0 : i32
    %dma_wait3A_1203 = tpu.memref_slice %arg5[%dma_wait3A_1196, %dma_wait3A_1202] : memref<32x16xi32, #tpu.memory_space<vmem>> -> memref<1x16xi32, #tpu.memory_space<vmem>>
    %dma_wait3A_1204 = tpu.memref_squeeze %dma_wait3A_1203 : memref<1x16xi32, #tpu.memory_space<vmem>> -> memref<16xi32, #tpu.memory_space<vmem>>
    %dma_wait3A_1205 = arith.constant 0 : i32
    %dma_wait3A_1206 = arith.constant 0 : i32
    %dma_wait3A_1207 = tpu.memref_slice %arg3[%dma_wait3A_1205, %dma_wait3A_1206] : memref<100000x1024xf32, #tpu.memory_space<hbm>> -> memref<100000x1024xf32, #tpu.memory_space<hbm>>
    tpu.wait_indirect_dma semaphore(%arg12 : memref<!tpu.dma_semaphore, #tpu.memory_space<semaphore_mem>>) src(%dma_wait3A_1207 : memref<100000x1024xf32, #tpu.memory_space<hbm>>) dst(%dma_wait3A_1201 : memref<16x1024xf32, #tpu.memory_space<vmem>>)
    %add3A_1208 = arith.constant 29 : i32
    %add3A_1209 = arith.addi %mul3A_4, %add3A_1208 : i32
    %sub3A_1210 = arith.constant 2 : i32
    %sub3A_1211 = arith.subi %add3A_1209, %sub3A_1210 : i32
    %add3A_1212 = arith.constant 1 : i32
    %add3A_1213 = arith.addi %sub3A_1211, %add3A_1212 : i32
    %dma_start3A_1214 = arith.constant 4 : i32
    %dma_start3A_1215 = arith.constant 0 : i32
    %dma_start3A_1216 = arith.constant 0 : i32
    %dma_start3A_1217 = tpu.memref_slice %arg6[%dma_start3A_1214, %dma_start3A_1215, %dma_start3A_1216] : memref<6x16x1024xf32, #tpu.memory_space<vmem>> -> memref<2x16x1024xf32, #tpu.memory_space<vmem>>
    %dma_start3A_1218 = arith.constant 0 : i32
    %dma_start3A_1219 = arith.constant 0 : i32
    %dma_start3A_1220 = tpu.memref_slice %arg4[%add3A_1213, %dma_start3A_1218, %dma_start3A_1219] : memref<1024x16x1024xf32, #tpu.memory_space<hbm>> -> memref<2x16x1024xf32, #tpu.memory_space<hbm>>
    %dma_start3A_1221 = arith.constant 0 : i32
    %dma_start3A_1222 = arith.constant 0 : i32
    %dma_start3A_1223 = tpu.memref_slice %arg4[%add3A_1213, %dma_start3A_1221, %dma_start3A_1222] : memref<1024x16x1024xf32, #tpu.memory_space<hbm>> -> memref<2x16x1024xf32, #tpu.memory_space<hbm>>
    %dma_start3A_1224 = arith.constant 4 : i32
    %dma_start3A_1225 = arith.constant 0 : i32
    %dma_start3A_1226 = arith.constant 0 : i32
    %dma_start3A_1227 = tpu.memref_slice %arg6[%dma_start3A_1224, %dma_start3A_1225, %dma_start3A_1226] : memref<6x16x1024xf32, #tpu.memory_space<vmem>> -> memref<2x16x1024xf32, #tpu.memory_space<vmem>>
    tpu.enqueue_dma source(%dma_start3A_1227 : memref<2x16x1024xf32, #tpu.memory_space<vmem>>) target(%dma_start3A_1223 : memref<2x16x1024xf32, #tpu.memory_space<hbm>>) target_semaphore(%arg15 : memref<!tpu.dma_semaphore, #tpu.memory_space<semaphore_mem>>)
    %dma_wait3A_1228 = arith.constant 30 : i32
    %dma_wait3A_1229 = arith.constant 0 : i32
    %dma_wait3A_1230 = arith.constant 0 : i32
    %dma_wait3A_1231 = arith.constant 0 : i32
    %dma_wait3A_1232 = tpu.memref_slice %arg6[%dma_wait3A_1229, %dma_wait3A_1230, %dma_wait3A_1231] : memref<6x16x1024xf32, #tpu.memory_space<vmem>> -> memref<1x16x1024xf32, #tpu.memory_space<vmem>>
    %dma_wait3A_1233 = tpu.memref_squeeze %dma_wait3A_1232 : memref<1x16x1024xf32, #tpu.memory_space<vmem>> -> memref<16x1024xf32, #tpu.memory_space<vmem>>
    %dma_wait3A_1234 = arith.constant 0 : i32
    %dma_wait3A_1235 = tpu.memref_slice %arg5[%dma_wait3A_1228, %dma_wait3A_1234] : memref<32x16xi32, #tpu.memory_space<vmem>> -> memref<1x16xi32, #tpu.memory_space<vmem>>
    %dma_wait3A_1236 = tpu.memref_squeeze %dma_wait3A_1235 : memref<1x16xi32, #tpu.memory_space<vmem>> -> memref<16xi32, #tpu.memory_space<vmem>>
    %dma_wait3A_1237 = arith.constant 0 : i32
    %dma_wait3A_1238 = arith.constant 0 : i32
    %dma_wait3A_1239 = tpu.memref_slice %arg3[%dma_wait3A_1237, %dma_wait3A_1238] : memref<100000x1024xf32, #tpu.memory_space<hbm>> -> memref<100000x1024xf32, #tpu.memory_space<hbm>>
    tpu.wait_indirect_dma semaphore(%arg7 : memref<!tpu.dma_semaphore, #tpu.memory_space<semaphore_mem>>) src(%dma_wait3A_1239 : memref<100000x1024xf32, #tpu.memory_space<hbm>>) dst(%dma_wait3A_1233 : memref<16x1024xf32, #tpu.memory_space<vmem>>)
    %dma_wait3A_1240 = arith.constant 31 : i32
    %dma_wait3A_1241 = arith.constant 1 : i32
    %dma_wait3A_1242 = arith.constant 0 : i32
    %dma_wait3A_1243 = arith.constant 0 : i32
    %dma_wait3A_1244 = tpu.memref_slice %arg6[%dma_wait3A_1241, %dma_wait3A_1242, %dma_wait3A_1243] : memref<6x16x1024xf32, #tpu.memory_space<vmem>> -> memref<1x16x1024xf32, #tpu.memory_space<vmem>>
    %dma_wait3A_1245 = tpu.memref_squeeze %dma_wait3A_1244 : memref<1x16x1024xf32, #tpu.memory_space<vmem>> -> memref<16x1024xf32, #tpu.memory_space<vmem>>
    %dma_wait3A_1246 = arith.constant 0 : i32
    %dma_wait3A_1247 = tpu.memref_slice %arg5[%dma_wait3A_1240, %dma_wait3A_1246] : memref<32x16xi32, #tpu.memory_space<vmem>> -> memref<1x16xi32, #tpu.memory_space<vmem>>
    %dma_wait3A_1248 = tpu.memref_squeeze %dma_wait3A_1247 : memref<1x16xi32, #tpu.memory_space<vmem>> -> memref<16xi32, #tpu.memory_space<vmem>>
    %dma_wait3A_1249 = arith.constant 0 : i32
    %dma_wait3A_1250 = arith.constant 0 : i32
    %dma_wait3A_1251 = tpu.memref_slice %arg3[%dma_wait3A_1249, %dma_wait3A_1250] : memref<100000x1024xf32, #tpu.memory_space<hbm>> -> memref<100000x1024xf32, #tpu.memory_space<hbm>>
    tpu.wait_indirect_dma semaphore(%arg8 : memref<!tpu.dma_semaphore, #tpu.memory_space<semaphore_mem>>) src(%dma_wait3A_1251 : memref<100000x1024xf32, #tpu.memory_space<hbm>>) dst(%dma_wait3A_1245 : memref<16x1024xf32, #tpu.memory_space<vmem>>)
    %add3A_1252 = arith.constant 31 : i32
    %add3A_1253 = arith.addi %mul3A_4, %add3A_1252 : i32
    %sub3A_1254 = arith.constant 2 : i32
    %sub3A_1255 = arith.subi %add3A_1253, %sub3A_1254 : i32
    %add3A_1256 = arith.constant 1 : i32
    %add3A_1257 = arith.addi %sub3A_1255, %add3A_1256 : i32
    %dma_start3A_1258 = arith.constant 0 : i32
    %dma_start3A_1259 = arith.constant 0 : i32
    %dma_start3A_1260 = arith.constant 0 : i32
    %dma_start3A_1261 = tpu.memref_slice %arg6[%dma_start3A_1258, %dma_start3A_1259, %dma_start3A_1260] : memref<6x16x1024xf32, #tpu.memory_space<vmem>> -> memref<2x16x1024xf32, #tpu.memory_space<vmem>>
    %dma_start3A_1262 = arith.constant 0 : i32
    %dma_start3A_1263 = arith.constant 0 : i32
    %dma_start3A_1264 = tpu.memref_slice %arg4[%add3A_1257, %dma_start3A_1262, %dma_start3A_1263] : memref<1024x16x1024xf32, #tpu.memory_space<hbm>> -> memref<2x16x1024xf32, #tpu.memory_space<hbm>>
    %dma_start3A_1265 = arith.constant 0 : i32
    %dma_start3A_1266 = arith.constant 0 : i32
    %dma_start3A_1267 = tpu.memref_slice %arg4[%add3A_1257, %dma_start3A_1265, %dma_start3A_1266] : memref<1024x16x1024xf32, #tpu.memory_space<hbm>> -> memref<2x16x1024xf32, #tpu.memory_space<hbm>>
    %dma_start3A_1268 = arith.constant 0 : i32
    %dma_start3A_1269 = arith.constant 0 : i32
    %dma_start3A_1270 = arith.constant 0 : i32
    %dma_start3A_1271 = tpu.memref_slice %arg6[%dma_start3A_1268, %dma_start3A_1269, %dma_start3A_1270] : memref<6x16x1024xf32, #tpu.memory_space<vmem>> -> memref<2x16x1024xf32, #tpu.memory_space<vmem>>
    tpu.enqueue_dma source(%dma_start3A_1271 : memref<2x16x1024xf32, #tpu.memory_space<vmem>>) target(%dma_start3A_1267 : memref<2x16x1024xf32, #tpu.memory_space<hbm>>) target_semaphore(%arg13 : memref<!tpu.dma_semaphore, #tpu.memory_space<semaphore_mem>>)
    %dma_wait3A_1272 = arith.constant 0 : i32
    %dma_wait3A_1273 = arith.constant 0 : i32
    %dma_wait3A_1274 = arith.constant 0 : i32
    %dma_wait3A_1275 = tpu.memref_slice %arg6[%dma_wait3A_1272, %dma_wait3A_1273, %dma_wait3A_1274] : memref<6x16x1024xf32, #tpu.memory_space<vmem>> -> memref<2x16x1024xf32, #tpu.memory_space<vmem>>
    %dma_wait3A_1276 = arith.constant 0 : i32
    %dma_wait3A_1277 = arith.constant 0 : i32
    %dma_wait3A_1278 = tpu.memref_slice %arg4[%add3A_1257, %dma_wait3A_1276, %dma_wait3A_1277] : memref<1024x16x1024xf32, #tpu.memory_space<hbm>> -> memref<2x16x1024xf32, #tpu.memory_space<hbm>>
    %dma_wait3A_1279 = arith.constant 0 : i32
    %dma_wait3A_1280 = arith.constant 0 : i32
    %dma_wait3A_1281 = tpu.memref_slice %arg4[%add3A_1257, %dma_wait3A_1279, %dma_wait3A_1280] : memref<1024x16x1024xf32, #tpu.memory_space<hbm>> -> memref<2x16x1024xf32, #tpu.memory_space<hbm>>
    %dma_wait3A_1282 = arith.constant 0 : i32
    %dma_wait3A_1283 = arith.constant 0 : i32
    %dma_wait3A_1284 = arith.constant 0 : i32
    %dma_wait3A_1285 = tpu.memref_slice %arg6[%dma_wait3A_1282, %dma_wait3A_1283, %dma_wait3A_1284] : memref<6x16x1024xf32, #tpu.memory_space<vmem>> -> memref<2x16x1024xf32, #tpu.memory_space<vmem>>
    tpu.wait_dma2 semaphore(%arg13 : memref<!tpu.dma_semaphore, #tpu.memory_space<semaphore_mem>>) src(%dma_wait3A_1285 : memref<2x16x1024xf32, #tpu.memory_space<vmem>>) dst(%dma_wait3A_1281 : memref<2x16x1024xf32, #tpu.memory_space<hbm>>)
    %dma_wait3A_1286 = arith.constant 2 : i32
    %dma_wait3A_1287 = arith.constant 0 : i32
    %dma_wait3A_1288 = arith.constant 0 : i32
    %dma_wait3A_1289 = tpu.memref_slice %arg6[%dma_wait3A_1286, %dma_wait3A_1287, %dma_wait3A_1288] : memref<6x16x1024xf32, #tpu.memory_space<vmem>> -> memref<2x16x1024xf32, #tpu.memory_space<vmem>>
    %dma_wait3A_1290 = arith.constant 0 : i32
    %dma_wait3A_1291 = arith.constant 0 : i32
    %dma_wait3A_1292 = tpu.memref_slice %arg4[%add3A_1169, %dma_wait3A_1290, %dma_wait3A_1291] : memref<1024x16x1024xf32, #tpu.memory_space<hbm>> -> memref<2x16x1024xf32, #tpu.memory_space<hbm>>
    %dma_wait3A_1293 = arith.constant 0 : i32
    %dma_wait3A_1294 = arith.constant 0 : i32
    %dma_wait3A_1295 = tpu.memref_slice %arg4[%add3A_1169, %dma_wait3A_1293, %dma_wait3A_1294] : memref<1024x16x1024xf32, #tpu.memory_space<hbm>> -> memref<2x16x1024xf32, #tpu.memory_space<hbm>>
    %dma_wait3A_1296 = arith.constant 2 : i32
    %dma_wait3A_1297 = arith.constant 0 : i32
    %dma_wait3A_1298 = arith.constant 0 : i32
    %dma_wait3A_1299 = tpu.memref_slice %arg6[%dma_wait3A_1296, %dma_wait3A_1297, %dma_wait3A_1298] : memref<6x16x1024xf32, #tpu.memory_space<vmem>> -> memref<2x16x1024xf32, #tpu.memory_space<vmem>>
    tpu.wait_dma2 semaphore(%arg14 : memref<!tpu.dma_semaphore, #tpu.memory_space<semaphore_mem>>) src(%dma_wait3A_1299 : memref<2x16x1024xf32, #tpu.memory_space<vmem>>) dst(%dma_wait3A_1295 : memref<2x16x1024xf32, #tpu.memory_space<hbm>>)
    %dma_wait3A_1300 = arith.constant 4 : i32
    %dma_wait3A_1301 = arith.constant 0 : i32
    %dma_wait3A_1302 = arith.constant 0 : i32
    %dma_wait3A_1303 = tpu.memref_slice %arg6[%dma_wait3A_1300, %dma_wait3A_1301, %dma_wait3A_1302] : memref<6x16x1024xf32, #tpu.memory_space<vmem>> -> memref<2x16x1024xf32, #tpu.memory_space<vmem>>
    %dma_wait3A_1304 = arith.constant 0 : i32
    %dma_wait3A_1305 = arith.constant 0 : i32
    %dma_wait3A_1306 = tpu.memref_slice %arg4[%add3A_1213, %dma_wait3A_1304, %dma_wait3A_1305] : memref<1024x16x1024xf32, #tpu.memory_space<hbm>> -> memref<2x16x1024xf32, #tpu.memory_space<hbm>>
    %dma_wait3A_1307 = arith.constant 0 : i32
    %dma_wait3A_1308 = arith.constant 0 : i32
    %dma_wait3A_1309 = tpu.memref_slice %arg4[%add3A_1213, %dma_wait3A_1307, %dma_wait3A_1308] : memref<1024x16x1024xf32, #tpu.memory_space<hbm>> -> memref<2x16x1024xf32, #tpu.memory_space<hbm>>
    %dma_wait3A_1310 = arith.constant 4 : i32
    %dma_wait3A_1311 = arith.constant 0 : i32
    %dma_wait3A_1312 = arith.constant 0 : i32
    %dma_wait3A_1313 = tpu.memref_slice %arg6[%dma_wait3A_1310, %dma_wait3A_1311, %dma_wait3A_1312] : memref<6x16x1024xf32, #tpu.memory_space<vmem>> -> memref<2x16x1024xf32, #tpu.memory_space<vmem>>
    tpu.wait_dma2 semaphore(%arg15 : memref<!tpu.dma_semaphore, #tpu.memory_space<semaphore_mem>>) src(%dma_wait3A_1313 : memref<2x16x1024xf32, #tpu.memory_space<vmem>>) dst(%dma_wait3A_1309 : memref<2x16x1024xf32, #tpu.memory_space<hbm>>)
    return
  }
}

</mosaic_0001>

<sc_bundles>
// kernel: kernel.3.cloned.1.call-start
scs
__scs_entry_jumppad:
0x0: {  	(pc) =	sbr.rel $0x88, $3  }
0x1: {  	(tag) =	ssettag $0x0;
	lr =	simm.s32 $0x1  }
0x2: {  	[smem:$0x3F9F] =	sst lr;
	_ =	strace $0xD0000000  }
0x3: {  	_ = 	snop  }
0x4: {  	_ = 	snop  }
0x5: {  	_ = 	snop  }
0x6: {  	_ = 	snop  }
0x7: {  	_ = 	snop  }
__scs_overlays_trampoline_lowered:
0x8: {  	[smem:$0x3FAE] =	sst s0  }
0x9: {  	[smem:$0x3FAF] =	sst s1  }
0xa: {  	[smem:$0x3FB0] =	sst s2  }
0xb: {  	[smem:$0x3FB1] =	sst s3  }
0xc: {  	[smem:$0x3FB2] =	sst s4  }
0xd: {  	[smem:$0x3FB3] =	sst s5  }
0xe: {  	[smem:$0x3FB4] =	sst s6  }
0xf: {  	[smem:$0x3FB5] =	sst s7  }
0x10: {  	[smem:$0x3FB6] =	sst s8  }
0x11: {  	[smem:$0x3FB7] =	sst s9;
	s0 =	simm.s32 @!p0 $0x0  }
0x12: {  	s1 =	sld [smem:$0x3F9D];
	s0 =	simm.s32 @p0 $0x1  }
0x13: {  	[smem:$0x3FB8] =	sst s0;
	s0 =	simm.s32 @!p1 $0x0  }
0x14: {  	s2 =	sld [smem:$0x3F9C];
	s0 =	simm.s32 @p1 $0x1  }
0x15: {  	[smem:$0x3FB9] =	sst s0;
	s0 =	simm.s32 @!p2 $0x0  }
0x16: {  	s3 =	sld [smem:$0x3FDB];
	s0 =	simm.s32 @p2 $0x1  }
0x17: {  	s4 =	simm.s32 $0x1BF5;
	[smem:$0x3FBB] =	sst s0  }
0x18: {  	s0 =	sld [smem:$0x3F9E];
	_ =	swait.ge [sflag:s4], $0x0  }
0x19: {  	s7 =	sld [smem:$0x3F9F]  }
0x1a: {  	s8 =	sadd.s32 $0xFFFFE003, lr  }
0x1b: {  	s9 =	sadd.s32 $0xFFFFFEF7, lr;
	s5 =	simm.s32 $0xFFFFFFFF;
	p2 =	slt.u32 s8, $0xFFFFF086  }
0x1c: {  	p1 =	slt.u32 s9, $0xF7A;
	s5 =	simm.s32 @!p2 $0x0  }
0x1d: {  	s5 =	simm.s32 @p1 $0x1;
	p0 =	seq.s32 s7, s2  }
0x1e: {  	s7 =	smul.u32 @!p0 $0xF7A, s2;
	p2 =	seq.s32 @!p0 s5, $0x0  }
0x1f: {  	s9 =	smul.u32 $0xF7A, s1;
	s8 =	simm.s32 @!p0 $0x1BF5;
	p2 =	por !p2, p0  }
0x20: {  	[sflag:s8] =	ssyncset.s32 @!p0 $0xFFFFF086;
	s6 =	sadd.s32 @!p0 s3, s7;
	s7 =	simm.s32 @!p0 $0x108  }
0x21: {  	s3 =	sadd.s32 s3, s9;
	s6 =	sadd.s32 @!p0 $0x88, s6;
	s7 =	simm.s32 @p2 $0x1082  }
0x22: {  	[simem:s7], [sflag:s8] =	dma.local @!p0 [hbm:s6], $0xF7A  }
0x23: {  	s9 =	sor.u32 $0xD0000000, s2;
	s6 =	simm.s32 $0x108;
	_ =	swait.ge @!p0 [sflag:s8], $0x0  }
0x24: {  	s3 =	sadd.s32 $0x88, s3;
	s6 =	simm.s32 @!p1 $0x1082;
	[sflag:s4] =	ssyncset.s32 $0xFFFFF086  }
0x25: {  	[simem:s6], [sflag:s4] =	dma.local [hbm:s3], $0xF7A  }
0x26: {  	[smem:$0x3F9F] =	sst s1;
	(tag) =	ssettag s2;
	_ =	strace s9  }
0x27: {  	s1 =	sld [smem:$0x3FAF]  }
0x28: {  	s2 =	sld [smem:$0x3FB0]  }
0x29: {  	s4 =	sld [smem:$0x3FB2]  }
0x2a: {  	p0 =	seq.s32 s5, $0x0;
	s5 =	sld [smem:$0x3FB3]  }
0x2b: {  	s6 =	sld [smem:$0x3FB4]  }
0x2c: {  	s7 =	sld [smem:$0x3FB5]  }
0x2d: {  	s3 =	simm.s32 $0x108;
	s8 =	sld [smem:$0x3FB6]  }
0x2e: {  	s3 =	simm.s32 @!p0 $0x1082;
	s9 =	sld [smem:$0x3FB7]  }
0x2f: {  	lr =	sadd.s32 s0, s3;
	s0 =	sld [smem:$0x3FAE]  }
0x30: {  	s3 =	sld [smem:$0x3FB1]  }
0x31: {  	[smem:$0x3FBA] =	sst s10  }
0x32: {  	s10 =	sld [smem:$0x3FB8];
	_ =	sdelay $0x3  }
0x33: {  	p0 =	seq.s32 s10, $0x1;
	s10 =	sld [smem:$0x3FBA];
	_ =	sdelay $0x3  }
0x34: {  	[smem:$0x3FBA] =	sst s10  }
0x35: {  	s10 =	sld [smem:$0x3FB9];
	_ =	sdelay $0x3  }
0x36: {  	p1 =	seq.s32 s10, $0x1;
	s10 =	sld [smem:$0x3FBA];
	_ =	sdelay $0x3  }
0x37: {  	[smem:$0x3FBA] =	sst s10  }
0x38: {  	s10 =	sld [smem:$0x3FBB]  }
0x39: {  	_ = 	snop;
	(pc) =	sbr.ind lr, $3  }
0x3a: {  	_ = 	snop  }
0x3b: {  	_ = 	snop  }
0x3c: {  	p2 =	seq.s32 s10, $0x1;
	s10 =	sld [smem:$0x3FBA]  }
0x3d: {  	_ =	shalt  }
0x3e: {  	_ =	shalt  }
0x3f: {  	_ =	shalt  }
0x40: {  	_ =	shalt  }
0x41: {  	_ =	shalt  }
0x42: {  	_ =	shalt  }
0x43: {  	_ =	shalt  }
0x44: {  	_ =	shalt  }
0x45: {  	_ =	shalt  }
0x46: {  	_ =	shalt  }
0x47: {  	_ =	shalt  }
0x48: {  	_ =	shalt  }
0x49: {  	_ =	shalt  }
0x4a: {  	_ =	shalt  }
0x4b: {  	_ =	shalt  }
0x4c: {  	_ =	shalt  }
0x4d: {  	_ =	shalt  }
0x4e: {  	_ =	shalt  }
0x4f: {  	_ =	shalt  }
0x50: {  	_ =	shalt  }
0x51: {  	_ =	shalt  }
0x52: {  	_ =	shalt  }
0x53: {  	_ =	shalt  }
0x54: {  	_ =	shalt  }
0x55: {  	_ =	shalt  }
0x56: {  	_ =	shalt  }
0x57: {  	_ =	shalt  }
0x58: {  	_ =	shalt  }
0x59: {  	_ =	shalt  }
0x5a: {  	_ =	shalt  }
0x5b: {  	_ =	shalt  }
0x5c: {  	_ =	shalt  }
0x5d: {  	_ =	shalt  }
0x5e: {  	_ =	shalt  }
0x5f: {  	_ =	shalt  }
0x60: {  	_ =	shalt  }
0x61: {  	_ =	shalt  }
0x62: {  	_ =	shalt  }
0x63: {  	_ =	shalt  }
0x64: {  	_ =	shalt  }
0x65: {  	_ =	shalt  }
0x66: {  	_ =	shalt  }
0x67: {  	_ =	shalt  }
0x68: {  	_ =	shalt  }
0x69: {  	_ =	shalt  }
0x6a: {  	_ =	shalt  }
0x6b: {  	_ =	shalt  }
0x6c: {  	_ =	shalt  }
0x6d: {  	_ =	shalt  }
0x6e: {  	_ =	shalt  }
0x6f: {  	_ =	shalt  }
0x70: {  	_ =	shalt  }
0x71: {  	_ =	shalt  }
0x72: {  	_ =	shalt  }
0x73: {  	_ =	shalt  }
0x74: {  	_ =	shalt  }
0x75: {  	_ =	shalt  }
0x76: {  	_ =	shalt  }
0x77: {  	_ =	shalt  }
0x78: {  	_ =	shalt  }
0x79: {  	_ =	shalt  }
0x7a: {  	_ =	shalt  }
0x7b: {  	_ =	shalt  }
0x7c: {  	_ =	shalt  }
0x7d: {  	_ =	shalt  }
0x7e: {  	_ =	shalt  }
0x7f: {  	_ =	shalt  }
0x80: {  	_ =	shalt  }
0x81: {  	_ =	shalt  }
0x82: {  	_ =	shalt  }
0x83: {  	_ =	shalt  }
0x84: {  	_ =	shalt  }
0x85: {  	_ =	shalt  }
0x86: {  	_ =	shalt  }
0x87: {  	_ =	shalt  }
.Lfunc_end0:
.L_simem_size_0:
called_computation_lowered:
.L_overlay_start_0:
0x88: {  	s2 =	sld [smem:$0x3FD9]  }
0x89: {  	s3 =	sld [smem:$0x3FFE];
	_ =	sdelay $0x1  }
0x8a: {  	s1 =	srdreg.scid  }
0x8b: {  	s0 =	sand.u32 $0x1, s1  }
0x8c: {  	s17 =	sshll.u32 s0, $0xA;
	s2 =	sadd.s32 s3, s2  }
0x8d: {  	s2 =	sadd.s32 s2, s17  }
0x8e: {  	[smem:$0x3FC6] =	sst s2  }
0x8f: {  	_ = 	snop  }
0x90: {  	s2 =	sld [smem:$0x3FC8]  }
0x91: {  	s18 =	sld [smem:$0x3FD0];
	(tm) =	ssettm $0x1  }
0x92: {  	s4 =	sld [smem:$0x3FFB];
	_ =	sdelay $0x3  }
0x93: {  	_ =	strace s4  }
0x94: {  	s4 =	sld [smem:$0x3FFC];
	_ =	sdelay $0x3  }
0x95: {  	_ =	strace s4  }
0x96: {  	s4 =	sld [smem:$0x3FFD];
	_ =	sdelay $0x3  }
0x97: {  	_ =	strace s4  }
0x98: {  	_ =	strace $0x8FFFFFFF  }
0x99: {  	s19 =	sld [smem:$0x3FDB];
	_ =	sdelay $0x1  }
0x9a: {  	s5 =	simm.s32 $_scs_section_size  }
0x9b: {  	s6 =	simm.s32 $_size__tile_overlayer_lowered;
	s7 =	simm.s32 $_tile_overlayer_lowered  }
0x9c: {  	s22 =	simm.s32 $0x1BFF;
	s21 =	sshll.u32 s7, $0x1;
	s4 =	sadd.s32 s5, s19  }
0x9d: {  	s8 =	simm.s32 $0x0;
	s20 =	sshll.u32 s6, $0x1;
	s6 =	sadd.s32 s21, s4  }
0x9e: {  	[timem:s8], [sflag:s22] =	dma.local [hbm:s6], s20  }
0x9f: {  	_ =	swait.ge [sflag:s22], s20  }
0xa0: {  	s5 =	ssub.s32 $0x0, s20;
	[sflag:s22] =	ssyncset.done $0x0  }
0xa1: {  	[sflag:s22] =	ssyncadd.s32 s5;
	_ =	sdelay $0x1  }
0xa2: {  	s23 =	simm.s32 $0x1B8B  }
0xa3: {  	_ =	swait.ge [sflag:s23], $0x1  }
0xa4: {  	[sflag:s23] =	ssyncset.done $0x0  }
0xa5: {  	s25 =	simm.s32 $0x1B8E;
	s24 =	sld [smem:$0x3FFE];
	[sflag:s23] =	ssyncadd.s32 $0xFFFFFFFF  }
0xa6: {  	s26 =	simm.s32 $execute0_lowered;
	[smem:$0x3FD2] =	sst s25  }
0xa7: {  	s6 =	sshll.u32 s26, $0x1;
	_ =	strace $0x80000046;
	[dreg:$0x1] =	wrdreg $0xFFFFFFFF  }
0xa8: {  	s28 =	simm.s32 $_size_execute0_lowered;
	s4 =	sadd.s32 s4, s6;
	[dreg:$0x0] =	wrdreg $0x0  }
0xa9: {  	s6 =	sshll.u32 s28, $0x1;
	[dreg:$0x2] =	wrdreg s4  }
0xaa: {  	[dreg:$0x3] =	wrdreg s6  }
0xab: {  	[dreg:$0x4] =	wrdreg $0xC0  }
0xac: {  	_ =	task [dreg:s8], $0x5FFFF  }
0xad: {  	[dreg:$0x1] =	wrdreg $0xFFFFFFFF  }
0xae: {  	[dreg:$0x0] =	wrdreg $0x60  }
0xaf: {  	[dreg:$0x2] =	wrdreg s24  }
0xb0: {  	[dreg:$0x3] =	wrdreg s2  }
0xb1: {  	[dreg:$0x4] =	wrdreg s18  }
0xb2: {  	[dreg:$0x5] =	wrdreg $0x9  }
0xb3: {  	_ =	task.clear_ibuf [dreg:s8], $0x6FFFF;
	_ =	strace $0x90000046  }
0xb4: {  	s29 =	simm.s32 $0x9;
	_ =	strace $0x80000048  }
0xb5: {  	_ =	swait.ge [sflag:s29], $0x1  }
0xb6: {  	[sflag:s29] =	ssyncadd.s32 $0xFFFFFFFF  }
0xb7: {  	_ =	strace $0x90000048  }
0xb8: {  	_ =	sfence  }
0xb9: {  	s30 =	sld [smem:$0x0];
	_ =	sdelay $0x2  }
0xba: {  	s31 =	sshll.u32 s1, $0xD;
	s1 =	sshrl.u32 s1, $0x2  }
0xbb: {  	s3 =	sand.u32 $0x4000, s31;
	s1 =	sadd.s32 s1, s30  }
0xbc: {  	s0 =	sor.u32 s3, s0;
	s1 =	sshll.u32 s1, $0x11  }
0xbd: {  	s0 =	sor.u32 s1, s0  }
0xbe: {  	s0 =	sadd.s32 $0x8F2B, s0  }
0xbf: {  	[sflag:s0] =	ssyncadd.remote.s32 $0x1  }
0xc0: {  	_ =	sfence.sel $0xFFFF  }
0xc1: {  	[dreg:$0x0] =	wrdreg $0xFFFFFFFF;
	(pc) =	sbr.abs _section_cstart, $3  }
0xc2: {  	[dreg:$0x1] =	wrdreg $0xFFFFFFFF  }
0xc3: {  	_ =	task.clear_ibuf [dreg:s8], $0x2FFFF;
	_ =	strace $0x9FFFFFFF  }
0xc4: {  	(tm) =	ssettm $0x7FFFFFFF  }
0xc5: {  	_ =	shalt  }
tec
execute0_lowered:
.L_overlay_start_1:
0x0: {  	(tag) =	ssettag $0x1  }
0x1: {  	s0 =	srdreg.scid  }
0x2: {  	s1 =	rddreg [dreg:$0x0];
	s3 =	stileid.u32;
	s0 =	sand.u32 $0x1, s0  }
0x3: {  	s2 =	rddreg [dreg:$0x1];
	s3 =	sshll.u32 s3, $0x6;
	s4 =	sshll.u32 s0, $0x5  }
0x4: {  	s5 =	rddreg [dreg:$0x2];
	s4 =	sor.u32 s4, s3  }
0x5: {  	s3 =	simm.s32 $0x0;
	s6 =	sshll.u32 s4, $0x4;
	s4 =	sshll.u32 s4, $0xB  }
0x6: {  	[smem:$0x7FF] =	sst s3;
	s1 =	sadd.s32 s6, s1;
	s8 =	sadd.s32 s5, s4  }
0x7: {  	_ =	strace $0x80000047;
	s1 =	sadd.s32 $0x400, s1;
	[dreg:$0x14] =	wrdreg s8  }
0x8: {  	s11 =	sadd.s32 $0x1000, s8;
	[dreg:$0x4] =	wrdreg s1  }
0x9: {  	s12 =	sadd.s32 $0x2000, s8;
	[dreg:$0x5] =	wrdreg s11  }
0xa: {  	s13 =	sadd.s32 $0x3000, s8;
	[dreg:$0x6] =	wrdreg s12  }
0xb: {  	s14 =	sadd.s32 $0x4000, s8;
	[dreg:$0x7] =	wrdreg s13  }
0xc: {  	s28 =	simm.s32 $0x1;
	s15 =	sadd.s32 $0x5000, s8;
	[dreg:$0x8] =	wrdreg s14  }
0xd: {  	s31 =	simm.s32 $0x2;
	s16 =	sadd.s32 $0x6000, s8;
	[dreg:$0x9] =	wrdreg s15  }
0xe: {  	s9 =	simm.s32 $0x3;
	s17 =	sadd.s32 $0x7000, s8;
	[dreg:$0xa] =	wrdreg s16  }
0xf: {  	s29 =	simm.s32 $0x8;
	s18 =	sadd.s32 $0x8000, s8;
	[dreg:$0xb] =	wrdreg s17  }
0x10: {  	s30 =	simm.s32 $0x5;
	s19 =	sadd.s32 $0x9000, s8;
	[dreg:$0xc] =	wrdreg s18  }
0x11: {  	s7 =	sadd.s32 $0x300, s2;
	s20 =	sadd.s32 $0xA000, s8;
	[dreg:$0xd] =	wrdreg s19  }
0x12: {  	s0 =	ssub.s32 $0x2, s0;
	s22 =	sadd.s32 $0xB000, s8;
	[dreg:$0xe] =	wrdreg s20  }
0x13: {  	s21 =	sshrl.u32 s0, $0x1;
	s23 =	sadd.s32 $0xC000, s8;
	[dreg:$0xf] =	wrdreg s22  }
0x14: {  	s0 =	ssub.s32 s0, s21;
	s24 =	sadd.s32 $0xD000, s8;
	[dreg:$0x10] =	wrdreg s23  }
0x15: {  	s5 =	sadd.s32 $0x100, s2;
	s25 =	sadd.s32 $0xE000, s8;
	[dreg:$0x11] =	wrdreg s24  }
0x16: {  	v2 =	vlaneseq.u32;
	s6 =	sadd.s32 $0x200, s2;
	s26 =	sadd.s32 $0xF000, s8;
	[dreg:$0x12] =	wrdreg s25  }
0x17: {  	vm0 =	vmmov $0xffff;
	v1 =	vshrl.u32 v2, $0x3;
	s4 =	simm.s32 $0x4;
	s8 =	smax.u32 s0, $0x1;
	[dreg:$0x13] =	wrdreg s26  }
0x18: {  	v0 =	vand.u32 $0x7, v2;
	v2 =	vor.u32 $0x8, v2;
	v1 =	vmul.u32 $0x8, v1;
	s1 =	simm.s32 $0x7;
	s11 =	simm.s32 $0x6;
	s12 =	simm.s32 $0x9  }
.LBB2_1:
0x19: {  	[dreg:$0x15] =	wrdreg s8  }
0x1a: {  	s13 =	rddreg [dreg:$0x4];
	s19 =	simm.s32 $0xA  }
0x1b: {  	[tilespmem:s3], [sflag:$0xA] =	stream.linear.gather [hbm4b:s13+s3], $0x1000, $0x38;
	[tilespmem:$0x19000] =	vst v63  }
0x1c: {  	_ =	swait.ge [sflag:s19], $0x1000  }
0x1d: {  	[sflag:s19] =	ssyncset.done $0x0  }
0x1e: {  	[sflag:s19] =	ssyncadd.s32 $0xFFFFF000  }
0x1f: {  	v3 =	vld [tilespmem:$0x0];
	_ =	sdelay $0x4  }
0x20: {  	v4 =	vshll.u32 v3, $0x3  }
0x21: {  	v3 =	vand.u32 $0x7, v3;
	v4 =	vand.u32 $0xFFFFFFC0, v4  }
0x22: {  	v3 =	vor.u32 v3, v4  }
0x23: {  	v4 =	vperm.xlane v3, v0;
	_ =	sdelay $0x1  }
0x24: {  	v4 =	vadd.s32 v1, v4;
	_ =	sdelay $0x3  }
0x25: {  	s0 =	simm.s32 $0x1000  }
0x26: {  	[tilespmem:s0], [sflag:$0x1] =	stream.indirect_vreg.gather [hbm4b:s2+s3], $0x80, v4, vm0, $0xb8;
	[tilespmem:$0x19000] =	vst v63  }
0x27: {  	s20 =	simm.s32 $0x1800;
	v3 =	vperm.xlane v3, v2  }
0x28: {  	[tilespmem:s20], [sflag:$0x1] =	stream.indirect_vreg.gather [hbm4b:s5+s3], $0x80, v4, vm0, $0xb8;
	[tilespmem:$0x19000] =	vst v63  }
0x29: {  	s21 =	simm.s32 $0x2000;
	v3 =	vadd.s32 v1, v3  }
0x2a: {  	[tilespmem:s21], [sflag:$0x1] =	stream.indirect_vreg.gather [hbm4b:s6+s3], $0x80, v4, vm0, $0xb8;
	[tilespmem:$0x19000] =	vst v63  }
0x2b: {  	s22 =	simm.s32 $0x2800  }
0x2c: {  	[tilespmem:s22], [sflag:$0x1] =	stream.indirect_vreg.gather [hbm4b:s7+s3], $0x80, v4, vm0, $0xb8;
	[tilespmem:$0x19000] =	vst v63  }
0x2d: {  	s23 =	simm.s32 $0x3000  }
0x2e: {  	[tilespmem:s23], [sflag:$0x1] =	stream.indirect_vreg.gather [hbm4b:s2+s3], $0x80, v3, vm0, $0xb8;
	[tilespmem:$0x19000] =	vst v63  }
0x2f: {  	s24 =	simm.s32 $0x3800  }
0x30: {  	[tilespmem:s24], [sflag:$0x1] =	stream.indirect_vreg.gather [hbm4b:s5+s3], $0x80, v3, vm0, $0xb8;
	[tilespmem:$0x19000] =	vst v63  }
0x31: {  	s26 =	simm.s32 $0x4000  }
0x32: {  	[tilespmem:s26], [sflag:$0x1] =	stream.indirect_vreg.gather [hbm4b:s6+s3], $0x80, v3, vm0, $0xb8;
	[tilespmem:$0x19000] =	vst v63  }
0x33: {  	s0 =	simm.s32 $0x4800  }
0x34: {  	[tilespmem:s0], [sflag:$0x1] =	stream.indirect_vreg.gather [hbm4b:s7+s3], $0x80, v3, vm0, $0xb8;
	[tilespmem:$0x19000] =	vst v63  }
0x35: {  	v3 =	vld [tilespmem:$0x80];
	_ =	sdelay $0x4  }
0x36: {  	v33 =	vshll.u32 v3, $0x3  }
0x37: {  	v3 =	vand.u32 $0x7, v3;
	v4 =	vand.u32 $0xFFFFFFC0, v33  }
0x38: {  	v3 =	vor.u32 v3, v4  }
0x39: {  	v4 =	vperm.xlane v3, v0;
	_ =	sdelay $0x1  }
0x3a: {  	v4 =	vadd.s32 v1, v4;
	_ =	sdelay $0x3  }
0x3b: {  	s8 =	simm.s32 $0x5000  }
0x3c: {  	[tilespmem:s8], [sflag:$0x2] =	stream.indirect_vreg.gather [hbm4b:s2+s3], $0x80, v4, vm0, $0xb8;
	[tilespmem:$0x19000] =	vst v63  }
0x3d: {  	s10 =	simm.s32 $0x5800;
	v3 =	vperm.xlane v3, v2  }
0x3e: {  	[tilespmem:s10], [sflag:$0x2] =	stream.indirect_vreg.gather [hbm4b:s5+s3], $0x80, v4, vm0, $0xb8;
	[tilespmem:$0x19000] =	vst v63  }
0x3f: {  	s15 =	simm.s32 $0x6000;
	v3 =	vadd.s32 v1, v3  }
0x40: {  	[tilespmem:s15], [sflag:$0x2] =	stream.indirect_vreg.gather [hbm4b:s6+s3], $0x80, v4, vm0, $0xb8;
	[tilespmem:$0x19000] =	vst v63  }
0x41: {  	s21 =	simm.s32 $0x6800  }
0x42: {  	[tilespmem:s21], [sflag:$0x2] =	stream.indirect_vreg.gather [hbm4b:s7+s3], $0x80, v4, vm0, $0xb8;
	[tilespmem:$0x19000] =	vst v63  }
0x43: {  	s22 =	simm.s32 $0x7000  }
0x44: {  	[tilespmem:s22], [sflag:$0x2] =	stream.indirect_vreg.gather [hbm4b:s2+s3], $0x80, v3, vm0, $0xb8;
	[tilespmem:$0x19000] =	vst v63  }
0x45: {  	s0 =	simm.s32 $0x7800  }
0x46: {  	[tilespmem:s0], [sflag:$0x2] =	stream.indirect_vreg.gather [hbm4b:s5+s3], $0x80, v3, vm0, $0xb8;
	[tilespmem:$0x19000] =	vst v63  }
0x47: {  	s8 =	simm.s32 $0x8000  }
0x48: {  	[tilespmem:s8], [sflag:$0x2] =	stream.indirect_vreg.gather [hbm4b:s6+s3], $0x80, v3, vm0, $0xb8;
	[tilespmem:$0x19000] =	vst v63  }
0x49: {  	s10 =	simm.s32 $0x8800  }
0x4a: {  	[tilespmem:s10], [sflag:$0x2] =	stream.indirect_vreg.gather [hbm4b:s7+s3], $0x80, v3, vm0, $0xb8;
	[tilespmem:$0x19000] =	vst v63  }
0x4b: {  	v3 =	vld [tilespmem:$0x100];
	_ =	sdelay $0x4  }
0x4c: {  	v34 =	vshll.u32 v3, $0x3  }
0x4d: {  	v3 =	vand.u32 $0x7, v3;
	v4 =	vand.u32 $0xFFFFFFC0, v34  }
0x4e: {  	v3 =	vor.u32 v3, v4  }
0x4f: {  	v4 =	vperm.xlane v3, v0;
	_ =	sdelay $0x1  }
0x50: {  	v4 =	vadd.s32 v1, v4;
	_ =	sdelay $0x3  }
0x51: {  	s10 =	simm.s32 $0x9000  }
0x52: {  	[tilespmem:s10], [sflag:$0x3] =	stream.indirect_vreg.gather [hbm4b:s2+s3], $0x80, v4, vm0, $0xb8;
	[tilespmem:$0x19000] =	vst v63  }
0x53: {  	s13 =	simm.s32 $0x9800;
	v3 =	vperm.xlane v3, v2  }
0x54: {  	[tilespmem:s13], [sflag:$0x3] =	stream.indirect_vreg.gather [hbm4b:s5+s3], $0x80, v4, vm0, $0xb8;
	[tilespmem:$0x19000] =	vst v63  }
0x55: {  	s0 =	simm.s32 $0xA000;
	v3 =	vadd.s32 v1, v3  }
0x56: {  	[tilespmem:s0], [sflag:$0x3] =	stream.indirect_vreg.gather [hbm4b:s6+s3], $0x80, v4, vm0, $0xb8;
	[tilespmem:$0x19000] =	vst v63  }
0x57: {  	s8 =	simm.s32 $0xA800  }
0x58: {  	[tilespmem:s8], [sflag:$0x3] =	stream.indirect_vreg.gather [hbm4b:s7+s3], $0x80, v4, vm0, $0xb8;
	[tilespmem:$0x19000] =	vst v63  }
0x59: {  	s13 =	simm.s32 $0xB000  }
0x5a: {  	[tilespmem:s13], [sflag:$0x3] =	stream.indirect_vreg.gather [hbm4b:s2+s3], $0x80, v3, vm0, $0xb8;
	[tilespmem:$0x19000] =	vst v63  }
0x5b: {  	s0 =	simm.s32 $0xB800  }
0x5c: {  	[tilespmem:s0], [sflag:$0x3] =	stream.indirect_vreg.gather [hbm4b:s5+s3], $0x80, v3, vm0, $0xb8;
	[tilespmem:$0x19000] =	vst v63  }
0x5d: {  	s8 =	simm.s32 $0xC000  }
0x5e: {  	[tilespmem:s8], [sflag:$0x3] =	stream.indirect_vreg.gather [hbm4b:s6+s3], $0x80, v3, vm0, $0xb8;
	[tilespmem:$0x19000] =	vst v63  }
0x5f: {  	s13 =	simm.s32 $0xC800  }
0x60: {  	[tilespmem:s13], [sflag:$0x3] =	stream.indirect_vreg.gather [hbm4b:s7+s3], $0x80, v3, vm0, $0xb8;
	[tilespmem:$0x19000] =	vst v63  }
0x61: {  	v3 =	vld [tilespmem:$0x180];
	_ =	sdelay $0x4  }
0x62: {  	v35 =	vshll.u32 v3, $0x3  }
0x63: {  	v3 =	vand.u32 $0x7, v3;
	v4 =	vand.u32 $0xFFFFFFC0, v35  }
0x64: {  	v3 =	vor.u32 v3, v4  }
0x65: {  	v4 =	vperm.xlane v3, v0;
	_ =	sdelay $0x1  }
0x66: {  	v4 =	vadd.s32 v1, v4;
	_ =	sdelay $0x3  }
0x67: {  	s0 =	simm.s32 $0xD000  }
0x68: {  	[tilespmem:s0], [sflag:$0x4] =	stream.indirect_vreg.gather [hbm4b:s2+s3], $0x80, v4, vm0, $0xb8;
	[tilespmem:$0x19000] =	vst v63  }
0x69: {  	s8 =	simm.s32 $0xD800;
	v3 =	vperm.xlane v3, v2  }
0x6a: {  	[tilespmem:s8], [sflag:$0x4] =	stream.indirect_vreg.gather [hbm4b:s5+s3], $0x80, v4, vm0, $0xb8;
	[tilespmem:$0x19000] =	vst v63  }
0x6b: {  	s13 =	simm.s32 $0xE000;
	v3 =	vadd.s32 v1, v3  }
0x6c: {  	[tilespmem:s13], [sflag:$0x4] =	stream.indirect_vreg.gather [hbm4b:s6+s3], $0x80, v4, vm0, $0xb8;
	[tilespmem:$0x19000] =	vst v63  }
0x6d: {  	s0 =	simm.s32 $0xE800  }
0x6e: {  	[tilespmem:s0], [sflag:$0x4] =	stream.indirect_vreg.gather [hbm4b:s7+s3], $0x80, v4, vm0, $0xb8;
	[tilespmem:$0x19000] =	vst v63  }
0x6f: {  	s8 =	simm.s32 $0xF000  }
0x70: {  	[tilespmem:s8], [sflag:$0x4] =	stream.indirect_vreg.gather [hbm4b:s2+s3], $0x80, v3, vm0, $0xb8;
	[tilespmem:$0x19000] =	vst v63  }
0x71: {  	s13 =	simm.s32 $0xF800  }
0x72: {  	[tilespmem:s13], [sflag:$0x4] =	stream.indirect_vreg.gather [hbm4b:s5+s3], $0x80, v3, vm0, $0xb8;
	[tilespmem:$0x19000] =	vst v63  }
0x73: {  	s0 =	simm.s32 $0x10000  }
0x74: {  	[tilespmem:s0], [sflag:$0x4] =	stream.indirect_vreg.gather [hbm4b:s6+s3], $0x80, v3, vm0, $0xb8;
	[tilespmem:$0x19000] =	vst v63  }
0x75: {  	s8 =	simm.s32 $0x10800  }
0x76: {  	[tilespmem:s8], [sflag:$0x4] =	stream.indirect_vreg.gather [hbm4b:s7+s3], $0x80, v3, vm0, $0xb8;
	[tilespmem:$0x19000] =	vst v63  }
0x77: {  	v3 =	vld [tilespmem:$0x200];
	_ =	sdelay $0x4  }
0x78: {  	v36 =	vshll.u32 v3, $0x3  }
0x79: {  	v3 =	vand.u32 $0x7, v3;
	v4 =	vand.u32 $0xFFFFFFC0, v36  }
0x7a: {  	v3 =	vor.u32 v3, v4  }
0x7b: {  	v4 =	vperm.xlane v3, v0;
	_ =	sdelay $0x1  }
0x7c: {  	v4 =	vadd.s32 v1, v4;
	_ =	sdelay $0x3  }
0x7d: {  	s13 =	simm.s32 $0x11000  }
0x7e: {  	[tilespmem:s13], [sflag:$0x5] =	stream.indirect_vreg.gather [hbm4b:s2+s3], $0x80, v4, vm0, $0xb8;
	[tilespmem:$0x19000] =	vst v63  }
0x7f: {  	s0 =	simm.s32 $0x11800;
	v3 =	vperm.xlane v3, v2  }
0x80: {  	[tilespmem:s0], [sflag:$0x5] =	stream.indirect_vreg.gather [hbm4b:s5+s3], $0x80, v4, vm0, $0xb8;
	[tilespmem:$0x19000] =	vst v63  }
0x81: {  	s8 =	simm.s32 $0x12000;
	v3 =	vadd.s32 v1, v3  }
0x82: {  	[tilespmem:s8], [sflag:$0x5] =	stream.indirect_vreg.gather [hbm4b:s6+s3], $0x80, v4, vm0, $0xb8;
	[tilespmem:$0x19000] =	vst v63  }
0x83: {  	s10 =	simm.s32 $0x12800  }
0x84: {  	[tilespmem:s10], [sflag:$0x5] =	stream.indirect_vreg.gather [hbm4b:s7+s3], $0x80, v4, vm0, $0xb8;
	[tilespmem:$0x19000] =	vst v63  }
0x85: {  	s0 =	simm.s32 $0x13000  }
0x86: {  	[tilespmem:s0], [sflag:$0x5] =	stream.indirect_vreg.gather [hbm4b:s2+s3], $0x80, v3, vm0, $0xb8;
	[tilespmem:$0x19000] =	vst v63  }
0x87: {  	s10 =	simm.s32 $0x13800  }
0x88: {  	[tilespmem:s10], [sflag:$0x5] =	stream.indirect_vreg.gather [hbm4b:s5+s3], $0x80, v3, vm0, $0xb8;
	[tilespmem:$0x19000] =	vst v63  }
0x89: {  	s0 =	simm.s32 $0x14000  }
0x8a: {  	[tilespmem:s0], [sflag:$0x5] =	stream.indirect_vreg.gather [hbm4b:s6+s3], $0x80, v3, vm0, $0xb8;
	[tilespmem:$0x19000] =	vst v63  }
0x8b: {  	s10 =	simm.s32 $0x14800  }
0x8c: {  	[tilespmem:s10], [sflag:$0x5] =	stream.indirect_vreg.gather [hbm4b:s7+s3], $0x80, v3, vm0, $0xb8;
	[tilespmem:$0x19000] =	vst v63  }
0x8d: {  	_ =	swait.ge [sflag:s28], $0x4000  }
0x8e: {  	[sflag:s28] =	ssyncset.done $0x0  }
0x8f: {  	[sflag:s28] =	ssyncadd.s32 $0xFFFFC000  }
0x90: {  	v3 =	vld [tilespmem:$0x280];
	_ =	sdelay $0x4  }
0x91: {  	v37 =	vshll.u32 v3, $0x3  }
0x92: {  	v3 =	vand.u32 $0x7, v3;
	v4 =	vand.u32 $0xFFFFFFC0, v37  }
0x93: {  	v3 =	vor.u32 v3, v4  }
0x94: {  	v4 =	vperm.xlane v3, v0;
	_ =	sdelay $0x1  }
0x95: {  	v4 =	vadd.s32 v1, v4;
	_ =	sdelay $0x3  }
0x96: {  	s0 =	simm.s32 $0x15000  }
0x97: {  	[tilespmem:s0], [sflag:$0x6] =	stream.indirect_vreg.gather [hbm4b:s2+s3], $0x80, v4, vm0, $0xb8;
	[tilespmem:$0x19000] =	vst v63  }
0x98: {  	s10 =	simm.s32 $0x15800;
	v3 =	vperm.xlane v3, v2  }
0x99: {  	[tilespmem:s10], [sflag:$0x6] =	stream.indirect_vreg.gather [hbm4b:s5+s3], $0x80, v4, vm0, $0xb8;
	[tilespmem:$0x19000] =	vst v63  }
0x9a: {  	v3 =	vadd.s32 v1, v3;
	s0 =	simm.s32 $0x16000  }
0x9b: {  	[tilespmem:s0], [sflag:$0x6] =	stream.indirect_vreg.gather [hbm4b:s6+s3], $0x80, v4, vm0, $0xb8;
	[tilespmem:$0x19000] =	vst v63  }
0x9c: {  	s10 =	simm.s32 $0x16800  }
0x9d: {  	[tilespmem:s10], [sflag:$0x6] =	stream.indirect_vreg.gather [hbm4b:s7+s3], $0x80, v4, vm0, $0xb8;
	[tilespmem:$0x19000] =	vst v63  }
0x9e: {  	s0 =	simm.s32 $0x17000  }
0x9f: {  	[tilespmem:s0], [sflag:$0x6] =	stream.indirect_vreg.gather [hbm4b:s2+s3], $0x80, v3, vm0, $0xb8;
	[tilespmem:$0x19000] =	vst v63  }
0xa0: {  	s10 =	simm.s32 $0x17800  }
0xa1: {  	[tilespmem:s10], [sflag:$0x6] =	stream.indirect_vreg.gather [hbm4b:s5+s3], $0x80, v3, vm0, $0xb8;
	[tilespmem:$0x19000] =	vst v63  }
0xa2: {  	s0 =	simm.s32 $0x18000  }
0xa3: {  	[tilespmem:s0], [sflag:$0x6] =	stream.indirect_vreg.gather [hbm4b:s6+s3], $0x80, v3, vm0, $0xb8;
	[tilespmem:$0x19000] =	vst v63  }
0xa4: {  	s10 =	simm.s32 $0x18800  }
0xa5: {  	[tilespmem:s10], [sflag:$0x6] =	stream.indirect_vreg.gather [hbm4b:s7+s3], $0x80, v3, vm0, $0xb8;
	[tilespmem:$0x19000] =	vst v63  }
0xa6: {  	_ =	swait.ge [sflag:s31], $0x4000  }
0xa7: {  	[sflag:s31] =	ssyncset.done $0x0  }
0xa8: {  	s10 =	simm.s32 $0x1000;
	s0 =	rddreg [dreg:$0x14];
	[sflag:s31] =	ssyncadd.s32 $0xFFFFC000  }
0xa9: {  	[hbm4b:s0+s3] =	stream.linear.scatter [tilespmem:s10], [sflag:$0x7], $0x8000, $0x38;
	[tilespmem:$0x19000] =	vst v63  }
0xaa: {  	_ =	swait.ge [sflag:s1], $0x8000  }
0xab: {  	[sflag:s1] =	ssyncset.done $0x0  }
0xac: {  	[sflag:s1] =	ssyncadd.s32 $0xFFFF8000  }
0xad: {  	v3 =	vld [tilespmem:$0x300];
	_ =	sdelay $0x4  }
0xae: {  	v38 =	vshll.u32 v3, $0x3  }
0xaf: {  	v3 =	vand.u32 $0x7, v3;
	v4 =	vand.u32 $0xFFFFFFC0, v38  }
0xb0: {  	v3 =	vor.u32 v3, v4  }
0xb1: {  	v4 =	vperm.xlane v3, v0;
	_ =	sdelay $0x1  }
0xb2: {  	v4 =	vadd.s32 v1, v4;
	_ =	sdelay $0x4  }
0xb3: {  	[tilespmem:s10], [sflag:$0x1] =	stream.indirect_vreg.gather [hbm4b:s2+s3], $0x80, v4, vm0, $0xb8;
	[tilespmem:$0x19000] =	vst v63  }
0xb4: {  	s20 =	simm.s32 $0x1800;
	v3 =	vperm.xlane v3, v2  }
0xb5: {  	[tilespmem:s20], [sflag:$0x1] =	stream.indirect_vreg.gather [hbm4b:s5+s3], $0x80, v4, vm0, $0xb8;
	[tilespmem:$0x19000] =	vst v63  }
0xb6: {  	s25 =	simm.s32 $0x2000;
	v3 =	vadd.s32 v1, v3  }
0xb7: {  	[tilespmem:s25], [sflag:$0x1] =	stream.indirect_vreg.gather [hbm4b:s6+s3], $0x80, v4, vm0, $0xb8;
	[tilespmem:$0x19000] =	vst v63  }
0xb8: {  	s16 =	simm.s32 $0x2800  }
0xb9: {  	[tilespmem:s16], [sflag:$0x1] =	stream.indirect_vreg.gather [hbm4b:s7+s3], $0x80, v4, vm0, $0xb8;
	[tilespmem:$0x19000] =	vst v63  }
0xba: {  	s17 =	simm.s32 $0x3000  }
0xbb: {  	[tilespmem:s17], [sflag:$0x1] =	stream.indirect_vreg.gather [hbm4b:s2+s3], $0x80, v3, vm0, $0xb8;
	[tilespmem:$0x19000] =	vst v63  }
0xbc: {  	s18 =	simm.s32 $0x3800  }
0xbd: {  	[tilespmem:s18], [sflag:$0x1] =	stream.indirect_vreg.gather [hbm4b:s5+s3], $0x80, v3, vm0, $0xb8;
	[tilespmem:$0x19000] =	vst v63  }
0xbe: {  	s19 =	simm.s32 $0x4000  }
0xbf: {  	[tilespmem:s19], [sflag:$0x1] =	stream.indirect_vreg.gather [hbm4b:s6+s3], $0x80, v3, vm0, $0xb8;
	[tilespmem:$0x19000] =	vst v63  }
0xc0: {  	s14 =	simm.s32 $0x4800  }
0xc1: {  	[tilespmem:s14], [sflag:$0x1] =	stream.indirect_vreg.gather [hbm4b:s7+s3], $0x80, v3, vm0, $0xb8;
	[tilespmem:$0x19000] =	vst v63  }
0xc2: {  	_ =	swait.ge [sflag:s9], $0x4000  }
0xc3: {  	[sflag:s9] =	ssyncset.done $0x0  }
0xc4: {  	[sflag:s9] =	ssyncadd.s32 $0xFFFFC000  }
0xc5: {  	v3 =	vld [tilespmem:$0x380];
	_ =	sdelay $0x4  }
0xc6: {  	v39 =	vshll.u32 v3, $0x3  }
0xc7: {  	v3 =	vand.u32 $0x7, v3;
	v4 =	vand.u32 $0xFFFFFFC0, v39  }
0xc8: {  	v3 =	vor.u32 v3, v4  }
0xc9: {  	v4 =	vperm.xlane v3, v0;
	_ =	sdelay $0x1  }
0xca: {  	v4 =	vadd.s32 v1, v4;
	_ =	sdelay $0x3  }
0xcb: {  	s23 =	simm.s32 $0x5000  }
0xcc: {  	[tilespmem:s23], [sflag:$0x2] =	stream.indirect_vreg.gather [hbm4b:s2+s3], $0x80, v4, vm0, $0xb8;
	[tilespmem:$0x19000] =	vst v63  }
0xcd: {  	s26 =	simm.s32 $0x5800;
	v3 =	vperm.xlane v3, v2  }
0xce: {  	[tilespmem:s26], [sflag:$0x2] =	stream.indirect_vreg.gather [hbm4b:s5+s3], $0x80, v4, vm0, $0xb8;
	[tilespmem:$0x19000] =	vst v63  }
0xcf: {  	s24 =	simm.s32 $0x6000;
	v3 =	vadd.s32 v1, v3  }
0xd0: {  	[tilespmem:s24], [sflag:$0x2] =	stream.indirect_vreg.gather [hbm4b:s6+s3], $0x80, v4, vm0, $0xb8;
	[tilespmem:$0x19000] =	vst v63  }
0xd1: {  	s15 =	simm.s32 $0x6800  }
0xd2: {  	[tilespmem:s15], [sflag:$0x2] =	stream.indirect_vreg.gather [hbm4b:s7+s3], $0x80, v4, vm0, $0xb8;
	[tilespmem:$0x19000] =	vst v63  }
0xd3: {  	s20 =	simm.s32 $0x7000  }
0xd4: {  	[tilespmem:s20], [sflag:$0x2] =	stream.indirect_vreg.gather [hbm4b:s2+s3], $0x80, v3, vm0, $0xb8;
	[tilespmem:$0x19000] =	vst v63  }
0xd5: {  	s23 =	simm.s32 $0x7800  }
0xd6: {  	[tilespmem:s23], [sflag:$0x2] =	stream.indirect_vreg.gather [hbm4b:s5+s3], $0x80, v3, vm0, $0xb8;
	[tilespmem:$0x19000] =	vst v63  }
0xd7: {  	s21 =	simm.s32 $0x8000  }
0xd8: {  	[tilespmem:s21], [sflag:$0x2] =	stream.indirect_vreg.gather [hbm4b:s6+s3], $0x80, v3, vm0, $0xb8;
	[tilespmem:$0x19000] =	vst v63  }
0xd9: {  	s22 =	simm.s32 $0x8800  }
0xda: {  	[tilespmem:s22], [sflag:$0x2] =	stream.indirect_vreg.gather [hbm4b:s7+s3], $0x80, v3, vm0, $0xb8;
	[tilespmem:$0x19000] =	vst v63  }
0xdb: {  	_ =	swait.ge [sflag:s4], $0x4000  }
0xdc: {  	[sflag:s4] =	ssyncset.done $0x0  }
0xdd: {  	s25 =	simm.s32 $0x9000;
	s24 =	rddreg [dreg:$0x5];
	[sflag:s4] =	ssyncadd.s32 $0xFFFFC000  }
0xde: {  	[hbm4b:s24+s3] =	stream.linear.scatter [tilespmem:s25], [sflag:$0x8], $0x8000, $0x38;
	[tilespmem:$0x19000] =	vst v63  }
0xdf: {  	_ =	swait.ge [sflag:s29], $0x8000  }
0xe0: {  	[sflag:s29] =	ssyncset.done $0x0  }
0xe1: {  	[sflag:s29] =	ssyncadd.s32 $0xFFFF8000  }
0xe2: {  	v3 =	vld [tilespmem:$0x400];
	_ =	sdelay $0x4  }
0xe3: {  	v40 =	vshll.u32 v3, $0x3  }
0xe4: {  	v3 =	vand.u32 $0x7, v3;
	v4 =	vand.u32 $0xFFFFFFC0, v40  }
0xe5: {  	v3 =	vor.u32 v3, v4  }
0xe6: {  	v4 =	vperm.xlane v3, v0;
	_ =	sdelay $0x1  }
0xe7: {  	v4 =	vadd.s32 v1, v4;
	_ =	sdelay $0x4  }
0xe8: {  	[tilespmem:s25], [sflag:$0x3] =	stream.indirect_vreg.gather [hbm4b:s2+s3], $0x80, v4, vm0, $0xb8;
	[tilespmem:$0x19000] =	vst v63  }
0xe9: {  	s15 =	simm.s32 $0x9800;
	v3 =	vperm.xlane v3, v2  }
0xea: {  	[tilespmem:s15], [sflag:$0x3] =	stream.indirect_vreg.gather [hbm4b:s5+s3], $0x80, v4, vm0, $0xb8;
	[tilespmem:$0x19000] =	vst v63  }
0xeb: {  	s17 =	simm.s32 $0xA000;
	v3 =	vadd.s32 v1, v3  }
0xec: {  	[tilespmem:s17], [sflag:$0x3] =	stream.indirect_vreg.gather [hbm4b:s6+s3], $0x80, v4, vm0, $0xb8;
	[tilespmem:$0x19000] =	vst v63  }
0xed: {  	s18 =	simm.s32 $0xA800  }
0xee: {  	[tilespmem:s18], [sflag:$0x3] =	stream.indirect_vreg.gather [hbm4b:s7+s3], $0x80, v4, vm0, $0xb8;
	[tilespmem:$0x19000] =	vst v63  }
0xef: {  	s19 =	simm.s32 $0xB000  }
0xf0: {  	[tilespmem:s19], [sflag:$0x3] =	stream.indirect_vreg.gather [hbm4b:s2+s3], $0x80, v3, vm0, $0xb8;
	[tilespmem:$0x19000] =	vst v63  }
0xf1: {  	s20 =	simm.s32 $0xB800  }
0xf2: {  	[tilespmem:s20], [sflag:$0x3] =	stream.indirect_vreg.gather [hbm4b:s5+s3], $0x80, v3, vm0, $0xb8;
	[tilespmem:$0x19000] =	vst v63  }
0xf3: {  	s14 =	simm.s32 $0xC000  }
0xf4: {  	[tilespmem:s14], [sflag:$0x3] =	stream.indirect_vreg.gather [hbm4b:s6+s3], $0x80, v3, vm0, $0xb8;
	[tilespmem:$0x19000] =	vst v63  }
0xf5: {  	s26 =	simm.s32 $0xC800  }
0xf6: {  	[tilespmem:s26], [sflag:$0x3] =	stream.indirect_vreg.gather [hbm4b:s7+s3], $0x80, v3, vm0, $0xb8;
	[tilespmem:$0x19000] =	vst v63  }
0xf7: {  	_ =	swait.ge [sflag:s30], $0x4000  }
0xf8: {  	[sflag:s30] =	ssyncset.done $0x0  }
0xf9: {  	[sflag:s30] =	ssyncadd.s32 $0xFFFFC000  }
0xfa: {  	v3 =	vld [tilespmem:$0x480];
	_ =	sdelay $0x4  }
0xfb: {  	v41 =	vshll.u32 v3, $0x3  }
0xfc: {  	v3 =	vand.u32 $0x7, v3;
	v4 =	vand.u32 $0xFFFFFFC0, v41  }
0xfd: {  	v3 =	vor.u32 v3, v4  }
0xfe: {  	v4 =	vperm.xlane v3, v0;
	_ =	sdelay $0x1  }
0xff: {  	v4 =	vadd.s32 v1, v4;
	_ =	sdelay $0x3  }
0x100: {  	s25 =	simm.s32 $0xD000  }
0x101: {  	[tilespmem:s25], [sflag:$0x4] =	stream.indirect_vreg.gather [hbm4b:s2+s3], $0x80, v4, vm0, $0xb8;
	[tilespmem:$0x19000] =	vst v63  }
0x102: {  	s16 =	simm.s32 $0xD800;
	v3 =	vperm.xlane v3, v2  }
0x103: {  	[tilespmem:s16], [sflag:$0x4] =	stream.indirect_vreg.gather [hbm4b:s5+s3], $0x80, v4, vm0, $0xb8;
	[tilespmem:$0x19000] =	vst v63  }
0x104: {  	s21 =	simm.s32 $0xE000;
	v3 =	vadd.s32 v1, v3  }
0x105: {  	[tilespmem:s21], [sflag:$0x4] =	stream.indirect_vreg.gather [hbm4b:s6+s3], $0x80, v4, vm0, $0xb8;
	[tilespmem:$0x19000] =	vst v63  }
0x106: {  	s24 =	simm.s32 $0xE800  }
0x107: {  	[tilespmem:s24], [sflag:$0x4] =	stream.indirect_vreg.gather [hbm4b:s7+s3], $0x80, v4, vm0, $0xb8;
	[tilespmem:$0x19000] =	vst v63  }
0x108: {  	s26 =	simm.s32 $0xF000  }
0x109: {  	[tilespmem:s26], [sflag:$0x4] =	stream.indirect_vreg.gather [hbm4b:s2+s3], $0x80, v3, vm0, $0xb8;
	[tilespmem:$0x19000] =	vst v63  }
0x10a: {  	s22 =	simm.s32 $0xF800  }
0x10b: {  	[tilespmem:s22], [sflag:$0x4] =	stream.indirect_vreg.gather [hbm4b:s5+s3], $0x80, v3, vm0, $0xb8;
	[tilespmem:$0x19000] =	vst v63  }
0x10c: {  	s23 =	simm.s32 $0x10000  }
0x10d: {  	[tilespmem:s23], [sflag:$0x4] =	stream.indirect_vreg.gather [hbm4b:s6+s3], $0x80, v3, vm0, $0xb8;
	[tilespmem:$0x19000] =	vst v63  }
0x10e: {  	s13 =	simm.s32 $0x10800  }
0x10f: {  	[tilespmem:s13], [sflag:$0x4] =	stream.indirect_vreg.gather [hbm4b:s7+s3], $0x80, v3, vm0, $0xb8;
	[tilespmem:$0x19000] =	vst v63  }
0x110: {  	_ =	swait.ge [sflag:s11], $0x4000  }
0x111: {  	[sflag:s11] =	ssyncset.done $0x0  }
0x112: {  	s0 =	simm.s32 $0x11000;
	s13 =	rddreg [dreg:$0x6];
	[sflag:s11] =	ssyncadd.s32 $0xFFFFC000  }
0x113: {  	[hbm4b:s13+s3] =	stream.linear.scatter [tilespmem:s0], [sflag:$0x9], $0x8000, $0x38;
	[tilespmem:$0x19000] =	vst v63  }
0x114: {  	_ =	swait.ge [sflag:s12], $0x8000  }
0x115: {  	[sflag:s12] =	ssyncset.done $0x0  }
0x116: {  	[sflag:s12] =	ssyncadd.s32 $0xFFFF8000  }
0x117: {  	v3 =	vld [tilespmem:$0x500];
	_ =	sdelay $0x4  }
0x118: {  	v42 =	vshll.u32 v3, $0x3  }
0x119: {  	v3 =	vand.u32 $0x7, v3;
	v4 =	vand.u32 $0xFFFFFFC0, v42  }
0x11a: {  	v3 =	vor.u32 v3, v4  }
0x11b: {  	v4 =	vperm.xlane v3, v0;
	_ =	sdelay $0x1  }
0x11c: {  	v4 =	vadd.s32 v1, v4;
	_ =	sdelay $0x4  }
0x11d: {  	[tilespmem:s0], [sflag:$0x5] =	stream.indirect_vreg.gather [hbm4b:s2+s3], $0x80, v4, vm0, $0xb8;
	[tilespmem:$0x19000] =	vst v63  }
0x11e: {  	s13 =	simm.s32 $0x11800;
	v3 =	vperm.xlane v3, v2  }
0x11f: {  	[tilespmem:s13], [sflag:$0x5] =	stream.indirect_vreg.gather [hbm4b:s5+s3], $0x80, v4, vm0, $0xb8;
	[tilespmem:$0x19000] =	vst v63  }
0x120: {  	s8 =	simm.s32 $0x12000;
	v3 =	vadd.s32 v1, v3  }
0x121: {  	[tilespmem:s8], [sflag:$0x5] =	stream.indirect_vreg.gather [hbm4b:s6+s3], $0x80, v4, vm0, $0xb8;
	[tilespmem:$0x19000] =	vst v63  }
0x122: {  	s13 =	simm.s32 $0x12800  }
0x123: {  	[tilespmem:s13], [sflag:$0x5] =	stream.indirect_vreg.gather [hbm4b:s7+s3], $0x80, v4, vm0, $0xb8;
	[tilespmem:$0x19000] =	vst v63  }
0x124: {  	s8 =	simm.s32 $0x13000  }
0x125: {  	[tilespmem:s8], [sflag:$0x5] =	stream.indirect_vreg.gather [hbm4b:s2+s3], $0x80, v3, vm0, $0xb8;
	[tilespmem:$0x19000] =	vst v63  }
0x126: {  	s13 =	simm.s32 $0x13800  }
0x127: {  	[tilespmem:s13], [sflag:$0x5] =	stream.indirect_vreg.gather [hbm4b:s5+s3], $0x80, v3, vm0, $0xb8;
	[tilespmem:$0x19000] =	vst v63  }
0x128: {  	s8 =	simm.s32 $0x14000  }
0x129: {  	[tilespmem:s8], [sflag:$0x5] =	stream.indirect_vreg.gather [hbm4b:s6+s3], $0x80, v3, vm0, $0xb8;
	[tilespmem:$0x19000] =	vst v63  }
0x12a: {  	s13 =	simm.s32 $0x14800  }
0x12b: {  	[tilespmem:s13], [sflag:$0x5] =	stream.indirect_vreg.gather [hbm4b:s7+s3], $0x80, v3, vm0, $0xb8;
	[tilespmem:$0x19000] =	vst v63  }
0x12c: {  	_ =	swait.ge [sflag:s28], $0x4000  }
0x12d: {  	[sflag:s28] =	ssyncset.done $0x0  }
0x12e: {  	[sflag:s28] =	ssyncadd.s32 $0xFFFFC000  }
0x12f: {  	v3 =	vld [tilespmem:$0x580];
	_ =	sdelay $0x4  }
0x130: {  	v43 =	vshll.u32 v3, $0x3  }
0x131: {  	v3 =	vand.u32 $0x7, v3;
	v4 =	vand.u32 $0xFFFFFFC0, v43  }
0x132: {  	v3 =	vor.u32 v3, v4  }
0x133: {  	v4 =	vperm.xlane v3, v0;
	_ =	sdelay $0x1  }
0x134: {  	v4 =	vadd.s32 v1, v4;
	_ =	sdelay $0x3  }
0x135: {  	s8 =	simm.s32 $0x15000  }
0x136: {  	[tilespmem:s8], [sflag:$0x6] =	stream.indirect_vreg.gather [hbm4b:s2+s3], $0x80, v4, vm0, $0xb8;
	[tilespmem:$0x19000] =	vst v63  }
0x137: {  	s13 =	simm.s32 $0x15800;
	v3 =	vperm.xlane v3, v2  }
0x138: {  	[tilespmem:s13], [sflag:$0x6] =	stream.indirect_vreg.gather [hbm4b:s5+s3], $0x80, v4, vm0, $0xb8;
	[tilespmem:$0x19000] =	vst v63  }
0x139: {  	v3 =	vadd.s32 v1, v3;
	s8 =	simm.s32 $0x16000  }
0x13a: {  	[tilespmem:s8], [sflag:$0x6] =	stream.indirect_vreg.gather [hbm4b:s6+s3], $0x80, v4, vm0, $0xb8;
	[tilespmem:$0x19000] =	vst v63  }
0x13b: {  	s13 =	simm.s32 $0x16800  }
0x13c: {  	[tilespmem:s13], [sflag:$0x6] =	stream.indirect_vreg.gather [hbm4b:s7+s3], $0x80, v4, vm0, $0xb8;
	[tilespmem:$0x19000] =	vst v63  }
0x13d: {  	s8 =	simm.s32 $0x17000  }
0x13e: {  	[tilespmem:s8], [sflag:$0x6] =	stream.indirect_vreg.gather [hbm4b:s2+s3], $0x80, v3, vm0, $0xb8;
	[tilespmem:$0x19000] =	vst v63  }
0x13f: {  	s13 =	simm.s32 $0x17800  }
0x140: {  	[tilespmem:s13], [sflag:$0x6] =	stream.indirect_vreg.gather [hbm4b:s5+s3], $0x80, v3, vm0, $0xb8;
	[tilespmem:$0x19000] =	vst v63  }
0x141: {  	s8 =	simm.s32 $0x18000  }
0x142: {  	[tilespmem:s8], [sflag:$0x6] =	stream.indirect_vreg.gather [hbm4b:s6+s3], $0x80, v3, vm0, $0xb8;
	[tilespmem:$0x19000] =	vst v63  }
0x143: {  	s13 =	simm.s32 $0x18800  }
0x144: {  	[tilespmem:s13], [sflag:$0x6] =	stream.indirect_vreg.gather [hbm4b:s7+s3], $0x80, v3, vm0, $0xb8;
	[tilespmem:$0x19000] =	vst v63  }
0x145: {  	_ =	swait.ge [sflag:s31], $0x4000  }
0x146: {  	[sflag:s31] =	ssyncset.done $0x0  }
0x147: {  	s8 =	simm.s32 $0x1000;
	s0 =	rddreg [dreg:$0x7];
	[sflag:s31] =	ssyncadd.s32 $0xFFFFC000  }
0x148: {  	[hbm4b:s0+s3] =	stream.linear.scatter [tilespmem:s8], [sflag:$0x7], $0x8000, $0x38;
	[tilespmem:$0x19000] =	vst v63  }
0x149: {  	_ =	swait.ge [sflag:s1], $0x8000  }
0x14a: {  	[sflag:s1] =	ssyncset.done $0x0  }
0x14b: {  	[sflag:s1] =	ssyncadd.s32 $0xFFFF8000  }
0x14c: {  	v3 =	vld [tilespmem:$0x600];
	_ =	sdelay $0x4  }
0x14d: {  	v44 =	vshll.u32 v3, $0x3  }
0x14e: {  	v3 =	vand.u32 $0x7, v3;
	v4 =	vand.u32 $0xFFFFFFC0, v44  }
0x14f: {  	v3 =	vor.u32 v3, v4  }
0x150: {  	v4 =	vperm.xlane v3, v0;
	_ =	sdelay $0x1  }
0x151: {  	v4 =	vadd.s32 v1, v4;
	_ =	sdelay $0x4  }
0x152: {  	[tilespmem:s8], [sflag:$0x1] =	stream.indirect_vreg.gather [hbm4b:s2+s3], $0x80, v4, vm0, $0xb8;
	[tilespmem:$0x19000] =	vst v63  }
0x153: {  	s13 =	simm.s32 $0x1800;
	v3 =	vperm.xlane v3, v2  }
0x154: {  	[tilespmem:s13], [sflag:$0x1] =	stream.indirect_vreg.gather [hbm4b:s5+s3], $0x80, v4, vm0, $0xb8;
	[tilespmem:$0x19000] =	vst v63  }
0x155: {  	v3 =	vadd.s32 v1, v3;
	s13 =	simm.s32 $0x2000  }
0x156: {  	[tilespmem:s13], [sflag:$0x1] =	stream.indirect_vreg.gather [hbm4b:s6+s3], $0x80, v4, vm0, $0xb8;
	[tilespmem:$0x19000] =	vst v63  }
0x157: {  	s13 =	simm.s32 $0x2800  }
0x158: {  	[tilespmem:s13], [sflag:$0x1] =	stream.indirect_vreg.gather [hbm4b:s7+s3], $0x80, v4, vm0, $0xb8;
	[tilespmem:$0x19000] =	vst v63  }
0x159: {  	s13 =	simm.s32 $0x3000  }
0x15a: {  	[tilespmem:s13], [sflag:$0x1] =	stream.indirect_vreg.gather [hbm4b:s2+s3], $0x80, v3, vm0, $0xb8;
	[tilespmem:$0x19000] =	vst v63  }
0x15b: {  	s13 =	simm.s32 $0x3800  }
0x15c: {  	[tilespmem:s13], [sflag:$0x1] =	stream.indirect_vreg.gather [hbm4b:s5+s3], $0x80, v3, vm0, $0xb8;
	[tilespmem:$0x19000] =	vst v63  }
0x15d: {  	s13 =	simm.s32 $0x4000  }
0x15e: {  	[tilespmem:s13], [sflag:$0x1] =	stream.indirect_vreg.gather [hbm4b:s6+s3], $0x80, v3, vm0, $0xb8;
	[tilespmem:$0x19000] =	vst v63  }
0x15f: {  	s13 =	simm.s32 $0x4800  }
0x160: {  	[tilespmem:s13], [sflag:$0x1] =	stream.indirect_vreg.gather [hbm4b:s7+s3], $0x80, v3, vm0, $0xb8;
	[tilespmem:$0x19000] =	vst v63  }
0x161: {  	_ =	swait.ge [sflag:s9], $0x4000  }
0x162: {  	[sflag:s9] =	ssyncset.done $0x0  }
0x163: {  	[sflag:s9] =	ssyncadd.s32 $0xFFFFC000  }
0x164: {  	v3 =	vld [tilespmem:$0x680];
	_ =	sdelay $0x4  }
0x165: {  	v45 =	vshll.u32 v3, $0x3  }
0x166: {  	v3 =	vand.u32 $0x7, v3;
	v4 =	vand.u32 $0xFFFFFFC0, v45  }
0x167: {  	v3 =	vor.u32 v3, v4  }
0x168: {  	v4 =	vperm.xlane v3, v0;
	_ =	sdelay $0x1  }
0x169: {  	v4 =	vadd.s32 v1, v4;
	_ =	sdelay $0x3  }
0x16a: {  	s13 =	simm.s32 $0x5000  }
0x16b: {  	[tilespmem:s13], [sflag:$0x2] =	stream.indirect_vreg.gather [hbm4b:s2+s3], $0x80, v4, vm0, $0xb8;
	[tilespmem:$0x19000] =	vst v63  }
0x16c: {  	v3 =	vperm.xlane v3, v2;
	s13 =	simm.s32 $0x5800  }
0x16d: {  	[tilespmem:s13], [sflag:$0x2] =	stream.indirect_vreg.gather [hbm4b:s5+s3], $0x80, v4, vm0, $0xb8;
	[tilespmem:$0x19000] =	vst v63  }
0x16e: {  	s10 =	simm.s32 $0x6000;
	v3 =	vadd.s32 v1, v3  }
0x16f: {  	[tilespmem:s10], [sflag:$0x2] =	stream.indirect_vreg.gather [hbm4b:s6+s3], $0x80, v4, vm0, $0xb8;
	[tilespmem:$0x19000] =	vst v63  }
0x170: {  	s13 =	simm.s32 $0x6800  }
0x171: {  	[tilespmem:s13], [sflag:$0x2] =	stream.indirect_vreg.gather [hbm4b:s7+s3], $0x80, v4, vm0, $0xb8;
	[tilespmem:$0x19000] =	vst v63  }
0x172: {  	s10 =	simm.s32 $0x7000  }
0x173: {  	[tilespmem:s10], [sflag:$0x2] =	stream.indirect_vreg.gather [hbm4b:s2+s3], $0x80, v3, vm0, $0xb8;
	[tilespmem:$0x19000] =	vst v63  }
0x174: {  	s13 =	simm.s32 $0x7800  }
0x175: {  	[tilespmem:s13], [sflag:$0x2] =	stream.indirect_vreg.gather [hbm4b:s5+s3], $0x80, v3, vm0, $0xb8;
	[tilespmem:$0x19000] =	vst v63  }
0x176: {  	s10 =	simm.s32 $0x8000  }
0x177: {  	[tilespmem:s10], [sflag:$0x2] =	stream.indirect_vreg.gather [hbm4b:s6+s3], $0x80, v3, vm0, $0xb8;
	[tilespmem:$0x19000] =	vst v63  }
0x178: {  	s13 =	simm.s32 $0x8800  }
0x179: {  	[tilespmem:s13], [sflag:$0x2] =	stream.indirect_vreg.gather [hbm4b:s7+s3], $0x80, v3, vm0, $0xb8;
	[tilespmem:$0x19000] =	vst v63  }
0x17a: {  	_ =	swait.ge [sflag:s4], $0x4000  }
0x17b: {  	[sflag:s4] =	ssyncset.done $0x0  }
0x17c: {  	s10 =	simm.s32 $0x9000;
	s0 =	rddreg [dreg:$0x8];
	[sflag:s4] =	ssyncadd.s32 $0xFFFFC000  }
0x17d: {  	[hbm4b:s0+s3] =	stream.linear.scatter [tilespmem:s10], [sflag:$0x8], $0x8000, $0x38;
	[tilespmem:$0x19000] =	vst v63  }
0x17e: {  	_ =	swait.ge [sflag:s29], $0x8000  }
0x17f: {  	[sflag:s29] =	ssyncset.done $0x0  }
0x180: {  	[sflag:s29] =	ssyncadd.s32 $0xFFFF8000  }
0x181: {  	v3 =	vld [tilespmem:$0x700];
	_ =	sdelay $0x4  }
0x182: {  	v46 =	vshll.u32 v3, $0x3  }
0x183: {  	v3 =	vand.u32 $0x7, v3;
	v4 =	vand.u32 $0xFFFFFFC0, v46  }
0x184: {  	v3 =	vor.u32 v3, v4  }
0x185: {  	v4 =	vperm.xlane v3, v0;
	_ =	sdelay $0x1  }
0x186: {  	v4 =	vadd.s32 v1, v4;
	_ =	sdelay $0x4  }
0x187: {  	[tilespmem:s10], [sflag:$0x3] =	stream.indirect_vreg.gather [hbm4b:s2+s3], $0x80, v4, vm0, $0xb8;
	[tilespmem:$0x19000] =	vst v63  }
0x188: {  	v3 =	vperm.xlane v3, v2  }
0x189: {  	[tilespmem:s15], [sflag:$0x3] =	stream.indirect_vreg.gather [hbm4b:s5+s3], $0x80, v4, vm0, $0xb8;
	[tilespmem:$0x19000] =	vst v63  }
0x18a: {  	v3 =	vadd.s32 v1, v3  }
0x18b: {  	[tilespmem:s17], [sflag:$0x3] =	stream.indirect_vreg.gather [hbm4b:s6+s3], $0x80, v4, vm0, $0xb8;
	[tilespmem:$0x19000] =	vst v63  }
0x18c: {  	_ = 	snop  }
0x18d: {  	[tilespmem:s18], [sflag:$0x3] =	stream.indirect_vreg.gather [hbm4b:s7+s3], $0x80, v4, vm0, $0xb8;
	[tilespmem:$0x19000] =	vst v63  }
0x18e: {  	_ = 	snop  }
0x18f: {  	[tilespmem:s19], [sflag:$0x3] =	stream.indirect_vreg.gather [hbm4b:s2+s3], $0x80, v3, vm0, $0xb8;
	[tilespmem:$0x19000] =	vst v63  }
0x190: {  	_ = 	snop  }
0x191: {  	[tilespmem:s20], [sflag:$0x3] =	stream.indirect_vreg.gather [hbm4b:s5+s3], $0x80, v3, vm0, $0xb8;
	[tilespmem:$0x19000] =	vst v63  }
0x192: {  	_ = 	snop  }
0x193: {  	[tilespmem:s14], [sflag:$0x3] =	stream.indirect_vreg.gather [hbm4b:s6+s3], $0x80, v3, vm0, $0xb8;
	[tilespmem:$0x19000] =	vst v63  }
0x194: {  	s13 =	simm.s32 $0xC800  }
0x195: {  	[tilespmem:s13], [sflag:$0x3] =	stream.indirect_vreg.gather [hbm4b:s7+s3], $0x80, v3, vm0, $0xb8;
	[tilespmem:$0x19000] =	vst v63  }
0x196: {  	_ =	swait.ge [sflag:s30], $0x4000  }
0x197: {  	[sflag:s30] =	ssyncset.done $0x0  }
0x198: {  	[sflag:s30] =	ssyncadd.s32 $0xFFFFC000  }
0x199: {  	v3 =	vld [tilespmem:$0x780];
	_ =	sdelay $0x4  }
0x19a: {  	v47 =	vshll.u32 v3, $0x3  }
0x19b: {  	v3 =	vand.u32 $0x7, v3;
	v4 =	vand.u32 $0xFFFFFFC0, v47  }
0x19c: {  	v3 =	vor.u32 v3, v4  }
0x19d: {  	v4 =	vperm.xlane v3, v0;
	_ =	sdelay $0x1  }
0x19e: {  	v4 =	vadd.s32 v1, v4;
	_ =	sdelay $0x4  }
0x19f: {  	[tilespmem:s25], [sflag:$0x4] =	stream.indirect_vreg.gather [hbm4b:s2+s3], $0x80, v4, vm0, $0xb8;
	[tilespmem:$0x19000] =	vst v63  }
0x1a0: {  	v3 =	vperm.xlane v3, v2  }
0x1a1: {  	[tilespmem:s16], [sflag:$0x4] =	stream.indirect_vreg.gather [hbm4b:s5+s3], $0x80, v4, vm0, $0xb8;
	[tilespmem:$0x19000] =	vst v63  }
0x1a2: {  	v3 =	vadd.s32 v1, v3  }
0x1a3: {  	[tilespmem:s21], [sflag:$0x4] =	stream.indirect_vreg.gather [hbm4b:s6+s3], $0x80, v4, vm0, $0xb8;
	[tilespmem:$0x19000] =	vst v63  }
0x1a4: {  	_ = 	snop  }
0x1a5: {  	[tilespmem:s24], [sflag:$0x4] =	stream.indirect_vreg.gather [hbm4b:s7+s3], $0x80, v4, vm0, $0xb8;
	[tilespmem:$0x19000] =	vst v63  }
0x1a6: {  	_ = 	snop  }
0x1a7: {  	[tilespmem:s26], [sflag:$0x4] =	stream.indirect_vreg.gather [hbm4b:s2+s3], $0x80, v3, vm0, $0xb8;
	[tilespmem:$0x19000] =	vst v63  }
0x1a8: {  	_ = 	snop  }
0x1a9: {  	[tilespmem:s22], [sflag:$0x4] =	stream.indirect_vreg.gather [hbm4b:s5+s3], $0x80, v3, vm0, $0xb8;
	[tilespmem:$0x19000] =	vst v63  }
0x1aa: {  	_ = 	snop  }
0x1ab: {  	[tilespmem:s23], [sflag:$0x4] =	stream.indirect_vreg.gather [hbm4b:s6+s3], $0x80, v3, vm0, $0xb8;
	[tilespmem:$0x19000] =	vst v63  }
0x1ac: {  	s16 =	simm.s32 $0x10800  }
0x1ad: {  	[tilespmem:s16], [sflag:$0x4] =	stream.indirect_vreg.gather [hbm4b:s7+s3], $0x80, v3, vm0, $0xb8;
	[tilespmem:$0x19000] =	vst v63  }
0x1ae: {  	_ =	swait.ge [sflag:s11], $0x4000  }
0x1af: {  	[sflag:s11] =	ssyncset.done $0x0  }
0x1b0: {  	s23 =	simm.s32 $0x11000;
	s21 =	rddreg [dreg:$0x9];
	[sflag:s11] =	ssyncadd.s32 $0xFFFFC000  }
0x1b1: {  	[hbm4b:s21+s3] =	stream.linear.scatter [tilespmem:s23], [sflag:$0x9], $0x8000, $0x38;
	[tilespmem:$0x19000] =	vst v63  }
0x1b2: {  	_ =	swait.ge [sflag:s12], $0x8000  }
0x1b3: {  	[sflag:s12] =	ssyncset.done $0x0  }
0x1b4: {  	[sflag:s12] =	ssyncadd.s32 $0xFFFF8000  }
0x1b5: {  	v3 =	vld [tilespmem:$0x800];
	_ =	sdelay $0x4  }
0x1b6: {  	v48 =	vshll.u32 v3, $0x3  }
0x1b7: {  	v3 =	vand.u32 $0x7, v3;
	v4 =	vand.u32 $0xFFFFFFC0, v48  }
0x1b8: {  	v3 =	vor.u32 v3, v4  }
0x1b9: {  	v4 =	vperm.xlane v3, v0;
	_ =	sdelay $0x1  }
0x1ba: {  	v4 =	vadd.s32 v1, v4;
	_ =	sdelay $0x4  }
0x1bb: {  	[tilespmem:s23], [sflag:$0x5] =	stream.indirect_vreg.gather [hbm4b:s2+s3], $0x80, v4, vm0, $0xb8;
	[tilespmem:$0x19000] =	vst v63  }
0x1bc: {  	s16 =	simm.s32 $0x11800;
	v3 =	vperm.xlane v3, v2  }
0x1bd: {  	[tilespmem:s16], [sflag:$0x5] =	stream.indirect_vreg.gather [hbm4b:s5+s3], $0x80, v4, vm0, $0xb8;
	[tilespmem:$0x19000] =	vst v63  }
0x1be: {  	s21 =	simm.s32 $0x12000;
	v3 =	vadd.s32 v1, v3  }
0x1bf: {  	[tilespmem:s21], [sflag:$0x5] =	stream.indirect_vreg.gather [hbm4b:s6+s3], $0x80, v4, vm0, $0xb8;
	[tilespmem:$0x19000] =	vst v63  }
0x1c0: {  	s23 =	simm.s32 $0x12800  }
0x1c1: {  	[tilespmem:s23], [sflag:$0x5] =	stream.indirect_vreg.gather [hbm4b:s7+s3], $0x80, v4, vm0, $0xb8;
	[tilespmem:$0x19000] =	vst v63  }
0x1c2: {  	s16 =	simm.s32 $0x13000  }
0x1c3: {  	[tilespmem:s16], [sflag:$0x5] =	stream.indirect_vreg.gather [hbm4b:s2+s3], $0x80, v3, vm0, $0xb8;
	[tilespmem:$0x19000] =	vst v63  }
0x1c4: {  	s21 =	simm.s32 $0x13800  }
0x1c5: {  	[tilespmem:s21], [sflag:$0x5] =	stream.indirect_vreg.gather [hbm4b:s5+s3], $0x80, v3, vm0, $0xb8;
	[tilespmem:$0x19000] =	vst v63  }
0x1c6: {  	s23 =	simm.s32 $0x14000  }
0x1c7: {  	[tilespmem:s23], [sflag:$0x5] =	stream.indirect_vreg.gather [hbm4b:s6+s3], $0x80, v3, vm0, $0xb8;
	[tilespmem:$0x19000] =	vst v63  }
0x1c8: {  	s16 =	simm.s32 $0x14800  }
0x1c9: {  	[tilespmem:s16], [sflag:$0x5] =	stream.indirect_vreg.gather [hbm4b:s7+s3], $0x80, v3, vm0, $0xb8;
	[tilespmem:$0x19000] =	vst v63  }
0x1ca: {  	_ =	swait.ge [sflag:s28], $0x4000  }
0x1cb: {  	[sflag:s28] =	ssyncset.done $0x0  }
0x1cc: {  	[sflag:s28] =	ssyncadd.s32 $0xFFFFC000  }
0x1cd: {  	v3 =	vld [tilespmem:$0x880];
	_ =	sdelay $0x4  }
0x1ce: {  	v49 =	vshll.u32 v3, $0x3  }
0x1cf: {  	v3 =	vand.u32 $0x7, v3;
	v4 =	vand.u32 $0xFFFFFFC0, v49  }
0x1d0: {  	v3 =	vor.u32 v3, v4  }
0x1d1: {  	v4 =	vperm.xlane v3, v0;
	_ =	sdelay $0x1  }
0x1d2: {  	v4 =	vadd.s32 v1, v4;
	_ =	sdelay $0x3  }
0x1d3: {  	s21 =	simm.s32 $0x15000  }
0x1d4: {  	[tilespmem:s21], [sflag:$0x6] =	stream.indirect_vreg.gather [hbm4b:s2+s3], $0x80, v4, vm0, $0xb8;
	[tilespmem:$0x19000] =	vst v63  }
0x1d5: {  	s23 =	simm.s32 $0x15800;
	v3 =	vperm.xlane v3, v2  }
0x1d6: {  	[tilespmem:s23], [sflag:$0x6] =	stream.indirect_vreg.gather [hbm4b:s5+s3], $0x80, v4, vm0, $0xb8;
	[tilespmem:$0x19000] =	vst v63  }
0x1d7: {  	s16 =	simm.s32 $0x16000;
	v3 =	vadd.s32 v1, v3  }
0x1d8: {  	[tilespmem:s16], [sflag:$0x6] =	stream.indirect_vreg.gather [hbm4b:s6+s3], $0x80, v4, vm0, $0xb8;
	[tilespmem:$0x19000] =	vst v63  }
0x1d9: {  	s21 =	simm.s32 $0x16800  }
0x1da: {  	[tilespmem:s21], [sflag:$0x6] =	stream.indirect_vreg.gather [hbm4b:s7+s3], $0x80, v4, vm0, $0xb8;
	[tilespmem:$0x19000] =	vst v63  }
0x1db: {  	s23 =	simm.s32 $0x17000  }
0x1dc: {  	[tilespmem:s23], [sflag:$0x6] =	stream.indirect_vreg.gather [hbm4b:s2+s3], $0x80, v3, vm0, $0xb8;
	[tilespmem:$0x19000] =	vst v63  }
0x1dd: {  	s16 =	simm.s32 $0x17800  }
0x1de: {  	[tilespmem:s16], [sflag:$0x6] =	stream.indirect_vreg.gather [hbm4b:s5+s3], $0x80, v3, vm0, $0xb8;
	[tilespmem:$0x19000] =	vst v63  }
0x1df: {  	s21 =	simm.s32 $0x18000  }
0x1e0: {  	[tilespmem:s21], [sflag:$0x6] =	stream.indirect_vreg.gather [hbm4b:s6+s3], $0x80, v3, vm0, $0xb8;
	[tilespmem:$0x19000] =	vst v63  }
0x1e1: {  	s23 =	simm.s32 $0x18800  }
0x1e2: {  	[tilespmem:s23], [sflag:$0x6] =	stream.indirect_vreg.gather [hbm4b:s7+s3], $0x80, v3, vm0, $0xb8;
	[tilespmem:$0x19000] =	vst v63  }
0x1e3: {  	_ =	swait.ge [sflag:s31], $0x4000  }
0x1e4: {  	[sflag:s31] =	ssyncset.done $0x0  }
0x1e5: {  	s8 =	simm.s32 $0x1000;
	s16 =	rddreg [dreg:$0xa];
	[sflag:s31] =	ssyncadd.s32 $0xFFFFC000  }
0x1e6: {  	[hbm4b:s16+s3] =	stream.linear.scatter [tilespmem:s8], [sflag:$0x7], $0x8000, $0x38;
	[tilespmem:$0x19000] =	vst v63  }
0x1e7: {  	_ =	swait.ge [sflag:s1], $0x8000  }
0x1e8: {  	[sflag:s1] =	ssyncset.done $0x0  }
0x1e9: {  	[sflag:s1] =	ssyncadd.s32 $0xFFFF8000  }
0x1ea: {  	v3 =	vld [tilespmem:$0x900];
	_ =	sdelay $0x4  }
0x1eb: {  	v50 =	vshll.u32 v3, $0x3  }
0x1ec: {  	v3 =	vand.u32 $0x7, v3;
	v4 =	vand.u32 $0xFFFFFFC0, v50  }
0x1ed: {  	v3 =	vor.u32 v3, v4  }
0x1ee: {  	v4 =	vperm.xlane v3, v0;
	_ =	sdelay $0x1  }
0x1ef: {  	v4 =	vadd.s32 v1, v4;
	_ =	sdelay $0x4  }
0x1f0: {  	[tilespmem:s8], [sflag:$0x1] =	stream.indirect_vreg.gather [hbm4b:s2+s3], $0x80, v4, vm0, $0xb8;
	[tilespmem:$0x19000] =	vst v63  }
0x1f1: {  	s21 =	simm.s32 $0x1800;
	v3 =	vperm.xlane v3, v2  }
0x1f2: {  	[tilespmem:s21], [sflag:$0x1] =	stream.indirect_vreg.gather [hbm4b:s5+s3], $0x80, v4, vm0, $0xb8;
	[tilespmem:$0x19000] =	vst v63  }
0x1f3: {  	s23 =	simm.s32 $0x2000;
	v3 =	vadd.s32 v1, v3  }
0x1f4: {  	[tilespmem:s23], [sflag:$0x1] =	stream.indirect_vreg.gather [hbm4b:s6+s3], $0x80, v4, vm0, $0xb8;
	[tilespmem:$0x19000] =	vst v63  }
0x1f5: {  	s13 =	simm.s32 $0x2800  }
0x1f6: {  	[tilespmem:s13], [sflag:$0x1] =	stream.indirect_vreg.gather [hbm4b:s7+s3], $0x80, v4, vm0, $0xb8;
	[tilespmem:$0x19000] =	vst v63  }
0x1f7: {  	s16 =	simm.s32 $0x3000  }
0x1f8: {  	[tilespmem:s16], [sflag:$0x1] =	stream.indirect_vreg.gather [hbm4b:s2+s3], $0x80, v3, vm0, $0xb8;
	[tilespmem:$0x19000] =	vst v63  }
0x1f9: {  	s21 =	simm.s32 $0x3800  }
0x1fa: {  	[tilespmem:s21], [sflag:$0x1] =	stream.indirect_vreg.gather [hbm4b:s5+s3], $0x80, v3, vm0, $0xb8;
	[tilespmem:$0x19000] =	vst v63  }
0x1fb: {  	s23 =	simm.s32 $0x4000  }
0x1fc: {  	[tilespmem:s23], [sflag:$0x1] =	stream.indirect_vreg.gather [hbm4b:s6+s3], $0x80, v3, vm0, $0xb8;
	[tilespmem:$0x19000] =	vst v63  }
0x1fd: {  	s13 =	simm.s32 $0x4800  }
0x1fe: {  	[tilespmem:s13], [sflag:$0x1] =	stream.indirect_vreg.gather [hbm4b:s7+s3], $0x80, v3, vm0, $0xb8;
	[tilespmem:$0x19000] =	vst v63  }
0x1ff: {  	_ =	swait.ge [sflag:s9], $0x4000  }
0x200: {  	[sflag:s9] =	ssyncset.done $0x0  }
0x201: {  	[sflag:s9] =	ssyncadd.s32 $0xFFFFC000  }
0x202: {  	v3 =	vld [tilespmem:$0x980];
	_ =	sdelay $0x4  }
0x203: {  	v51 =	vshll.u32 v3, $0x3  }
0x204: {  	v3 =	vand.u32 $0x7, v3;
	v4 =	vand.u32 $0xFFFFFFC0, v51  }
0x205: {  	v3 =	vor.u32 v3, v4  }
0x206: {  	v4 =	vperm.xlane v3, v0;
	_ =	sdelay $0x1  }
0x207: {  	v4 =	vadd.s32 v1, v4;
	_ =	sdelay $0x3  }
0x208: {  	s16 =	simm.s32 $0x5000  }
0x209: {  	[tilespmem:s16], [sflag:$0x2] =	stream.indirect_vreg.gather [hbm4b:s2+s3], $0x80, v4, vm0, $0xb8;
	[tilespmem:$0x19000] =	vst v63  }
0x20a: {  	s21 =	simm.s32 $0x5800;
	v3 =	vperm.xlane v3, v2  }
0x20b: {  	[tilespmem:s21], [sflag:$0x2] =	stream.indirect_vreg.gather [hbm4b:s5+s3], $0x80, v4, vm0, $0xb8;
	[tilespmem:$0x19000] =	vst v63  }
0x20c: {  	s23 =	simm.s32 $0x6000;
	v3 =	vadd.s32 v1, v3  }
0x20d: {  	[tilespmem:s23], [sflag:$0x2] =	stream.indirect_vreg.gather [hbm4b:s6+s3], $0x80, v4, vm0, $0xb8;
	[tilespmem:$0x19000] =	vst v63  }
0x20e: {  	s13 =	simm.s32 $0x6800  }
0x20f: {  	[tilespmem:s13], [sflag:$0x2] =	stream.indirect_vreg.gather [hbm4b:s7+s3], $0x80, v4, vm0, $0xb8;
	[tilespmem:$0x19000] =	vst v63  }
0x210: {  	s16 =	simm.s32 $0x7000  }
0x211: {  	[tilespmem:s16], [sflag:$0x2] =	stream.indirect_vreg.gather [hbm4b:s2+s3], $0x80, v3, vm0, $0xb8;
	[tilespmem:$0x19000] =	vst v63  }
0x212: {  	s21 =	simm.s32 $0x7800  }
0x213: {  	[tilespmem:s21], [sflag:$0x2] =	stream.indirect_vreg.gather [hbm4b:s5+s3], $0x80, v3, vm0, $0xb8;
	[tilespmem:$0x19000] =	vst v63  }
0x214: {  	s23 =	simm.s32 $0x8000  }
0x215: {  	[tilespmem:s23], [sflag:$0x2] =	stream.indirect_vreg.gather [hbm4b:s6+s3], $0x80, v3, vm0, $0xb8;
	[tilespmem:$0x19000] =	vst v63  }
0x216: {  	s13 =	simm.s32 $0x8800  }
0x217: {  	[tilespmem:s13], [sflag:$0x2] =	stream.indirect_vreg.gather [hbm4b:s7+s3], $0x80, v3, vm0, $0xb8;
	[tilespmem:$0x19000] =	vst v63  }
0x218: {  	_ =	swait.ge [sflag:s4], $0x4000  }
0x219: {  	[sflag:s4] =	ssyncset.done $0x0  }
0x21a: {  	s10 =	simm.s32 $0x9000;
	s16 =	rddreg [dreg:$0xb];
	[sflag:s4] =	ssyncadd.s32 $0xFFFFC000  }
0x21b: {  	[hbm4b:s16+s3] =	stream.linear.scatter [tilespmem:s10], [sflag:$0x8], $0x8000, $0x38;
	[tilespmem:$0x19000] =	vst v63  }
0x21c: {  	_ =	swait.ge [sflag:s29], $0x8000  }
0x21d: {  	[sflag:s29] =	ssyncset.done $0x0  }
0x21e: {  	[sflag:s29] =	ssyncadd.s32 $0xFFFF8000  }
0x21f: {  	v3 =	vld [tilespmem:$0xA00];
	_ =	sdelay $0x4  }
0x220: {  	v52 =	vshll.u32 v3, $0x3  }
0x221: {  	v3 =	vand.u32 $0x7, v3;
	v4 =	vand.u32 $0xFFFFFFC0, v52  }
0x222: {  	v3 =	vor.u32 v3, v4  }
0x223: {  	v4 =	vperm.xlane v3, v0;
	_ =	sdelay $0x1  }
0x224: {  	v4 =	vadd.s32 v1, v4;
	_ =	sdelay $0x4  }
0x225: {  	[tilespmem:s10], [sflag:$0x3] =	stream.indirect_vreg.gather [hbm4b:s2+s3], $0x80, v4, vm0, $0xb8;
	[tilespmem:$0x19000] =	vst v63  }
0x226: {  	s21 =	simm.s32 $0x9800;
	v3 =	vperm.xlane v3, v2  }
0x227: {  	[tilespmem:s21], [sflag:$0x3] =	stream.indirect_vreg.gather [hbm4b:s5+s3], $0x80, v4, vm0, $0xb8;
	[tilespmem:$0x19000] =	vst v63  }
0x228: {  	s15 =	simm.s32 $0xA000;
	v3 =	vadd.s32 v1, v3  }
0x229: {  	[tilespmem:s15], [sflag:$0x3] =	stream.indirect_vreg.gather [hbm4b:s6+s3], $0x80, v4, vm0, $0xb8;
	[tilespmem:$0x19000] =	vst v63  }
0x22a: {  	s18 =	simm.s32 $0xA800  }
0x22b: {  	[tilespmem:s18], [sflag:$0x3] =	stream.indirect_vreg.gather [hbm4b:s7+s3], $0x80, v4, vm0, $0xb8;
	[tilespmem:$0x19000] =	vst v63  }
0x22c: {  	s19 =	simm.s32 $0xB000  }
0x22d: {  	[tilespmem:s19], [sflag:$0x3] =	stream.indirect_vreg.gather [hbm4b:s2+s3], $0x80, v3, vm0, $0xb8;
	[tilespmem:$0x19000] =	vst v63  }
0x22e: {  	s20 =	simm.s32 $0xB800  }
0x22f: {  	[tilespmem:s20], [sflag:$0x3] =	stream.indirect_vreg.gather [hbm4b:s5+s3], $0x80, v3, vm0, $0xb8;
	[tilespmem:$0x19000] =	vst v63  }
0x230: {  	s14 =	simm.s32 $0xC000  }
0x231: {  	[tilespmem:s14], [sflag:$0x3] =	stream.indirect_vreg.gather [hbm4b:s6+s3], $0x80, v3, vm0, $0xb8;
	[tilespmem:$0x19000] =	vst v63  }
0x232: {  	s23 =	simm.s32 $0xC800  }
0x233: {  	[tilespmem:s23], [sflag:$0x3] =	stream.indirect_vreg.gather [hbm4b:s7+s3], $0x80, v3, vm0, $0xb8;
	[tilespmem:$0x19000] =	vst v63  }
0x234: {  	_ =	swait.ge [sflag:s30], $0x4000  }
0x235: {  	[sflag:s30] =	ssyncset.done $0x0  }
0x236: {  	[sflag:s30] =	ssyncadd.s32 $0xFFFFC000  }
0x237: {  	v3 =	vld [tilespmem:$0xA80];
	_ =	sdelay $0x4  }
0x238: {  	v53 =	vshll.u32 v3, $0x3  }
0x239: {  	v3 =	vand.u32 $0x7, v3;
	v4 =	vand.u32 $0xFFFFFFC0, v53  }
0x23a: {  	v3 =	vor.u32 v3, v4  }
0x23b: {  	v4 =	vperm.xlane v3, v0;
	_ =	sdelay $0x1  }
0x23c: {  	v4 =	vadd.s32 v1, v4;
	_ =	sdelay $0x3  }
0x23d: {  	s25 =	simm.s32 $0xD000  }
0x23e: {  	[tilespmem:s25], [sflag:$0x4] =	stream.indirect_vreg.gather [hbm4b:s2+s3], $0x80, v4, vm0, $0xb8;
	[tilespmem:$0x19000] =	vst v63  }
0x23f: {  	v3 =	vperm.xlane v3, v2;
	s25 =	simm.s32 $0xD800  }
0x240: {  	[tilespmem:s25], [sflag:$0x4] =	stream.indirect_vreg.gather [hbm4b:s5+s3], $0x80, v4, vm0, $0xb8;
	[tilespmem:$0x19000] =	vst v63  }
0x241: {  	s17 =	simm.s32 $0xE000;
	v3 =	vadd.s32 v1, v3  }
0x242: {  	[tilespmem:s17], [sflag:$0x4] =	stream.indirect_vreg.gather [hbm4b:s6+s3], $0x80, v4, vm0, $0xb8;
	[tilespmem:$0x19000] =	vst v63  }
0x243: {  	s24 =	simm.s32 $0xE800  }
0x244: {  	[tilespmem:s24], [sflag:$0x4] =	stream.indirect_vreg.gather [hbm4b:s7+s3], $0x80, v4, vm0, $0xb8;
	[tilespmem:$0x19000] =	vst v63  }
0x245: {  	s26 =	simm.s32 $0xF000  }
0x246: {  	[tilespmem:s26], [sflag:$0x4] =	stream.indirect_vreg.gather [hbm4b:s2+s3], $0x80, v3, vm0, $0xb8;
	[tilespmem:$0x19000] =	vst v63  }
0x247: {  	s26 =	simm.s32 $0xF800  }
0x248: {  	[tilespmem:s26], [sflag:$0x4] =	stream.indirect_vreg.gather [hbm4b:s5+s3], $0x80, v3, vm0, $0xb8;
	[tilespmem:$0x19000] =	vst v63  }
0x249: {  	s22 =	simm.s32 $0x10000  }
0x24a: {  	[tilespmem:s22], [sflag:$0x4] =	stream.indirect_vreg.gather [hbm4b:s6+s3], $0x80, v3, vm0, $0xb8;
	[tilespmem:$0x19000] =	vst v63  }
0x24b: {  	s13 =	simm.s32 $0x10800  }
0x24c: {  	[tilespmem:s13], [sflag:$0x4] =	stream.indirect_vreg.gather [hbm4b:s7+s3], $0x80, v3, vm0, $0xb8;
	[tilespmem:$0x19000] =	vst v63  }
0x24d: {  	_ =	swait.ge [sflag:s11], $0x4000  }
0x24e: {  	[sflag:s11] =	ssyncset.done $0x0  }
0x24f: {  	s0 =	simm.s32 $0x11000;
	s22 =	rddreg [dreg:$0xc];
	[sflag:s11] =	ssyncadd.s32 $0xFFFFC000  }
0x250: {  	[hbm4b:s22+s3] =	stream.linear.scatter [tilespmem:s0], [sflag:$0x9], $0x8000, $0x38;
	[tilespmem:$0x19000] =	vst v63  }
0x251: {  	_ =	swait.ge [sflag:s12], $0x8000  }
0x252: {  	[sflag:s12] =	ssyncset.done $0x0  }
0x253: {  	[sflag:s12] =	ssyncadd.s32 $0xFFFF8000  }
0x254: {  	v3 =	vld [tilespmem:$0xB00];
	_ =	sdelay $0x4  }
0x255: {  	v54 =	vshll.u32 v3, $0x3  }
0x256: {  	v3 =	vand.u32 $0x7, v3;
	v4 =	vand.u32 $0xFFFFFFC0, v54  }
0x257: {  	v3 =	vor.u32 v3, v4  }
0x258: {  	v4 =	vperm.xlane v3, v0;
	_ =	sdelay $0x1  }
0x259: {  	v4 =	vadd.s32 v1, v4;
	_ =	sdelay $0x4  }
0x25a: {  	[tilespmem:s0], [sflag:$0x5] =	stream.indirect_vreg.gather [hbm4b:s2+s3], $0x80, v4, vm0, $0xb8;
	[tilespmem:$0x19000] =	vst v63  }
0x25b: {  	v3 =	vperm.xlane v3, v2;
	s0 =	simm.s32 $0x11800  }
0x25c: {  	[tilespmem:s0], [sflag:$0x5] =	stream.indirect_vreg.gather [hbm4b:s5+s3], $0x80, v4, vm0, $0xb8;
	[tilespmem:$0x19000] =	vst v63  }
0x25d: {  	s13 =	simm.s32 $0x12000;
	v3 =	vadd.s32 v1, v3  }
0x25e: {  	[tilespmem:s13], [sflag:$0x5] =	stream.indirect_vreg.gather [hbm4b:s6+s3], $0x80, v4, vm0, $0xb8;
	[tilespmem:$0x19000] =	vst v63  }
0x25f: {  	s22 =	simm.s32 $0x12800  }
0x260: {  	[tilespmem:s22], [sflag:$0x5] =	stream.indirect_vreg.gather [hbm4b:s7+s3], $0x80, v4, vm0, $0xb8;
	[tilespmem:$0x19000] =	vst v63  }
0x261: {  	s0 =	simm.s32 $0x13000  }
0x262: {  	[tilespmem:s0], [sflag:$0x5] =	stream.indirect_vreg.gather [hbm4b:s2+s3], $0x80, v3, vm0, $0xb8;
	[tilespmem:$0x19000] =	vst v63  }
0x263: {  	s13 =	simm.s32 $0x13800  }
0x264: {  	[tilespmem:s13], [sflag:$0x5] =	stream.indirect_vreg.gather [hbm4b:s5+s3], $0x80, v3, vm0, $0xb8;
	[tilespmem:$0x19000] =	vst v63  }
0x265: {  	s22 =	simm.s32 $0x14000  }
0x266: {  	[tilespmem:s22], [sflag:$0x5] =	stream.indirect_vreg.gather [hbm4b:s6+s3], $0x80, v3, vm0, $0xb8;
	[tilespmem:$0x19000] =	vst v63  }
0x267: {  	s0 =	simm.s32 $0x14800  }
0x268: {  	[tilespmem:s0], [sflag:$0x5] =	stream.indirect_vreg.gather [hbm4b:s7+s3], $0x80, v3, vm0, $0xb8;
	[tilespmem:$0x19000] =	vst v63  }
0x269: {  	_ =	swait.ge [sflag:s28], $0x4000  }
0x26a: {  	[sflag:s28] =	ssyncset.done $0x0  }
0x26b: {  	[sflag:s28] =	ssyncadd.s32 $0xFFFFC000  }
0x26c: {  	v3 =	vld [tilespmem:$0xB80];
	_ =	sdelay $0x4  }
0x26d: {  	v55 =	vshll.u32 v3, $0x3  }
0x26e: {  	v3 =	vand.u32 $0x7, v3;
	v4 =	vand.u32 $0xFFFFFFC0, v55  }
0x26f: {  	v3 =	vor.u32 v3, v4  }
0x270: {  	v4 =	vperm.xlane v3, v0;
	_ =	sdelay $0x1  }
0x271: {  	v4 =	vadd.s32 v1, v4;
	_ =	sdelay $0x3  }
0x272: {  	s13 =	simm.s32 $0x15000  }
0x273: {  	[tilespmem:s13], [sflag:$0x6] =	stream.indirect_vreg.gather [hbm4b:s2+s3], $0x80, v4, vm0, $0xb8;
	[tilespmem:$0x19000] =	vst v63  }
0x274: {  	s22 =	simm.s32 $0x15800;
	v3 =	vperm.xlane v3, v2  }
0x275: {  	[tilespmem:s22], [sflag:$0x6] =	stream.indirect_vreg.gather [hbm4b:s5+s3], $0x80, v4, vm0, $0xb8;
	[tilespmem:$0x19000] =	vst v63  }
0x276: {  	s0 =	simm.s32 $0x16000;
	v3 =	vadd.s32 v1, v3  }
0x277: {  	[tilespmem:s0], [sflag:$0x6] =	stream.indirect_vreg.gather [hbm4b:s6+s3], $0x80, v4, vm0, $0xb8;
	[tilespmem:$0x19000] =	vst v63  }
0x278: {  	s13 =	simm.s32 $0x16800  }
0x279: {  	[tilespmem:s13], [sflag:$0x6] =	stream.indirect_vreg.gather [hbm4b:s7+s3], $0x80, v4, vm0, $0xb8;
	[tilespmem:$0x19000] =	vst v63  }
0x27a: {  	s22 =	simm.s32 $0x17000  }
0x27b: {  	[tilespmem:s22], [sflag:$0x6] =	stream.indirect_vreg.gather [hbm4b:s2+s3], $0x80, v3, vm0, $0xb8;
	[tilespmem:$0x19000] =	vst v63  }
0x27c: {  	s0 =	simm.s32 $0x17800  }
0x27d: {  	[tilespmem:s0], [sflag:$0x6] =	stream.indirect_vreg.gather [hbm4b:s5+s3], $0x80, v3, vm0, $0xb8;
	[tilespmem:$0x19000] =	vst v63  }
0x27e: {  	s13 =	simm.s32 $0x18000  }
0x27f: {  	[tilespmem:s13], [sflag:$0x6] =	stream.indirect_vreg.gather [hbm4b:s6+s3], $0x80, v3, vm0, $0xb8;
	[tilespmem:$0x19000] =	vst v63  }
0x280: {  	s22 =	simm.s32 $0x18800  }
0x281: {  	[tilespmem:s22], [sflag:$0x6] =	stream.indirect_vreg.gather [hbm4b:s7+s3], $0x80, v3, vm0, $0xb8;
	[tilespmem:$0x19000] =	vst v63  }
0x282: {  	_ =	swait.ge [sflag:s31], $0x4000  }
0x283: {  	[sflag:s31] =	ssyncset.done $0x0  }
0x284: {  	s10 =	simm.s32 $0x1000;
	s0 =	rddreg [dreg:$0xd];
	[sflag:s31] =	ssyncadd.s32 $0xFFFFC000  }
0x285: {  	[hbm4b:s0+s3] =	stream.linear.scatter [tilespmem:s10], [sflag:$0x7], $0x8000, $0x38;
	[tilespmem:$0x19000] =	vst v63  }
0x286: {  	_ =	swait.ge [sflag:s1], $0x8000  }
0x287: {  	[sflag:s1] =	ssyncset.done $0x0  }
0x288: {  	[sflag:s1] =	ssyncadd.s32 $0xFFFF8000  }
0x289: {  	v3 =	vld [tilespmem:$0xC00];
	_ =	sdelay $0x4  }
0x28a: {  	v56 =	vshll.u32 v3, $0x3  }
0x28b: {  	v3 =	vand.u32 $0x7, v3;
	v4 =	vand.u32 $0xFFFFFFC0, v56  }
0x28c: {  	v3 =	vor.u32 v3, v4  }
0x28d: {  	v4 =	vperm.xlane v3, v0;
	_ =	sdelay $0x1  }
0x28e: {  	v4 =	vadd.s32 v1, v4;
	_ =	sdelay $0x4  }
0x28f: {  	[tilespmem:s10], [sflag:$0x1] =	stream.indirect_vreg.gather [hbm4b:s2+s3], $0x80, v4, vm0, $0xb8;
	[tilespmem:$0x19000] =	vst v63  }
0x290: {  	s13 =	simm.s32 $0x1800;
	v3 =	vperm.xlane v3, v2  }
0x291: {  	[tilespmem:s13], [sflag:$0x1] =	stream.indirect_vreg.gather [hbm4b:s5+s3], $0x80, v4, vm0, $0xb8;
	[tilespmem:$0x19000] =	vst v63  }
0x292: {  	s22 =	simm.s32 $0x2000;
	v3 =	vadd.s32 v1, v3  }
0x293: {  	[tilespmem:s22], [sflag:$0x1] =	stream.indirect_vreg.gather [hbm4b:s6+s3], $0x80, v4, vm0, $0xb8;
	[tilespmem:$0x19000] =	vst v63  }
0x294: {  	s13 =	simm.s32 $0x2800  }
0x295: {  	[tilespmem:s13], [sflag:$0x1] =	stream.indirect_vreg.gather [hbm4b:s7+s3], $0x80, v4, vm0, $0xb8;
	[tilespmem:$0x19000] =	vst v63  }
0x296: {  	s22 =	simm.s32 $0x3000  }
0x297: {  	[tilespmem:s22], [sflag:$0x1] =	stream.indirect_vreg.gather [hbm4b:s2+s3], $0x80, v3, vm0, $0xb8;
	[tilespmem:$0x19000] =	vst v63  }
0x298: {  	s13 =	simm.s32 $0x3800  }
0x299: {  	[tilespmem:s13], [sflag:$0x1] =	stream.indirect_vreg.gather [hbm4b:s5+s3], $0x80, v3, vm0, $0xb8;
	[tilespmem:$0x19000] =	vst v63  }
0x29a: {  	s22 =	simm.s32 $0x4000  }
0x29b: {  	[tilespmem:s22], [sflag:$0x1] =	stream.indirect_vreg.gather [hbm4b:s6+s3], $0x80, v3, vm0, $0xb8;
	[tilespmem:$0x19000] =	vst v63  }
0x29c: {  	s13 =	simm.s32 $0x4800  }
0x29d: {  	[tilespmem:s13], [sflag:$0x1] =	stream.indirect_vreg.gather [hbm4b:s7+s3], $0x80, v3, vm0, $0xb8;
	[tilespmem:$0x19000] =	vst v63  }
0x29e: {  	_ =	swait.ge [sflag:s9], $0x4000  }
0x29f: {  	[sflag:s9] =	ssyncset.done $0x0  }
0x2a0: {  	[sflag:s9] =	ssyncadd.s32 $0xFFFFC000  }
0x2a1: {  	v3 =	vld [tilespmem:$0xC80];
	_ =	sdelay $0x4  }
0x2a2: {  	v57 =	vshll.u32 v3, $0x3  }
0x2a3: {  	v3 =	vand.u32 $0x7, v3;
	v4 =	vand.u32 $0xFFFFFFC0, v57  }
0x2a4: {  	v3 =	vor.u32 v3, v4  }
0x2a5: {  	v4 =	vperm.xlane v3, v0;
	_ =	sdelay $0x1  }
0x2a6: {  	v4 =	vadd.s32 v1, v4;
	_ =	sdelay $0x3  }
0x2a7: {  	s22 =	simm.s32 $0x5000  }
0x2a8: {  	[tilespmem:s22], [sflag:$0x2] =	stream.indirect_vreg.gather [hbm4b:s2+s3], $0x80, v4, vm0, $0xb8;
	[tilespmem:$0x19000] =	vst v63  }
0x2a9: {  	s13 =	simm.s32 $0x5800;
	v3 =	vperm.xlane v3, v2  }
0x2aa: {  	[tilespmem:s13], [sflag:$0x2] =	stream.indirect_vreg.gather [hbm4b:s5+s3], $0x80, v4, vm0, $0xb8;
	[tilespmem:$0x19000] =	vst v63  }
0x2ab: {  	v3 =	vadd.s32 v1, v3;
	s22 =	simm.s32 $0x6000  }
0x2ac: {  	[tilespmem:s22], [sflag:$0x2] =	stream.indirect_vreg.gather [hbm4b:s6+s3], $0x80, v4, vm0, $0xb8;
	[tilespmem:$0x19000] =	vst v63  }
0x2ad: {  	s13 =	simm.s32 $0x6800  }
0x2ae: {  	[tilespmem:s13], [sflag:$0x2] =	stream.indirect_vreg.gather [hbm4b:s7+s3], $0x80, v4, vm0, $0xb8;
	[tilespmem:$0x19000] =	vst v63  }
0x2af: {  	s13 =	simm.s32 $0x7000  }
0x2b0: {  	[tilespmem:s13], [sflag:$0x2] =	stream.indirect_vreg.gather [hbm4b:s2+s3], $0x80, v3, vm0, $0xb8;
	[tilespmem:$0x19000] =	vst v63  }
0x2b1: {  	s13 =	simm.s32 $0x7800  }
0x2b2: {  	[tilespmem:s13], [sflag:$0x2] =	stream.indirect_vreg.gather [hbm4b:s5+s3], $0x80, v3, vm0, $0xb8;
	[tilespmem:$0x19000] =	vst v63  }
0x2b3: {  	s13 =	simm.s32 $0x8000  }
0x2b4: {  	[tilespmem:s13], [sflag:$0x2] =	stream.indirect_vreg.gather [hbm4b:s6+s3], $0x80, v3, vm0, $0xb8;
	[tilespmem:$0x19000] =	vst v63  }
0x2b5: {  	s13 =	simm.s32 $0x8800  }
0x2b6: {  	[tilespmem:s13], [sflag:$0x2] =	stream.indirect_vreg.gather [hbm4b:s7+s3], $0x80, v3, vm0, $0xb8;
	[tilespmem:$0x19000] =	vst v63  }
0x2b7: {  	_ =	swait.ge [sflag:s4], $0x4000  }
0x2b8: {  	[sflag:s4] =	ssyncset.done $0x0  }
0x2b9: {  	s10 =	simm.s32 $0x9000;
	s13 =	rddreg [dreg:$0xe];
	[sflag:s4] =	ssyncadd.s32 $0xFFFFC000  }
0x2ba: {  	[hbm4b:s13+s3] =	stream.linear.scatter [tilespmem:s10], [sflag:$0x8], $0x8000, $0x38;
	[tilespmem:$0x19000] =	vst v63  }
0x2bb: {  	_ =	swait.ge [sflag:s29], $0x8000  }
0x2bc: {  	[sflag:s29] =	ssyncset.done $0x0  }
0x2bd: {  	[sflag:s29] =	ssyncadd.s32 $0xFFFF8000  }
0x2be: {  	v3 =	vld [tilespmem:$0xD00];
	_ =	sdelay $0x4  }
0x2bf: {  	v58 =	vshll.u32 v3, $0x3  }
0x2c0: {  	v3 =	vand.u32 $0x7, v3;
	v4 =	vand.u32 $0xFFFFFFC0, v58  }
0x2c1: {  	v3 =	vor.u32 v3, v4  }
0x2c2: {  	v4 =	vperm.xlane v3, v0;
	_ =	sdelay $0x1  }
0x2c3: {  	v4 =	vadd.s32 v1, v4;
	_ =	sdelay $0x4  }
0x2c4: {  	[tilespmem:s10], [sflag:$0x3] =	stream.indirect_vreg.gather [hbm4b:s2+s3], $0x80, v4, vm0, $0xb8;
	[tilespmem:$0x19000] =	vst v63  }
0x2c5: {  	s16 =	simm.s32 $0x9800;
	v3 =	vperm.xlane v3, v2  }
0x2c6: {  	[tilespmem:s16], [sflag:$0x3] =	stream.indirect_vreg.gather [hbm4b:s5+s3], $0x80, v4, vm0, $0xb8;
	[tilespmem:$0x19000] =	vst v63  }
0x2c7: {  	s8 =	simm.s32 $0xA000;
	v3 =	vadd.s32 v1, v3  }
0x2c8: {  	[tilespmem:s8], [sflag:$0x3] =	stream.indirect_vreg.gather [hbm4b:s6+s3], $0x80, v4, vm0, $0xb8;
	[tilespmem:$0x19000] =	vst v63  }
0x2c9: {  	s18 =	simm.s32 $0xA800  }
0x2ca: {  	[tilespmem:s18], [sflag:$0x3] =	stream.indirect_vreg.gather [hbm4b:s7+s3], $0x80, v4, vm0, $0xb8;
	[tilespmem:$0x19000] =	vst v63  }
0x2cb: {  	s19 =	simm.s32 $0xB000  }
0x2cc: {  	[tilespmem:s19], [sflag:$0x3] =	stream.indirect_vreg.gather [hbm4b:s2+s3], $0x80, v3, vm0, $0xb8;
	[tilespmem:$0x19000] =	vst v63  }
0x2cd: {  	s20 =	simm.s32 $0xB800  }
0x2ce: {  	[tilespmem:s20], [sflag:$0x3] =	stream.indirect_vreg.gather [hbm4b:s5+s3], $0x80, v3, vm0, $0xb8;
	[tilespmem:$0x19000] =	vst v63  }
0x2cf: {  	s15 =	simm.s32 $0xC000  }
0x2d0: {  	[tilespmem:s15], [sflag:$0x3] =	stream.indirect_vreg.gather [hbm4b:s6+s3], $0x80, v3, vm0, $0xb8;
	[tilespmem:$0x19000] =	vst v63  }
0x2d1: {  	s13 =	simm.s32 $0xC800  }
0x2d2: {  	[tilespmem:s13], [sflag:$0x3] =	stream.indirect_vreg.gather [hbm4b:s7+s3], $0x80, v3, vm0, $0xb8;
	[tilespmem:$0x19000] =	vst v63  }
0x2d3: {  	_ =	swait.ge [sflag:s30], $0x4000  }
0x2d4: {  	[sflag:s30] =	ssyncset.done $0x0  }
0x2d5: {  	[sflag:s30] =	ssyncadd.s32 $0xFFFFC000  }
0x2d6: {  	v3 =	vld [tilespmem:$0xD80];
	_ =	sdelay $0x4  }
0x2d7: {  	v59 =	vshll.u32 v3, $0x3  }
0x2d8: {  	v3 =	vand.u32 $0x7, v3;
	v4 =	vand.u32 $0xFFFFFFC0, v59  }
0x2d9: {  	v3 =	vor.u32 v3, v4  }
0x2da: {  	v4 =	vperm.xlane v3, v0;
	_ =	sdelay $0x1  }
0x2db: {  	v4 =	vadd.s32 v1, v4;
	_ =	sdelay $0x3  }
0x2dc: {  	s21 =	simm.s32 $0xD000  }
0x2dd: {  	[tilespmem:s21], [sflag:$0x4] =	stream.indirect_vreg.gather [hbm4b:s2+s3], $0x80, v4, vm0, $0xb8;
	[tilespmem:$0x19000] =	vst v63  }
0x2de: {  	s23 =	simm.s32 $0xD800;
	v3 =	vperm.xlane v3, v2  }
0x2df: {  	[tilespmem:s23], [sflag:$0x4] =	stream.indirect_vreg.gather [hbm4b:s5+s3], $0x80, v4, vm0, $0xb8;
	[tilespmem:$0x19000] =	vst v63  }
0x2e0: {  	s14 =	simm.s32 $0xE000;
	v3 =	vadd.s32 v1, v3  }
0x2e1: {  	[tilespmem:s14], [sflag:$0x4] =	stream.indirect_vreg.gather [hbm4b:s6+s3], $0x80, v4, vm0, $0xb8;
	[tilespmem:$0x19000] =	vst v63  }
0x2e2: {  	s17 =	simm.s32 $0xE800  }
0x2e3: {  	[tilespmem:s17], [sflag:$0x4] =	stream.indirect_vreg.gather [hbm4b:s7+s3], $0x80, v4, vm0, $0xb8;
	[tilespmem:$0x19000] =	vst v63  }
0x2e4: {  	s24 =	simm.s32 $0xF000  }
0x2e5: {  	[tilespmem:s24], [sflag:$0x4] =	stream.indirect_vreg.gather [hbm4b:s2+s3], $0x80, v3, vm0, $0xb8;
	[tilespmem:$0x19000] =	vst v63  }
0x2e6: {  	s26 =	simm.s32 $0xF800  }
0x2e7: {  	[tilespmem:s26], [sflag:$0x4] =	stream.indirect_vreg.gather [hbm4b:s5+s3], $0x80, v3, vm0, $0xb8;
	[tilespmem:$0x19000] =	vst v63  }
0x2e8: {  	s25 =	simm.s32 $0x10000  }
0x2e9: {  	[tilespmem:s25], [sflag:$0x4] =	stream.indirect_vreg.gather [hbm4b:s6+s3], $0x80, v3, vm0, $0xb8;
	[tilespmem:$0x19000] =	vst v63  }
0x2ea: {  	s14 =	simm.s32 $0x10800  }
0x2eb: {  	[tilespmem:s14], [sflag:$0x4] =	stream.indirect_vreg.gather [hbm4b:s7+s3], $0x80, v3, vm0, $0xb8;
	[tilespmem:$0x19000] =	vst v63  }
0x2ec: {  	_ =	swait.ge [sflag:s11], $0x4000  }
0x2ed: {  	[sflag:s11] =	ssyncset.done $0x0  }
0x2ee: {  	s16 =	simm.s32 $0x11000;
	s15 =	rddreg [dreg:$0xf];
	[sflag:s11] =	ssyncadd.s32 $0xFFFFC000  }
0x2ef: {  	[hbm4b:s15+s3] =	stream.linear.scatter [tilespmem:s16], [sflag:$0x9], $0x8000, $0x38;
	[tilespmem:$0x19000] =	vst v63  }
0x2f0: {  	_ =	swait.ge [sflag:s12], $0x8000  }
0x2f1: {  	[sflag:s12] =	ssyncset.done $0x0  }
0x2f2: {  	[sflag:s12] =	ssyncadd.s32 $0xFFFF8000  }
0x2f3: {  	v3 =	vld [tilespmem:$0xE00];
	_ =	sdelay $0x4  }
0x2f4: {  	v60 =	vshll.u32 v3, $0x3  }
0x2f5: {  	v3 =	vand.u32 $0x7, v3;
	v4 =	vand.u32 $0xFFFFFFC0, v60  }
0x2f6: {  	v3 =	vor.u32 v3, v4  }
0x2f7: {  	v4 =	vperm.xlane v3, v0;
	_ =	sdelay $0x1  }
0x2f8: {  	v4 =	vadd.s32 v1, v4;
	_ =	sdelay $0x4  }
0x2f9: {  	[tilespmem:s16], [sflag:$0x5] =	stream.indirect_vreg.gather [hbm4b:s2+s3], $0x80, v4, vm0, $0xb8;
	[tilespmem:$0x19000] =	vst v63  }
0x2fa: {  	s17 =	simm.s32 $0x11800;
	v3 =	vperm.xlane v3, v2  }
0x2fb: {  	[tilespmem:s17], [sflag:$0x5] =	stream.indirect_vreg.gather [hbm4b:s5+s3], $0x80, v4, vm0, $0xb8;
	[tilespmem:$0x19000] =	vst v63  }
0x2fc: {  	s18 =	simm.s32 $0x12000;
	v3 =	vadd.s32 v1, v3  }
0x2fd: {  	[tilespmem:s18], [sflag:$0x5] =	stream.indirect_vreg.gather [hbm4b:s6+s3], $0x80, v4, vm0, $0xb8;
	[tilespmem:$0x19000] =	vst v63  }
0x2fe: {  	s19 =	simm.s32 $0x12800  }
0x2ff: {  	[tilespmem:s19], [sflag:$0x5] =	stream.indirect_vreg.gather [hbm4b:s7+s3], $0x80, v4, vm0, $0xb8;
	[tilespmem:$0x19000] =	vst v63  }
0x300: {  	s20 =	simm.s32 $0x13000  }
0x301: {  	[tilespmem:s20], [sflag:$0x5] =	stream.indirect_vreg.gather [hbm4b:s2+s3], $0x80, v3, vm0, $0xb8;
	[tilespmem:$0x19000] =	vst v63  }
0x302: {  	s21 =	simm.s32 $0x13800  }
0x303: {  	[tilespmem:s21], [sflag:$0x5] =	stream.indirect_vreg.gather [hbm4b:s5+s3], $0x80, v3, vm0, $0xb8;
	[tilespmem:$0x19000] =	vst v63  }
0x304: {  	s23 =	simm.s32 $0x14000  }
0x305: {  	[tilespmem:s23], [sflag:$0x5] =	stream.indirect_vreg.gather [hbm4b:s6+s3], $0x80, v3, vm0, $0xb8;
	[tilespmem:$0x19000] =	vst v63  }
0x306: {  	s24 =	simm.s32 $0x14800  }
0x307: {  	[tilespmem:s24], [sflag:$0x5] =	stream.indirect_vreg.gather [hbm4b:s7+s3], $0x80, v3, vm0, $0xb8;
	[tilespmem:$0x19000] =	vst v63  }
0x308: {  	_ =	swait.ge [sflag:s28], $0x4000  }
0x309: {  	[sflag:s28] =	ssyncset.done $0x0  }
0x30a: {  	[sflag:s28] =	ssyncadd.s32 $0xFFFFC000  }
0x30b: {  	v3 =	vld [tilespmem:$0xE80];
	_ =	sdelay $0x4  }
0x30c: {  	v61 =	vshll.u32 v3, $0x3  }
0x30d: {  	v3 =	vand.u32 $0x7, v3;
	v4 =	vand.u32 $0xFFFFFFC0, v61  }
0x30e: {  	v3 =	vor.u32 v3, v4  }
0x30f: {  	v4 =	vperm.xlane v3, v0;
	_ =	sdelay $0x1  }
0x310: {  	v4 =	vadd.s32 v1, v4;
	_ =	sdelay $0x3  }
0x311: {  	s25 =	simm.s32 $0x15000  }
0x312: {  	[tilespmem:s25], [sflag:$0x6] =	stream.indirect_vreg.gather [hbm4b:s2+s3], $0x80, v4, vm0, $0xb8;
	[tilespmem:$0x19000] =	vst v63  }
0x313: {  	s26 =	simm.s32 $0x15800;
	v3 =	vperm.xlane v3, v2  }
0x314: {  	[tilespmem:s26], [sflag:$0x6] =	stream.indirect_vreg.gather [hbm4b:s5+s3], $0x80, v4, vm0, $0xb8;
	[tilespmem:$0x19000] =	vst v63  }
0x315: {  	s13 =	simm.s32 $0x16000;
	v3 =	vadd.s32 v1, v3  }
0x316: {  	[tilespmem:s13], [sflag:$0x6] =	stream.indirect_vreg.gather [hbm4b:s6+s3], $0x80, v4, vm0, $0xb8;
	[tilespmem:$0x19000] =	vst v63  }
0x317: {  	s15 =	simm.s32 $0x16800  }
0x318: {  	[tilespmem:s15], [sflag:$0x6] =	stream.indirect_vreg.gather [hbm4b:s7+s3], $0x80, v4, vm0, $0xb8;
	[tilespmem:$0x19000] =	vst v63  }
0x319: {  	s16 =	simm.s32 $0x17000  }
0x31a: {  	[tilespmem:s16], [sflag:$0x6] =	stream.indirect_vreg.gather [hbm4b:s2+s3], $0x80, v3, vm0, $0xb8;
	[tilespmem:$0x19000] =	vst v63  }
0x31b: {  	s17 =	simm.s32 $0x17800  }
0x31c: {  	[tilespmem:s17], [sflag:$0x6] =	stream.indirect_vreg.gather [hbm4b:s5+s3], $0x80, v3, vm0, $0xb8;
	[tilespmem:$0x19000] =	vst v63  }
0x31d: {  	s18 =	simm.s32 $0x18000  }
0x31e: {  	[tilespmem:s18], [sflag:$0x6] =	stream.indirect_vreg.gather [hbm4b:s6+s3], $0x80, v3, vm0, $0xb8;
	[tilespmem:$0x19000] =	vst v63  }
0x31f: {  	s19 =	simm.s32 $0x18800  }
0x320: {  	[tilespmem:s19], [sflag:$0x6] =	stream.indirect_vreg.gather [hbm4b:s7+s3], $0x80, v3, vm0, $0xb8;
	[tilespmem:$0x19000] =	vst v63  }
0x321: {  	_ =	swait.ge [sflag:s31], $0x4000  }
0x322: {  	[sflag:s31] =	ssyncset.done $0x0  }
0x323: {  	s0 =	simm.s32 $0x1000;
	s20 =	rddreg [dreg:$0x10];
	[sflag:s31] =	ssyncadd.s32 $0xFFFFC000  }
0x324: {  	[hbm4b:s20+s3] =	stream.linear.scatter [tilespmem:s0], [sflag:$0x7], $0x8000, $0x38;
	[tilespmem:$0x19000] =	vst v63  }
0x325: {  	_ =	swait.ge [sflag:s1], $0x8000  }
0x326: {  	[sflag:s1] =	ssyncset.done $0x0  }
0x327: {  	[sflag:s1] =	ssyncadd.s32 $0xFFFF8000  }
0x328: {  	v3 =	vld [tilespmem:$0xF00];
	_ =	sdelay $0x4  }
0x329: {  	v62 =	vshll.u32 v3, $0x3  }
0x32a: {  	v3 =	vand.u32 $0x7, v3;
	v4 =	vand.u32 $0xFFFFFFC0, v62  }
0x32b: {  	v3 =	vor.u32 v3, v4  }
0x32c: {  	v4 =	vperm.xlane v3, v0;
	_ =	sdelay $0x1  }
0x32d: {  	v4 =	vadd.s32 v1, v4;
	_ =	sdelay $0x4  }
0x32e: {  	[tilespmem:s0], [sflag:$0x1] =	stream.indirect_vreg.gather [hbm4b:s2+s3], $0x80, v4, vm0, $0xb8;
	[tilespmem:$0x19000] =	vst v63  }
0x32f: {  	s21 =	simm.s32 $0x1800;
	v3 =	vperm.xlane v3, v2  }
0x330: {  	[tilespmem:s21], [sflag:$0x1] =	stream.indirect_vreg.gather [hbm4b:s5+s3], $0x80, v4, vm0, $0xb8;
	[tilespmem:$0x19000] =	vst v63  }
0x331: {  	s23 =	simm.s32 $0x2000;
	v3 =	vadd.s32 v1, v3  }
0x332: {  	[tilespmem:s23], [sflag:$0x1] =	stream.indirect_vreg.gather [hbm4b:s6+s3], $0x80, v4, vm0, $0xb8;
	[tilespmem:$0x19000] =	vst v63  }
0x333: {  	s24 =	simm.s32 $0x2800  }
0x334: {  	[tilespmem:s24], [sflag:$0x1] =	stream.indirect_vreg.gather [hbm4b:s7+s3], $0x80, v4, vm0, $0xb8;
	[tilespmem:$0x19000] =	vst v63  }
0x335: {  	s25 =	simm.s32 $0x3000  }
0x336: {  	[tilespmem:s25], [sflag:$0x1] =	stream.indirect_vreg.gather [hbm4b:s2+s3], $0x80, v3, vm0, $0xb8;
	[tilespmem:$0x19000] =	vst v63  }
0x337: {  	s26 =	simm.s32 $0x3800  }
0x338: {  	[tilespmem:s26], [sflag:$0x1] =	stream.indirect_vreg.gather [hbm4b:s5+s3], $0x80, v3, vm0, $0xb8;
	[tilespmem:$0x19000] =	vst v63  }
0x339: {  	s13 =	simm.s32 $0x4000  }
0x33a: {  	[tilespmem:s13], [sflag:$0x1] =	stream.indirect_vreg.gather [hbm4b:s6+s3], $0x80, v3, vm0, $0xb8;
	[tilespmem:$0x19000] =	vst v63  }
0x33b: {  	s15 =	simm.s32 $0x4800  }
0x33c: {  	[tilespmem:s15], [sflag:$0x1] =	stream.indirect_vreg.gather [hbm4b:s7+s3], $0x80, v3, vm0, $0xb8;
	[tilespmem:$0x19000] =	vst v63  }
0x33d: {  	_ =	swait.ge [sflag:s9], $0x4000  }
0x33e: {  	[sflag:s9] =	ssyncset.done $0x0  }
0x33f: {  	[sflag:s9] =	ssyncadd.s32 $0xFFFFC000  }
0x340: {  	v3 =	vld [tilespmem:$0xF80];
	_ =	sdelay $0x4  }
0x341: {  	v63 =	vshll.u32 v3, $0x3  }
0x342: {  	v3 =	vand.u32 $0x7, v3;
	v4 =	vand.u32 $0xFFFFFFC0, v63  }
0x343: {  	v3 =	vor.u32 v3, v4  }
0x344: {  	v4 =	vperm.xlane v3, v0;
	_ =	sdelay $0x1  }
0x345: {  	v4 =	vadd.s32 v1, v4;
	_ =	sdelay $0x3  }
0x346: {  	s16 =	simm.s32 $0x5000  }
0x347: {  	[tilespmem:s16], [sflag:$0x2] =	stream.indirect_vreg.gather [hbm4b:s2+s3], $0x80, v4, vm0, $0xb8;
	[tilespmem:$0x19000] =	vst v63  }
0x348: {  	s17 =	simm.s32 $0x5800;
	v3 =	vperm.xlane v3, v2  }
0x349: {  	[tilespmem:s17], [sflag:$0x2] =	stream.indirect_vreg.gather [hbm4b:s5+s3], $0x80, v4, vm0, $0xb8;
	[tilespmem:$0x19000] =	vst v63  }
0x34a: {  	s22 =	simm.s32 $0x6000;
	v3 =	vadd.s32 v1, v3  }
0x34b: {  	[tilespmem:s22], [sflag:$0x2] =	stream.indirect_vreg.gather [hbm4b:s6+s3], $0x80, v4, vm0, $0xb8;
	[tilespmem:$0x19000] =	vst v63  }
0x34c: {  	s18 =	simm.s32 $0x6800  }
0x34d: {  	[tilespmem:s18], [sflag:$0x2] =	stream.indirect_vreg.gather [hbm4b:s7+s3], $0x80, v4, vm0, $0xb8;
	[tilespmem:$0x19000] =	vst v63  }
0x34e: {  	s19 =	simm.s32 $0x7000  }
0x34f: {  	[tilespmem:s19], [sflag:$0x2] =	stream.indirect_vreg.gather [hbm4b:s2+s3], $0x80, v3, vm0, $0xb8;
	[tilespmem:$0x19000] =	vst v63  }
0x350: {  	s20 =	simm.s32 $0x7800  }
0x351: {  	[tilespmem:s20], [sflag:$0x2] =	stream.indirect_vreg.gather [hbm4b:s5+s3], $0x80, v3, vm0, $0xb8;
	[tilespmem:$0x19000] =	vst v63  }
0x352: {  	s21 =	simm.s32 $0x8000  }
0x353: {  	[tilespmem:s21], [sflag:$0x2] =	stream.indirect_vreg.gather [hbm4b:s6+s3], $0x80, v3, vm0, $0xb8;
	[tilespmem:$0x19000] =	vst v63  }
0x354: {  	s22 =	simm.s32 $0x8800  }
0x355: {  	[tilespmem:s22], [sflag:$0x2] =	stream.indirect_vreg.gather [hbm4b:s7+s3], $0x80, v3, vm0, $0xb8;
	[tilespmem:$0x19000] =	vst v63  }
0x356: {  	_ =	swait.ge [sflag:s4], $0x4000  }
0x357: {  	[sflag:s4] =	ssyncset.done $0x0  }
0x358: {  	s10 =	simm.s32 $0x9000;
	s23 =	rddreg [dreg:$0x11];
	[sflag:s4] =	ssyncadd.s32 $0xFFFFC000  }
0x359: {  	[hbm4b:s23+s3] =	stream.linear.scatter [tilespmem:s10], [sflag:$0x8], $0x8000, $0x38;
	[tilespmem:$0x19000] =	vst v63  }
0x35a: {  	_ =	swait.ge [sflag:s30], $0x4000  }
0x35b: {  	[sflag:s30] =	ssyncset.done $0x0  }
0x35c: {  	[sflag:s30] =	ssyncadd.s32 $0xFFFFC000  }
0x35d: {  	_ =	swait.ge [sflag:s11], $0x4000  }
0x35e: {  	[sflag:s11] =	ssyncset.done $0x0  }
0x35f: {  	s14 =	simm.s32 $0x11000;
	s24 =	rddreg [dreg:$0x12];
	[sflag:s11] =	ssyncadd.s32 $0xFFFFC000  }
0x360: {  	[hbm4b:s24+s3] =	stream.linear.scatter [tilespmem:s14], [sflag:$0x9], $0x8000, $0x38;
	[tilespmem:$0x19000] =	vst v63  }
0x361: {  	_ =	swait.ge [sflag:s28], $0x4000  }
0x362: {  	[sflag:s28] =	ssyncset.done $0x0  }
0x363: {  	[sflag:s28] =	ssyncadd.s32 $0xFFFFC000  }
0x364: {  	_ =	swait.ge [sflag:s31], $0x4000  }
0x365: {  	[sflag:s31] =	ssyncset.done $0x0  }
0x366: {  	s25 =	rddreg [dreg:$0x13];
	[sflag:s31] =	ssyncadd.s32 $0xFFFFC000  }
0x367: {  	[hbm4b:s25+s3] =	stream.linear.scatter [tilespmem:s0], [sflag:$0x7], $0x8000, $0x38;
	[tilespmem:$0x19000] =	vst v63  }
0x368: {  	s26 =	rddreg [dreg:$0x15];
	_ =	swait.ge [sflag:s1], $0x8000  }
0x369: {  	[sflag:s1] =	ssyncset.done $0x0  }
0x36a: {  	[sflag:s1] =	ssyncadd.s32 $0xFFFF8000  }
0x36b: {  	p0 =	sne.s32 s26, $0x1;
	_ =	swait.ge [sflag:s29], $0x8000  }
.Ltmp0:
0x36c: {  	[sflag:s29] =	ssyncset.done $0x0;
	(pc) =	sbr.rel @p0 .LBB2_1-.Ltmp0, $4  }
0x36d: {  	[sflag:s29] =	ssyncadd.s32 $0xFFFF8000  }
0x36e: {  	_ =	swait.ge [sflag:s12], $0x8000  }
0x36f: {  	[sflag:s12] =	ssyncset.done $0x0  }
0x370: {  	s8 =	sadd.s32 $0xFFFFFFFF, s26;
	[sflag:s12] =	ssyncadd.s32 $0xFFFF8000  }
0x371: {  	_ =	sfence.sel $0x180000  }
0x372: {  	[bflag:$0x0] =	sbarrier.arrive $0xFFFF  }
0x373: {  	_ =	strace $0x90000047  }
0x374: {  	s0 =	stileid.u32;
	[bflag:$0x2] =	sbarrier.arrive $0xFFFF  }
0x375: {  	p0 =	sne.s32 s0, $0x0;
	s0 =	rddreg [dreg:$0x3]  }
0x376: {  	s0 =	sadd.s32 @!p0 $0x100000, s0  }
0x377: {  	[sflag:s0] =	ssyncadd.tile.s32 @!p0 $0x1;
	_ =	shalt  }
.Lfunc_end2:
_tile_overlayer_lowered:
.L_overlay_start_2:
0x378: {  	(tag) =	ssettag $0x2  }
0x379: {  	s0 =	rddreg [dreg:$0x0];
	s2 =	stileid.u32  }
0x37a: {  	s1 =	rddreg [dreg:$0x1];
	p0 =	sne.s32 s2, $0x0  }
0x37b: {  	s3 =	rddreg [dreg:$0x2];
	[bflag:$0x3] =	sbarrier.arrive $0xFFFF;
	s2 =	simm.s32 @!p0 $0x1C0A  }
0x37c: {  	[timem:s3], [sflag:s2] =	dma.local @!p0 [hbm:s0], s1  }
0x37d: {  	s0 =	simm.s32 @!p0 $0xA  }
0x37e: {  	_ =	swait.ge @!p0 [sflag:s0], s1  }
0x37f: {  	s1 =	ssub.s32 @!p0 $0x0, s1;
	[sflag:s0] =	ssyncset.done @!p0 $0x0  }
0x380: {  	[sflag:s0] =	ssyncadd.s32 @!p0 s1  }
0x381: {  	[bflag:$0x3] =	sbarrier.arrive $0xFFFF  }
0x382: {  	_ =	shalt  }

</sc_bundles>
